<compile_context>
chip_gen: v7x
topology: tpu7x:2x2x1
jax: 0.10.2.dev20260603
libtpu: 0.0.44.dev20260713+nightly
codegen_flags: <defaults>
</compile_context>

<pallas_src>
import functools

import jax
import jax.numpy as jnp
from jax import lax
from jax.experimental import pallas as pl
from jax.experimental.pallas import tpu as pltpu
from jax.experimental.pallas import tpu_sc as plsc

B, S, F, V = 16, 256, 4096, 30
L = 16
NSC = 16
EV = 2
HI = V - L


def _body(extra, vlab, rs, vlen, out,
          vlab_v, rs_v, win_v, pad_v, shared, sum_v, vlen_v, out_v, sem):
    sid = lax.axis_index("s")

    d0 = pltpu.async_copy(vlab, vlab_v, sem)
    d1 = pltpu.async_copy(rs, rs_v, sem)
    d2 = pltpu.async_copy(vlen, vlen_v, sem)
    d0.wait()
    d1.wait()
    d2.wait()

    starts = (0, HI)
    dup = 2 * L - V
    descs = {}
    for i in range(EV):
        sv = (vlab_v[sid, pl.ds(starts[i], L)] >> 3) << 3
        fv = (rs_v[sid, pl.ds(starts[i], L)] >> 7) << 7
        for k in range(dup if i else 0, L):
            descs[i * L + k] = pltpu.async_copy(
                extra.at[sid,
                         pl.ds(pl.multiple_of(sv[k], 8), 8),
                         pl.ds(pl.multiple_of(fv[k], 128), 128)],
                win_v.at[pl.ds((i * L + k) * 8, 8)], sem)

    acc0 = jnp.zeros((L,), jnp.float32)
    acc1 = jnp.zeros((L,), jnp.float32)
    ii = lax.iota(jnp.int32, L)
    for i in range(EV):
        vlv = vlab_v[sid, pl.ds(starts[i], L)]
        fv = rs_v[sid, pl.ds(starts[i], L)]
        subl = vlv & 7
        col0 = (fv & 127) & ~(L - 1)
        lane = jnp.where(vlv != 0, fv & (L - 1), L)
        for k in range(dup if i else 0, L):
            descs[i * L + k].wait()
            row = win_v[(i * L + k) * 8 + subl[k], pl.ds(col0[k], L)]
            if k % 2:
                acc1 = acc1 + jnp.where(ii == lane[k], row, 0.0)
            else:
                acc0 = acc0 + jnp.where(ii == lane[k], row, 0.0)

    pad_v[0, pl.ds(0, L)] = acc0 + acc1
    pltpu.sync_copy(pad_v, shared.at[sid])
    plsc.subcore_barrier()

    @pl.when(sid == 0)
    def _():
        pltpu.sync_copy(shared.at[:, pl.ds(0, 1), :], sum_v)
        tot = sum_v[0, 0, pl.ds(0, L)]
        for t in range(1, NSC):
            tot = tot + sum_v[t, 0, pl.ds(0, L)]
        nv = vlen_v[...]
        total = tot[0]
        norm = nv[0]
        for i in range(1, L):
            total = total + tot[i]
            norm = norm + nv[i]
        tvec = jnp.full((L,), total, jnp.float32)
        nvec = jnp.full((L,), norm, jnp.float32)
        out_v[...] = -tvec / nvec
        pltpu.sync_copy(out_v, out)


@functools.cache
def _get_call():
    return pl.kernel(
        _body,
        out_type=jax.ShapeDtypeStruct((L,), jnp.float32),
        mesh=plsc.VectorSubcoreMesh(core_axis_name="c", subcore_axis_name="s",
                                    num_cores=1),
        compiler_params=pltpu.CompilerParams(use_tc_tiling_on_sc=True),
        scratch_types=[
            pltpu.VMEM((B, V), jnp.int32),
            pltpu.VMEM((B, V), jnp.int32),
            pltpu.VMEM((EV * L * 8, 128), jnp.float32),
            pltpu.VMEM((8, 128), jnp.float32),
            pltpu.VMEM_SHARED((NSC, 8, 128), jnp.float32),
            pltpu.VMEM((NSC, 1, 128), jnp.float32),
            pltpu.VMEM((L,), jnp.int32),
            pltpu.VMEM((L,), jnp.float32),
            pltpu.SemaphoreType.DMA,
        ],
    )


def kernel(log_pa, score, v_label, v_l, role_label, roleset_id, extra):
    out = _get_call()(extra, v_label.astype(jnp.int32),
                      roleset_id.astype(jnp.int32), v_l.astype(jnp.int32))
    return out[0]

# --- scband reference (transcript-rebuilt; emitter-appended) ---
"""Pipeline reference for scband-frame-loss-13855564497399 (READ-ONLY COPY).

The authoritative reference and input builder live on the scoring server;
editing this copy changes nothing except your own understanding.
"""

import jax, jax.numpy as jnp
import numpy as np

B, S, F, V = 16, 256, 4096, 30

def setup_inputs(seed: int = 0) -> dict:
    key = jax.random.key(seed)
    ks = jax.random.split(key, 7)
    log_pa = jax.random.normal(ks[0], (B, S, 32), dtype=jnp.float32)
    score = jax.random.normal(ks[1], (B, S), dtype=jnp.float32)
    v_label = jax.random.randint(ks[2], (B, V), 0, S)
    v_l = jax.random.randint(ks[3], (B,), 1, V + 1)
    role_label = jax.random.randint(ks[4], (B, V), 0, 100)
    roleset_id = jax.random.randint(ks[5], (B, V), 0, F)
    extra = jax.random.normal(ks[6], (B, S, F), dtype=jnp.float32)
    return {"log_pa": log_pa, "score": score, "v_label": v_label, "v_l": v_l,
            "role_label": role_label, "roleset_id": roleset_id, "extra": extra}

def reference(log_pa, score, v_label, v_l, role_label, roleset_id, extra):
    # extra corresponds to extra['frame'] in the torch module: log_frame [B, S, F]
    log_frame = extra
    # batch_index1_select(log_frame, v_label): gather predicate positions along seq dim
    log_v_frame = jnp.take_along_axis(log_frame, v_label[:, :, None], axis=1)  # [B, V, F]
    # gather the gold roleset log-prob for each predicate
    loss_v_frame = -jnp.take_along_axis(log_v_frame, roleset_id[:, :, None], axis=-1)[..., 0]  # [B, V]
    v_mask = (v_label != 0).astype(jnp.float32)
    loss = (loss_v_frame * v_mask).sum()
    normalizer = v_l.sum().astype(jnp.float32)  # use_gold_predicate == 1 path
    return loss / normalizer

if __name__ == "__main__":
    import jax
    _d = setup_inputs()
    print(jax.jit(kernel)(*tuple(_d.values())))

</pallas_src>

<mosaic_0001>
#map = affine_map<(d0, d1) -> (0, 0, 0)>
#map1 = affine_map<(d0, d1) -> (0, 0)>
#map2 = affine_map<(d0, d1) -> (0)>
module attributes {stable_mosaic.version = 14 : i64} {
  func.func @_body(%arg0: i32, %arg1: i32, %arg2: memref<16x256x4096xf32, #tpu.memory_space<hbm>>, %arg3: memref<16x30xi32, #tpu.memory_space<hbm>>, %arg4: memref<16x30xi32, #tpu.memory_space<hbm>>, %arg5: memref<16xi32, #tpu.memory_space<hbm>>, %arg6: memref<16xf32, #tpu.memory_space<hbm>>, %arg7: memref<16x30xi32, #tpu.memory_space<vmem>>, %arg8: memref<16x30xi32, #tpu.memory_space<vmem>>, %arg9: memref<256x128xf32, #tpu.memory_space<vmem>>, %arg10: memref<8x128xf32, #tpu.memory_space<vmem>>, %arg11: memref<16x8x128xf32, #tpu.memory_space<vmem_shared>>, %arg12: memref<16x1x128xf32, #tpu.memory_space<vmem>>, %arg13: memref<16xi32, #tpu.memory_space<vmem>>, %arg14: memref<16xf32, #tpu.memory_space<vmem>>, %arg15: memref<!tpu.dma_semaphore, #tpu.memory_space<semaphore_mem>>) attributes {dimension_semantics = [#tpu.dimension_semantics<core_parallel>, #tpu.dimension_semantics<subcore_parallel>], iteration_bounds = array<i64: 1, 16>, scalar_prefetch = 0 : i64, scratch_operands = 9 : i64, tpu.core_type = #tpu.core_type<sc_vector_subcore>, window_params = [{transform_indices = #map}, {transform_indices = #map1}, {transform_indices = #map1}, {transform_indices = #map2}, {transform_indices = #map2}]} {
    tpu.enqueue_dma source(%arg3 : memref<16x30xi32, #tpu.memory_space<hbm>>) target(%arg7 : memref<16x30xi32, #tpu.memory_space<vmem>>) target_semaphore(%arg15 : memref<!tpu.dma_semaphore, #tpu.memory_space<semaphore_mem>>)
    tpu.enqueue_dma source(%arg4 : memref<16x30xi32, #tpu.memory_space<hbm>>) target(%arg8 : memref<16x30xi32, #tpu.memory_space<vmem>>) target_semaphore(%arg15 : memref<!tpu.dma_semaphore, #tpu.memory_space<semaphore_mem>>)
    tpu.enqueue_dma source(%arg5 : memref<16xi32, #tpu.memory_space<hbm>>) target(%arg13 : memref<16xi32, #tpu.memory_space<vmem>>) target_semaphore(%arg15 : memref<!tpu.dma_semaphore, #tpu.memory_space<semaphore_mem>>)
    tpu.wait_dma2 semaphore(%arg15 : memref<!tpu.dma_semaphore, #tpu.memory_space<semaphore_mem>>) src(%arg3 : memref<16x30xi32, #tpu.memory_space<hbm>>) dst(%arg7 : memref<16x30xi32, #tpu.memory_space<vmem>>)
    tpu.wait_dma2 semaphore(%arg15 : memref<!tpu.dma_semaphore, #tpu.memory_space<semaphore_mem>>) src(%arg4 : memref<16x30xi32, #tpu.memory_space<hbm>>) dst(%arg8 : memref<16x30xi32, #tpu.memory_space<vmem>>)
    tpu.wait_dma2 semaphore(%arg15 : memref<!tpu.dma_semaphore, #tpu.memory_space<semaphore_mem>>) src(%arg5 : memref<16xi32, #tpu.memory_space<hbm>>) dst(%arg13 : memref<16xi32, #tpu.memory_space<vmem>>)
    %get3A = arith.index_cast %arg1 : i32 to index
    %get3A_0 = arith.constant 0 : index
    %get3A_1 = tpu.vector_load %arg7[%get3A, %get3A_0] {strides = array<i32>} : memref<16x30xi32, #tpu.memory_space<vmem>>, vector<1x16xi32>,
    %get3A_2 = vector.shape_cast %get3A_1 : vector<1x16xi32> to vector<16xi32>
    %shift_right_arithmetic3A = arith.constant 3 : i32
    %shift_right_arithmetic3A_3 = vector.broadcast %shift_right_arithmetic3A : i32 to vector<16xi32>
    %shift_right_arithmetic3A_4 = arith.shrsi %get3A_2, %shift_right_arithmetic3A_3 : vector<16xi32>
    %shift_left3A = arith.constant 3 : i32
    %shift_left3A_5 = vector.broadcast %shift_left3A : i32 to vector<16xi32>
    %shift_left3A_6 = arith.shli %shift_right_arithmetic3A_4, %shift_left3A_5 : vector<16xi32>
    %get3A_7 = arith.index_cast %arg1 : i32 to index
    %get3A_8 = arith.constant 0 : index
    %get3A_9 = tpu.vector_load %arg8[%get3A_7, %get3A_8] {strides = array<i32>} : memref<16x30xi32, #tpu.memory_space<vmem>>, vector<1x16xi32>,
    %get3A_10 = vector.shape_cast %get3A_9 : vector<1x16xi32> to vector<16xi32>
    %shift_right_arithmetic3A_11 = arith.constant 7 : i32
    %shift_right_arithmetic3A_12 = vector.broadcast %shift_right_arithmetic3A_11 : i32 to vector<16xi32>
    %shift_right_arithmetic3A_13 = arith.shrsi %get3A_10, %shift_right_arithmetic3A_12 : vector<16xi32>
    %shift_left3A_14 = arith.constant 7 : i32
    %shift_left3A_15 = vector.broadcast %shift_left3A_14 : i32 to vector<16xi32>
    %shift_left3A_16 = arith.shli %shift_right_arithmetic3A_13, %shift_left3A_15 : vector<16xi32>
    %slice3A = vector.extract_strided_slice %shift_left3A_6 {offsets = [0], sizes = [1], strides = [1]} : vector<16xi32> to vector<1xi32>
    %squeeze3A = vector.extract %slice3A[0] : i32 from vector<1xi32>
    %multiple_of3A = tpu.assume_multiple %squeeze3A, 8 : i32
    %slice3A_17 = vector.extract_strided_slice %shift_left3A_16 {offsets = [0], sizes = [1], strides = [1]} : vector<16xi32> to vector<1xi32>
    %squeeze3A_18 = vector.extract %slice3A_17[0] : i32 from vector<1xi32>
    %multiple_of3A_19 = tpu.assume_multiple %squeeze3A_18, 128 : i32
    %dma_start3A = arith.constant 0 : i32
    %dma_start3A_20 = arith.constant 0 : i32
    %dma_start3A_21 = tpu.memref_slice %arg9[%dma_start3A, %dma_start3A_20] : memref<256x128xf32, #tpu.memory_space<vmem>> -> memref<8x128xf32, #tpu.memory_space<vmem>>
    %dma_start3A_22 = tpu.memref_slice %arg2[%arg1, %multiple_of3A, %multiple_of3A_19] : memref<16x256x4096xf32, #tpu.memory_space<hbm>> -> memref<1x8x128xf32, #tpu.memory_space<hbm>>
    %dma_start3A_23 = tpu.memref_squeeze %dma_start3A_22 : memref<1x8x128xf32, #tpu.memory_space<hbm>> -> memref<8x128xf32, #tpu.memory_space<hbm>>
    %dma_start3A_24 = arith.constant 0 : i32
    %dma_start3A_25 = arith.constant 0 : i32
    %dma_start3A_26 = tpu.memref_slice %arg9[%dma_start3A_24, %dma_start3A_25] : memref<256x128xf32, #tpu.memory_space<vmem>> -> memref<8x128xf32, #tpu.memory_space<vmem>>
    %dma_start3A_27 = tpu.memref_slice %arg2[%arg1, %multiple_of3A, %multiple_of3A_19] : memref<16x256x4096xf32, #tpu.memory_space<hbm>> -> memref<1x8x128xf32, #tpu.memory_space<hbm>>
    %dma_start3A_28 = tpu.memref_squeeze %dma_start3A_27 : memref<1x8x128xf32, #tpu.memory_space<hbm>> -> memref<8x128xf32, #tpu.memory_space<hbm>>
    tpu.enqueue_dma source(%dma_start3A_28 : memref<8x128xf32, #tpu.memory_space<hbm>>) target(%dma_start3A_26 : memref<8x128xf32, #tpu.memory_space<vmem>>) target_semaphore(%arg15 : memref<!tpu.dma_semaphore, #tpu.memory_space<semaphore_mem>>)
    %slice3A_29 = vector.extract_strided_slice %shift_left3A_6 {offsets = [1], sizes = [1], strides = [1]} : vector<16xi32> to vector<1xi32>
    %squeeze3A_30 = vector.extract %slice3A_29[0] : i32 from vector<1xi32>
    %multiple_of3A_31 = tpu.assume_multiple %squeeze3A_30, 8 : i32
    %slice3A_32 = vector.extract_strided_slice %shift_left3A_16 {offsets = [1], sizes = [1], strides = [1]} : vector<16xi32> to vector<1xi32>
    %squeeze3A_33 = vector.extract %slice3A_32[0] : i32 from vector<1xi32>
    %multiple_of3A_34 = tpu.assume_multiple %squeeze3A_33, 128 : i32
    %dma_start3A_35 = arith.constant 8 : i32
    %dma_start3A_36 = arith.constant 0 : i32
    %dma_start3A_37 = tpu.memref_slice %arg9[%dma_start3A_35, %dma_start3A_36] : memref<256x128xf32, #tpu.memory_space<vmem>> -> memref<8x128xf32, #tpu.memory_space<vmem>>
    %dma_start3A_38 = tpu.memref_slice %arg2[%arg1, %multiple_of3A_31, %multiple_of3A_34] : memref<16x256x4096xf32, #tpu.memory_space<hbm>> -> memref<1x8x128xf32, #tpu.memory_space<hbm>>
    %dma_start3A_39 = tpu.memref_squeeze %dma_start3A_38 : memref<1x8x128xf32, #tpu.memory_space<hbm>> -> memref<8x128xf32, #tpu.memory_space<hbm>>
    %dma_start3A_40 = arith.constant 8 : i32
    %dma_start3A_41 = arith.constant 0 : i32
    %dma_start3A_42 = tpu.memref_slice %arg9[%dma_start3A_40, %dma_start3A_41] : memref<256x128xf32, #tpu.memory_space<vmem>> -> memref<8x128xf32, #tpu.memory_space<vmem>>
    %dma_start3A_43 = tpu.memref_slice %arg2[%arg1, %multiple_of3A_31, %multiple_of3A_34] : memref<16x256x4096xf32, #tpu.memory_space<hbm>> -> memref<1x8x128xf32, #tpu.memory_space<hbm>>
    %dma_start3A_44 = tpu.memref_squeeze %dma_start3A_43 : memref<1x8x128xf32, #tpu.memory_space<hbm>> -> memref<8x128xf32, #tpu.memory_space<hbm>>
    tpu.enqueue_dma source(%dma_start3A_44 : memref<8x128xf32, #tpu.memory_space<hbm>>) target(%dma_start3A_42 : memref<8x128xf32, #tpu.memory_space<vmem>>) target_semaphore(%arg15 : memref<!tpu.dma_semaphore, #tpu.memory_space<semaphore_mem>>)
    %slice3A_45 = vector.extract_strided_slice %shift_left3A_6 {offsets = [2], sizes = [1], strides = [1]} : vector<16xi32> to vector<1xi32>
    %squeeze3A_46 = vector.extract %slice3A_45[0] : i32 from vector<1xi32>
    %multiple_of3A_47 = tpu.assume_multiple %squeeze3A_46, 8 : i32
    %slice3A_48 = vector.extract_strided_slice %shift_left3A_16 {offsets = [2], sizes = [1], strides = [1]} : vector<16xi32> to vector<1xi32>
    %squeeze3A_49 = vector.extract %slice3A_48[0] : i32 from vector<1xi32>
    %multiple_of3A_50 = tpu.assume_multiple %squeeze3A_49, 128 : i32
    %dma_start3A_51 = arith.constant 16 : i32
    %dma_start3A_52 = arith.constant 0 : i32
    %dma_start3A_53 = tpu.memref_slice %arg9[%dma_start3A_51, %dma_start3A_52] : memref<256x128xf32, #tpu.memory_space<vmem>> -> memref<8x128xf32, #tpu.memory_space<vmem>>
    %dma_start3A_54 = tpu.memref_slice %arg2[%arg1, %multiple_of3A_47, %multiple_of3A_50] : memref<16x256x4096xf32, #tpu.memory_space<hbm>> -> memref<1x8x128xf32, #tpu.memory_space<hbm>>
    %dma_start3A_55 = tpu.memref_squeeze %dma_start3A_54 : memref<1x8x128xf32, #tpu.memory_space<hbm>> -> memref<8x128xf32, #tpu.memory_space<hbm>>
    %dma_start3A_56 = arith.constant 16 : i32
    %dma_start3A_57 = arith.constant 0 : i32
    %dma_start3A_58 = tpu.memref_slice %arg9[%dma_start3A_56, %dma_start3A_57] : memref<256x128xf32, #tpu.memory_space<vmem>> -> memref<8x128xf32, #tpu.memory_space<vmem>>
    %dma_start3A_59 = tpu.memref_slice %arg2[%arg1, %multiple_of3A_47, %multiple_of3A_50] : memref<16x256x4096xf32, #tpu.memory_space<hbm>> -> memref<1x8x128xf32, #tpu.memory_space<hbm>>
    %dma_start3A_60 = tpu.memref_squeeze %dma_start3A_59 : memref<1x8x128xf32, #tpu.memory_space<hbm>> -> memref<8x128xf32, #tpu.memory_space<hbm>>
    tpu.enqueue_dma source(%dma_start3A_60 : memref<8x128xf32, #tpu.memory_space<hbm>>) target(%dma_start3A_58 : memref<8x128xf32, #tpu.memory_space<vmem>>) target_semaphore(%arg15 : memref<!tpu.dma_semaphore, #tpu.memory_space<semaphore_mem>>)
    %slice3A_61 = vector.extract_strided_slice %shift_left3A_6 {offsets = [3], sizes = [1], strides = [1]} : vector<16xi32> to vector<1xi32>
    %squeeze3A_62 = vector.extract %slice3A_61[0] : i32 from vector<1xi32>
    %multiple_of3A_63 = tpu.assume_multiple %squeeze3A_62, 8 : i32
    %slice3A_64 = vector.extract_strided_slice %shift_left3A_16 {offsets = [3], sizes = [1], strides = [1]} : vector<16xi32> to vector<1xi32>
    %squeeze3A_65 = vector.extract %slice3A_64[0] : i32 from vector<1xi32>
    %multiple_of3A_66 = tpu.assume_multiple %squeeze3A_65, 128 : i32
    %dma_start3A_67 = arith.constant 24 : i32
    %dma_start3A_68 = arith.constant 0 : i32
    %dma_start3A_69 = tpu.memref_slice %arg9[%dma_start3A_67, %dma_start3A_68] : memref<256x128xf32, #tpu.memory_space<vmem>> -> memref<8x128xf32, #tpu.memory_space<vmem>>
    %dma_start3A_70 = tpu.memref_slice %arg2[%arg1, %multiple_of3A_63, %multiple_of3A_66] : memref<16x256x4096xf32, #tpu.memory_space<hbm>> -> memref<1x8x128xf32, #tpu.memory_space<hbm>>
    %dma_start3A_71 = tpu.memref_squeeze %dma_start3A_70 : memref<1x8x128xf32, #tpu.memory_space<hbm>> -> memref<8x128xf32, #tpu.memory_space<hbm>>
    %dma_start3A_72 = arith.constant 24 : i32
    %dma_start3A_73 = arith.constant 0 : i32
    %dma_start3A_74 = tpu.memref_slice %arg9[%dma_start3A_72, %dma_start3A_73] : memref<256x128xf32, #tpu.memory_space<vmem>> -> memref<8x128xf32, #tpu.memory_space<vmem>>
    %dma_start3A_75 = tpu.memref_slice %arg2[%arg1, %multiple_of3A_63, %multiple_of3A_66] : memref<16x256x4096xf32, #tpu.memory_space<hbm>> -> memref<1x8x128xf32, #tpu.memory_space<hbm>>
    %dma_start3A_76 = tpu.memref_squeeze %dma_start3A_75 : memref<1x8x128xf32, #tpu.memory_space<hbm>> -> memref<8x128xf32, #tpu.memory_space<hbm>>
    tpu.enqueue_dma source(%dma_start3A_76 : memref<8x128xf32, #tpu.memory_space<hbm>>) target(%dma_start3A_74 : memref<8x128xf32, #tpu.memory_space<vmem>>) target_semaphore(%arg15 : memref<!tpu.dma_semaphore, #tpu.memory_space<semaphore_mem>>)
    %slice3A_77 = vector.extract_strided_slice %shift_left3A_6 {offsets = [4], sizes = [1], strides = [1]} : vector<16xi32> to vector<1xi32>
    %squeeze3A_78 = vector.extract %slice3A_77[0] : i32 from vector<1xi32>
    %multiple_of3A_79 = tpu.assume_multiple %squeeze3A_78, 8 : i32
    %slice3A_80 = vector.extract_strided_slice %shift_left3A_16 {offsets = [4], sizes = [1], strides = [1]} : vector<16xi32> to vector<1xi32>
    %squeeze3A_81 = vector.extract %slice3A_80[0] : i32 from vector<1xi32>
    %multiple_of3A_82 = tpu.assume_multiple %squeeze3A_81, 128 : i32
    %dma_start3A_83 = arith.constant 32 : i32
    %dma_start3A_84 = arith.constant 0 : i32
    %dma_start3A_85 = tpu.memref_slice %arg9[%dma_start3A_83, %dma_start3A_84] : memref<256x128xf32, #tpu.memory_space<vmem>> -> memref<8x128xf32, #tpu.memory_space<vmem>>
    %dma_start3A_86 = tpu.memref_slice %arg2[%arg1, %multiple_of3A_79, %multiple_of3A_82] : memref<16x256x4096xf32, #tpu.memory_space<hbm>> -> memref<1x8x128xf32, #tpu.memory_space<hbm>>
    %dma_start3A_87 = tpu.memref_squeeze %dma_start3A_86 : memref<1x8x128xf32, #tpu.memory_space<hbm>> -> memref<8x128xf32, #tpu.memory_space<hbm>>
    %dma_start3A_88 = arith.constant 32 : i32
    %dma_start3A_89 = arith.constant 0 : i32
    %dma_start3A_90 = tpu.memref_slice %arg9[%dma_start3A_88, %dma_start3A_89] : memref<256x128xf32, #tpu.memory_space<vmem>> -> memref<8x128xf32, #tpu.memory_space<vmem>>
    %dma_start3A_91 = tpu.memref_slice %arg2[%arg1, %multiple_of3A_79, %multiple_of3A_82] : memref<16x256x4096xf32, #tpu.memory_space<hbm>> -> memref<1x8x128xf32, #tpu.memory_space<hbm>>
    %dma_start3A_92 = tpu.memref_squeeze %dma_start3A_91 : memref<1x8x128xf32, #tpu.memory_space<hbm>> -> memref<8x128xf32, #tpu.memory_space<hbm>>
    tpu.enqueue_dma source(%dma_start3A_92 : memref<8x128xf32, #tpu.memory_space<hbm>>) target(%dma_start3A_90 : memref<8x128xf32, #tpu.memory_space<vmem>>) target_semaphore(%arg15 : memref<!tpu.dma_semaphore, #tpu.memory_space<semaphore_mem>>)
    %slice3A_93 = vector.extract_strided_slice %shift_left3A_6 {offsets = [5], sizes = [1], strides = [1]} : vector<16xi32> to vector<1xi32>
    %squeeze3A_94 = vector.extract %slice3A_93[0] : i32 from vector<1xi32>
    %multiple_of3A_95 = tpu.assume_multiple %squeeze3A_94, 8 : i32
    %slice3A_96 = vector.extract_strided_slice %shift_left3A_16 {offsets = [5], sizes = [1], strides = [1]} : vector<16xi32> to vector<1xi32>
    %squeeze3A_97 = vector.extract %slice3A_96[0] : i32 from vector<1xi32>
    %multiple_of3A_98 = tpu.assume_multiple %squeeze3A_97, 128 : i32
    %dma_start3A_99 = arith.constant 40 : i32
    %dma_start3A_100 = arith.constant 0 : i32
    %dma_start3A_101 = tpu.memref_slice %arg9[%dma_start3A_99, %dma_start3A_100] : memref<256x128xf32, #tpu.memory_space<vmem>> -> memref<8x128xf32, #tpu.memory_space<vmem>>
    %dma_start3A_102 = tpu.memref_slice %arg2[%arg1, %multiple_of3A_95, %multiple_of3A_98] : memref<16x256x4096xf32, #tpu.memory_space<hbm>> -> memref<1x8x128xf32, #tpu.memory_space<hbm>>
    %dma_start3A_103 = tpu.memref_squeeze %dma_start3A_102 : memref<1x8x128xf32, #tpu.memory_space<hbm>> -> memref<8x128xf32, #tpu.memory_space<hbm>>
    %dma_start3A_104 = arith.constant 40 : i32
    %dma_start3A_105 = arith.constant 0 : i32
    %dma_start3A_106 = tpu.memref_slice %arg9[%dma_start3A_104, %dma_start3A_105] : memref<256x128xf32, #tpu.memory_space<vmem>> -> memref<8x128xf32, #tpu.memory_space<vmem>>
    %dma_start3A_107 = tpu.memref_slice %arg2[%arg1, %multiple_of3A_95, %multiple_of3A_98] : memref<16x256x4096xf32, #tpu.memory_space<hbm>> -> memref<1x8x128xf32, #tpu.memory_space<hbm>>
    %dma_start3A_108 = tpu.memref_squeeze %dma_start3A_107 : memref<1x8x128xf32, #tpu.memory_space<hbm>> -> memref<8x128xf32, #tpu.memory_space<hbm>>
    tpu.enqueue_dma source(%dma_start3A_108 : memref<8x128xf32, #tpu.memory_space<hbm>>) target(%dma_start3A_106 : memref<8x128xf32, #tpu.memory_space<vmem>>) target_semaphore(%arg15 : memref<!tpu.dma_semaphore, #tpu.memory_space<semaphore_mem>>)
    %slice3A_109 = vector.extract_strided_slice %shift_left3A_6 {offsets = [6], sizes = [1], strides = [1]} : vector<16xi32> to vector<1xi32>
    %squeeze3A_110 = vector.extract %slice3A_109[0] : i32 from vector<1xi32>
    %multiple_of3A_111 = tpu.assume_multiple %squeeze3A_110, 8 : i32
    %slice3A_112 = vector.extract_strided_slice %shift_left3A_16 {offsets = [6], sizes = [1], strides = [1]} : vector<16xi32> to vector<1xi32>
    %squeeze3A_113 = vector.extract %slice3A_112[0] : i32 from vector<1xi32>
    %multiple_of3A_114 = tpu.assume_multiple %squeeze3A_113, 128 : i32
    %dma_start3A_115 = arith.constant 48 : i32
    %dma_start3A_116 = arith.constant 0 : i32
    %dma_start3A_117 = tpu.memref_slice %arg9[%dma_start3A_115, %dma_start3A_116] : memref<256x128xf32, #tpu.memory_space<vmem>> -> memref<8x128xf32, #tpu.memory_space<vmem>>
    %dma_start3A_118 = tpu.memref_slice %arg2[%arg1, %multiple_of3A_111, %multiple_of3A_114] : memref<16x256x4096xf32, #tpu.memory_space<hbm>> -> memref<1x8x128xf32, #tpu.memory_space<hbm>>
    %dma_start3A_119 = tpu.memref_squeeze %dma_start3A_118 : memref<1x8x128xf32, #tpu.memory_space<hbm>> -> memref<8x128xf32, #tpu.memory_space<hbm>>
    %dma_start3A_120 = arith.constant 48 : i32
    %dma_start3A_121 = arith.constant 0 : i32
    %dma_start3A_122 = tpu.memref_slice %arg9[%dma_start3A_120, %dma_start3A_121] : memref<256x128xf32, #tpu.memory_space<vmem>> -> memref<8x128xf32, #tpu.memory_space<vmem>>
    %dma_start3A_123 = tpu.memref_slice %arg2[%arg1, %multiple_of3A_111, %multiple_of3A_114] : memref<16x256x4096xf32, #tpu.memory_space<hbm>> -> memref<1x8x128xf32, #tpu.memory_space<hbm>>
    %dma_start3A_124 = tpu.memref_squeeze %dma_start3A_123 : memref<1x8x128xf32, #tpu.memory_space<hbm>> -> memref<8x128xf32, #tpu.memory_space<hbm>>
    tpu.enqueue_dma source(%dma_start3A_124 : memref<8x128xf32, #tpu.memory_space<hbm>>) target(%dma_start3A_122 : memref<8x128xf32, #tpu.memory_space<vmem>>) target_semaphore(%arg15 : memref<!tpu.dma_semaphore, #tpu.memory_space<semaphore_mem>>)
    %slice3A_125 = vector.extract_strided_slice %shift_left3A_6 {offsets = [7], sizes = [1], strides = [1]} : vector<16xi32> to vector<1xi32>
    %squeeze3A_126 = vector.extract %slice3A_125[0] : i32 from vector<1xi32>
    %multiple_of3A_127 = tpu.assume_multiple %squeeze3A_126, 8 : i32
    %slice3A_128 = vector.extract_strided_slice %shift_left3A_16 {offsets = [7], sizes = [1], strides = [1]} : vector<16xi32> to vector<1xi32>
    %squeeze3A_129 = vector.extract %slice3A_128[0] : i32 from vector<1xi32>
    %multiple_of3A_130 = tpu.assume_multiple %squeeze3A_129, 128 : i32
    %dma_start3A_131 = arith.constant 56 : i32
    %dma_start3A_132 = arith.constant 0 : i32
    %dma_start3A_133 = tpu.memref_slice %arg9[%dma_start3A_131, %dma_start3A_132] : memref<256x128xf32, #tpu.memory_space<vmem>> -> memref<8x128xf32, #tpu.memory_space<vmem>>
    %dma_start3A_134 = tpu.memref_slice %arg2[%arg1, %multiple_of3A_127, %multiple_of3A_130] : memref<16x256x4096xf32, #tpu.memory_space<hbm>> -> memref<1x8x128xf32, #tpu.memory_space<hbm>>
    %dma_start3A_135 = tpu.memref_squeeze %dma_start3A_134 : memref<1x8x128xf32, #tpu.memory_space<hbm>> -> memref<8x128xf32, #tpu.memory_space<hbm>>
    %dma_start3A_136 = arith.constant 56 : i32
    %dma_start3A_137 = arith.constant 0 : i32
    %dma_start3A_138 = tpu.memref_slice %arg9[%dma_start3A_136, %dma_start3A_137] : memref<256x128xf32, #tpu.memory_space<vmem>> -> memref<8x128xf32, #tpu.memory_space<vmem>>
    %dma_start3A_139 = tpu.memref_slice %arg2[%arg1, %multiple_of3A_127, %multiple_of3A_130] : memref<16x256x4096xf32, #tpu.memory_space<hbm>> -> memref<1x8x128xf32, #tpu.memory_space<hbm>>
    %dma_start3A_140 = tpu.memref_squeeze %dma_start3A_139 : memref<1x8x128xf32, #tpu.memory_space<hbm>> -> memref<8x128xf32, #tpu.memory_space<hbm>>
    tpu.enqueue_dma source(%dma_start3A_140 : memref<8x128xf32, #tpu.memory_space<hbm>>) target(%dma_start3A_138 : memref<8x128xf32, #tpu.memory_space<vmem>>) target_semaphore(%arg15 : memref<!tpu.dma_semaphore, #tpu.memory_space<semaphore_mem>>)
    %slice3A_141 = vector.extract_strided_slice %shift_left3A_6 {offsets = [8], sizes = [1], strides = [1]} : vector<16xi32> to vector<1xi32>
    %squeeze3A_142 = vector.extract %slice3A_141[0] : i32 from vector<1xi32>
    %multiple_of3A_143 = tpu.assume_multiple %squeeze3A_142, 8 : i32
    %slice3A_144 = vector.extract_strided_slice %shift_left3A_16 {offsets = [8], sizes = [1], strides = [1]} : vector<16xi32> to vector<1xi32>
    %squeeze3A_145 = vector.extract %slice3A_144[0] : i32 from vector<1xi32>
    %multiple_of3A_146 = tpu.assume_multiple %squeeze3A_145, 128 : i32
    %dma_start3A_147 = arith.constant 64 : i32
    %dma_start3A_148 = arith.constant 0 : i32
    %dma_start3A_149 = tpu.memref_slice %arg9[%dma_start3A_147, %dma_start3A_148] : memref<256x128xf32, #tpu.memory_space<vmem>> -> memref<8x128xf32, #tpu.memory_space<vmem>>
    %dma_start3A_150 = tpu.memref_slice %arg2[%arg1, %multiple_of3A_143, %multiple_of3A_146] : memref<16x256x4096xf32, #tpu.memory_space<hbm>> -> memref<1x8x128xf32, #tpu.memory_space<hbm>>
    %dma_start3A_151 = tpu.memref_squeeze %dma_start3A_150 : memref<1x8x128xf32, #tpu.memory_space<hbm>> -> memref<8x128xf32, #tpu.memory_space<hbm>>
    %dma_start3A_152 = arith.constant 64 : i32
    %dma_start3A_153 = arith.constant 0 : i32
    %dma_start3A_154 = tpu.memref_slice %arg9[%dma_start3A_152, %dma_start3A_153] : memref<256x128xf32, #tpu.memory_space<vmem>> -> memref<8x128xf32, #tpu.memory_space<vmem>>
    %dma_start3A_155 = tpu.memref_slice %arg2[%arg1, %multiple_of3A_143, %multiple_of3A_146] : memref<16x256x4096xf32, #tpu.memory_space<hbm>> -> memref<1x8x128xf32, #tpu.memory_space<hbm>>
    %dma_start3A_156 = tpu.memref_squeeze %dma_start3A_155 : memref<1x8x128xf32, #tpu.memory_space<hbm>> -> memref<8x128xf32, #tpu.memory_space<hbm>>
    tpu.enqueue_dma source(%dma_start3A_156 : memref<8x128xf32, #tpu.memory_space<hbm>>) target(%dma_start3A_154 : memref<8x128xf32, #tpu.memory_space<vmem>>) target_semaphore(%arg15 : memref<!tpu.dma_semaphore, #tpu.memory_space<semaphore_mem>>)
    %slice3A_157 = vector.extract_strided_slice %shift_left3A_6 {offsets = [9], sizes = [1], strides = [1]} : vector<16xi32> to vector<1xi32>
    %squeeze3A_158 = vector.extract %slice3A_157[0] : i32 from vector<1xi32>
    %multiple_of3A_159 = tpu.assume_multiple %squeeze3A_158, 8 : i32
    %slice3A_160 = vector.extract_strided_slice %shift_left3A_16 {offsets = [9], sizes = [1], strides = [1]} : vector<16xi32> to vector<1xi32>
    %squeeze3A_161 = vector.extract %slice3A_160[0] : i32 from vector<1xi32>
    %multiple_of3A_162 = tpu.assume_multiple %squeeze3A_161, 128 : i32
    %dma_start3A_163 = arith.constant 72 : i32
    %dma_start3A_164 = arith.constant 0 : i32
    %dma_start3A_165 = tpu.memref_slice %arg9[%dma_start3A_163, %dma_start3A_164] : memref<256x128xf32, #tpu.memory_space<vmem>> -> memref<8x128xf32, #tpu.memory_space<vmem>>
    %dma_start3A_166 = tpu.memref_slice %arg2[%arg1, %multiple_of3A_159, %multiple_of3A_162] : memref<16x256x4096xf32, #tpu.memory_space<hbm>> -> memref<1x8x128xf32, #tpu.memory_space<hbm>>
    %dma_start3A_167 = tpu.memref_squeeze %dma_start3A_166 : memref<1x8x128xf32, #tpu.memory_space<hbm>> -> memref<8x128xf32, #tpu.memory_space<hbm>>
    %dma_start3A_168 = arith.constant 72 : i32
    %dma_start3A_169 = arith.constant 0 : i32
    %dma_start3A_170 = tpu.memref_slice %arg9[%dma_start3A_168, %dma_start3A_169] : memref<256x128xf32, #tpu.memory_space<vmem>> -> memref<8x128xf32, #tpu.memory_space<vmem>>
    %dma_start3A_171 = tpu.memref_slice %arg2[%arg1, %multiple_of3A_159, %multiple_of3A_162] : memref<16x256x4096xf32, #tpu.memory_space<hbm>> -> memref<1x8x128xf32, #tpu.memory_space<hbm>>
    %dma_start3A_172 = tpu.memref_squeeze %dma_start3A_171 : memref<1x8x128xf32, #tpu.memory_space<hbm>> -> memref<8x128xf32, #tpu.memory_space<hbm>>
    tpu.enqueue_dma source(%dma_start3A_172 : memref<8x128xf32, #tpu.memory_space<hbm>>) target(%dma_start3A_170 : memref<8x128xf32, #tpu.memory_space<vmem>>) target_semaphore(%arg15 : memref<!tpu.dma_semaphore, #tpu.memory_space<semaphore_mem>>)
    %slice3A_173 = vector.extract_strided_slice %shift_left3A_6 {offsets = [10], sizes = [1], strides = [1]} : vector<16xi32> to vector<1xi32>
    %squeeze3A_174 = vector.extract %slice3A_173[0] : i32 from vector<1xi32>
    %multiple_of3A_175 = tpu.assume_multiple %squeeze3A_174, 8 : i32
    %slice3A_176 = vector.extract_strided_slice %shift_left3A_16 {offsets = [10], sizes = [1], strides = [1]} : vector<16xi32> to vector<1xi32>
    %squeeze3A_177 = vector.extract %slice3A_176[0] : i32 from vector<1xi32>
    %multiple_of3A_178 = tpu.assume_multiple %squeeze3A_177, 128 : i32
    %dma_start3A_179 = arith.constant 80 : i32
    %dma_start3A_180 = arith.constant 0 : i32
    %dma_start3A_181 = tpu.memref_slice %arg9[%dma_start3A_179, %dma_start3A_180] : memref<256x128xf32, #tpu.memory_space<vmem>> -> memref<8x128xf32, #tpu.memory_space<vmem>>
    %dma_start3A_182 = tpu.memref_slice %arg2[%arg1, %multiple_of3A_175, %multiple_of3A_178] : memref<16x256x4096xf32, #tpu.memory_space<hbm>> -> memref<1x8x128xf32, #tpu.memory_space<hbm>>
    %dma_start3A_183 = tpu.memref_squeeze %dma_start3A_182 : memref<1x8x128xf32, #tpu.memory_space<hbm>> -> memref<8x128xf32, #tpu.memory_space<hbm>>
    %dma_start3A_184 = arith.constant 80 : i32
    %dma_start3A_185 = arith.constant 0 : i32
    %dma_start3A_186 = tpu.memref_slice %arg9[%dma_start3A_184, %dma_start3A_185] : memref<256x128xf32, #tpu.memory_space<vmem>> -> memref<8x128xf32, #tpu.memory_space<vmem>>
    %dma_start3A_187 = tpu.memref_slice %arg2[%arg1, %multiple_of3A_175, %multiple_of3A_178] : memref<16x256x4096xf32, #tpu.memory_space<hbm>> -> memref<1x8x128xf32, #tpu.memory_space<hbm>>
    %dma_start3A_188 = tpu.memref_squeeze %dma_start3A_187 : memref<1x8x128xf32, #tpu.memory_space<hbm>> -> memref<8x128xf32, #tpu.memory_space<hbm>>
    tpu.enqueue_dma source(%dma_start3A_188 : memref<8x128xf32, #tpu.memory_space<hbm>>) target(%dma_start3A_186 : memref<8x128xf32, #tpu.memory_space<vmem>>) target_semaphore(%arg15 : memref<!tpu.dma_semaphore, #tpu.memory_space<semaphore_mem>>)
    %slice3A_189 = vector.extract_strided_slice %shift_left3A_6 {offsets = [11], sizes = [1], strides = [1]} : vector<16xi32> to vector<1xi32>
    %squeeze3A_190 = vector.extract %slice3A_189[0] : i32 from vector<1xi32>
    %multiple_of3A_191 = tpu.assume_multiple %squeeze3A_190, 8 : i32
    %slice3A_192 = vector.extract_strided_slice %shift_left3A_16 {offsets = [11], sizes = [1], strides = [1]} : vector<16xi32> to vector<1xi32>
    %squeeze3A_193 = vector.extract %slice3A_192[0] : i32 from vector<1xi32>
    %multiple_of3A_194 = tpu.assume_multiple %squeeze3A_193, 128 : i32
    %dma_start3A_195 = arith.constant 88 : i32
    %dma_start3A_196 = arith.constant 0 : i32
    %dma_start3A_197 = tpu.memref_slice %arg9[%dma_start3A_195, %dma_start3A_196] : memref<256x128xf32, #tpu.memory_space<vmem>> -> memref<8x128xf32, #tpu.memory_space<vmem>>
    %dma_start3A_198 = tpu.memref_slice %arg2[%arg1, %multiple_of3A_191, %multiple_of3A_194] : memref<16x256x4096xf32, #tpu.memory_space<hbm>> -> memref<1x8x128xf32, #tpu.memory_space<hbm>>
    %dma_start3A_199 = tpu.memref_squeeze %dma_start3A_198 : memref<1x8x128xf32, #tpu.memory_space<hbm>> -> memref<8x128xf32, #tpu.memory_space<hbm>>
    %dma_start3A_200 = arith.constant 88 : i32
    %dma_start3A_201 = arith.constant 0 : i32
    %dma_start3A_202 = tpu.memref_slice %arg9[%dma_start3A_200, %dma_start3A_201] : memref<256x128xf32, #tpu.memory_space<vmem>> -> memref<8x128xf32, #tpu.memory_space<vmem>>
    %dma_start3A_203 = tpu.memref_slice %arg2[%arg1, %multiple_of3A_191, %multiple_of3A_194] : memref<16x256x4096xf32, #tpu.memory_space<hbm>> -> memref<1x8x128xf32, #tpu.memory_space<hbm>>
    %dma_start3A_204 = tpu.memref_squeeze %dma_start3A_203 : memref<1x8x128xf32, #tpu.memory_space<hbm>> -> memref<8x128xf32, #tpu.memory_space<hbm>>
    tpu.enqueue_dma source(%dma_start3A_204 : memref<8x128xf32, #tpu.memory_space<hbm>>) target(%dma_start3A_202 : memref<8x128xf32, #tpu.memory_space<vmem>>) target_semaphore(%arg15 : memref<!tpu.dma_semaphore, #tpu.memory_space<semaphore_mem>>)
    %slice3A_205 = vector.extract_strided_slice %shift_left3A_6 {offsets = [12], sizes = [1], strides = [1]} : vector<16xi32> to vector<1xi32>
    %squeeze3A_206 = vector.extract %slice3A_205[0] : i32 from vector<1xi32>
    %multiple_of3A_207 = tpu.assume_multiple %squeeze3A_206, 8 : i32
    %slice3A_208 = vector.extract_strided_slice %shift_left3A_16 {offsets = [12], sizes = [1], strides = [1]} : vector<16xi32> to vector<1xi32>
    %squeeze3A_209 = vector.extract %slice3A_208[0] : i32 from vector<1xi32>
    %multiple_of3A_210 = tpu.assume_multiple %squeeze3A_209, 128 : i32
    %dma_start3A_211 = arith.constant 96 : i32
    %dma_start3A_212 = arith.constant 0 : i32
    %dma_start3A_213 = tpu.memref_slice %arg9[%dma_start3A_211, %dma_start3A_212] : memref<256x128xf32, #tpu.memory_space<vmem>> -> memref<8x128xf32, #tpu.memory_space<vmem>>
    %dma_start3A_214 = tpu.memref_slice %arg2[%arg1, %multiple_of3A_207, %multiple_of3A_210] : memref<16x256x4096xf32, #tpu.memory_space<hbm>> -> memref<1x8x128xf32, #tpu.memory_space<hbm>>
    %dma_start3A_215 = tpu.memref_squeeze %dma_start3A_214 : memref<1x8x128xf32, #tpu.memory_space<hbm>> -> memref<8x128xf32, #tpu.memory_space<hbm>>
    %dma_start3A_216 = arith.constant 96 : i32
    %dma_start3A_217 = arith.constant 0 : i32
    %dma_start3A_218 = tpu.memref_slice %arg9[%dma_start3A_216, %dma_start3A_217] : memref<256x128xf32, #tpu.memory_space<vmem>> -> memref<8x128xf32, #tpu.memory_space<vmem>>
    %dma_start3A_219 = tpu.memref_slice %arg2[%arg1, %multiple_of3A_207, %multiple_of3A_210] : memref<16x256x4096xf32, #tpu.memory_space<hbm>> -> memref<1x8x128xf32, #tpu.memory_space<hbm>>
    %dma_start3A_220 = tpu.memref_squeeze %dma_start3A_219 : memref<1x8x128xf32, #tpu.memory_space<hbm>> -> memref<8x128xf32, #tpu.memory_space<hbm>>
    tpu.enqueue_dma source(%dma_start3A_220 : memref<8x128xf32, #tpu.memory_space<hbm>>) target(%dma_start3A_218 : memref<8x128xf32, #tpu.memory_space<vmem>>) target_semaphore(%arg15 : memref<!tpu.dma_semaphore, #tpu.memory_space<semaphore_mem>>)
    %slice3A_221 = vector.extract_strided_slice %shift_left3A_6 {offsets = [13], sizes = [1], strides = [1]} : vector<16xi32> to vector<1xi32>
    %squeeze3A_222 = vector.extract %slice3A_221[0] : i32 from vector<1xi32>
    %multiple_of3A_223 = tpu.assume_multiple %squeeze3A_222, 8 : i32
    %slice3A_224 = vector.extract_strided_slice %shift_left3A_16 {offsets = [13], sizes = [1], strides = [1]} : vector<16xi32> to vector<1xi32>
    %squeeze3A_225 = vector.extract %slice3A_224[0] : i32 from vector<1xi32>
    %multiple_of3A_226 = tpu.assume_multiple %squeeze3A_225, 128 : i32
    %dma_start3A_227 = arith.constant 104 : i32
    %dma_start3A_228 = arith.constant 0 : i32
    %dma_start3A_229 = tpu.memref_slice %arg9[%dma_start3A_227, %dma_start3A_228] : memref<256x128xf32, #tpu.memory_space<vmem>> -> memref<8x128xf32, #tpu.memory_space<vmem>>
    %dma_start3A_230 = tpu.memref_slice %arg2[%arg1, %multiple_of3A_223, %multiple_of3A_226] : memref<16x256x4096xf32, #tpu.memory_space<hbm>> -> memref<1x8x128xf32, #tpu.memory_space<hbm>>
    %dma_start3A_231 = tpu.memref_squeeze %dma_start3A_230 : memref<1x8x128xf32, #tpu.memory_space<hbm>> -> memref<8x128xf32, #tpu.memory_space<hbm>>
    %dma_start3A_232 = arith.constant 104 : i32
    %dma_start3A_233 = arith.constant 0 : i32
    %dma_start3A_234 = tpu.memref_slice %arg9[%dma_start3A_232, %dma_start3A_233] : memref<256x128xf32, #tpu.memory_space<vmem>> -> memref<8x128xf32, #tpu.memory_space<vmem>>
    %dma_start3A_235 = tpu.memref_slice %arg2[%arg1, %multiple_of3A_223, %multiple_of3A_226] : memref<16x256x4096xf32, #tpu.memory_space<hbm>> -> memref<1x8x128xf32, #tpu.memory_space<hbm>>
    %dma_start3A_236 = tpu.memref_squeeze %dma_start3A_235 : memref<1x8x128xf32, #tpu.memory_space<hbm>> -> memref<8x128xf32, #tpu.memory_space<hbm>>
    tpu.enqueue_dma source(%dma_start3A_236 : memref<8x128xf32, #tpu.memory_space<hbm>>) target(%dma_start3A_234 : memref<8x128xf32, #tpu.memory_space<vmem>>) target_semaphore(%arg15 : memref<!tpu.dma_semaphore, #tpu.memory_space<semaphore_mem>>)
    %slice3A_237 = vector.extract_strided_slice %shift_left3A_6 {offsets = [14], sizes = [1], strides = [1]} : vector<16xi32> to vector<1xi32>
    %squeeze3A_238 = vector.extract %slice3A_237[0] : i32 from vector<1xi32>
    %multiple_of3A_239 = tpu.assume_multiple %squeeze3A_238, 8 : i32
    %slice3A_240 = vector.extract_strided_slice %shift_left3A_16 {offsets = [14], sizes = [1], strides = [1]} : vector<16xi32> to vector<1xi32>
    %squeeze3A_241 = vector.extract %slice3A_240[0] : i32 from vector<1xi32>
    %multiple_of3A_242 = tpu.assume_multiple %squeeze3A_241, 128 : i32
    %dma_start3A_243 = arith.constant 112 : i32
    %dma_start3A_244 = arith.constant 0 : i32
    %dma_start3A_245 = tpu.memref_slice %arg9[%dma_start3A_243, %dma_start3A_244] : memref<256x128xf32, #tpu.memory_space<vmem>> -> memref<8x128xf32, #tpu.memory_space<vmem>>
    %dma_start3A_246 = tpu.memref_slice %arg2[%arg1, %multiple_of3A_239, %multiple_of3A_242] : memref<16x256x4096xf32, #tpu.memory_space<hbm>> -> memref<1x8x128xf32, #tpu.memory_space<hbm>>
    %dma_start3A_247 = tpu.memref_squeeze %dma_start3A_246 : memref<1x8x128xf32, #tpu.memory_space<hbm>> -> memref<8x128xf32, #tpu.memory_space<hbm>>
    %dma_start3A_248 = arith.constant 112 : i32
    %dma_start3A_249 = arith.constant 0 : i32
    %dma_start3A_250 = tpu.memref_slice %arg9[%dma_start3A_248, %dma_start3A_249] : memref<256x128xf32, #tpu.memory_space<vmem>> -> memref<8x128xf32, #tpu.memory_space<vmem>>
    %dma_start3A_251 = tpu.memref_slice %arg2[%arg1, %multiple_of3A_239, %multiple_of3A_242] : memref<16x256x4096xf32, #tpu.memory_space<hbm>> -> memref<1x8x128xf32, #tpu.memory_space<hbm>>
    %dma_start3A_252 = tpu.memref_squeeze %dma_start3A_251 : memref<1x8x128xf32, #tpu.memory_space<hbm>> -> memref<8x128xf32, #tpu.memory_space<hbm>>
    tpu.enqueue_dma source(%dma_start3A_252 : memref<8x128xf32, #tpu.memory_space<hbm>>) target(%dma_start3A_250 : memref<8x128xf32, #tpu.memory_space<vmem>>) target_semaphore(%arg15 : memref<!tpu.dma_semaphore, #tpu.memory_space<semaphore_mem>>)
    %slice3A_253 = vector.extract_strided_slice %shift_left3A_6 {offsets = [15], sizes = [1], strides = [1]} : vector<16xi32> to vector<1xi32>
    %squeeze3A_254 = vector.extract %slice3A_253[0] : i32 from vector<1xi32>
    %multiple_of3A_255 = tpu.assume_multiple %squeeze3A_254, 8 : i32
    %slice3A_256 = vector.extract_strided_slice %shift_left3A_16 {offsets = [15], sizes = [1], strides = [1]} : vector<16xi32> to vector<1xi32>
    %squeeze3A_257 = vector.extract %slice3A_256[0] : i32 from vector<1xi32>
    %multiple_of3A_258 = tpu.assume_multiple %squeeze3A_257, 128 : i32
    %dma_start3A_259 = arith.constant 120 : i32
    %dma_start3A_260 = arith.constant 0 : i32
    %dma_start3A_261 = tpu.memref_slice %arg9[%dma_start3A_259, %dma_start3A_260] : memref<256x128xf32, #tpu.memory_space<vmem>> -> memref<8x128xf32, #tpu.memory_space<vmem>>
    %dma_start3A_262 = tpu.memref_slice %arg2[%arg1, %multiple_of3A_255, %multiple_of3A_258] : memref<16x256x4096xf32, #tpu.memory_space<hbm>> -> memref<1x8x128xf32, #tpu.memory_space<hbm>>
    %dma_start3A_263 = tpu.memref_squeeze %dma_start3A_262 : memref<1x8x128xf32, #tpu.memory_space<hbm>> -> memref<8x128xf32, #tpu.memory_space<hbm>>
    %dma_start3A_264 = arith.constant 120 : i32
    %dma_start3A_265 = arith.constant 0 : i32
    %dma_start3A_266 = tpu.memref_slice %arg9[%dma_start3A_264, %dma_start3A_265] : memref<256x128xf32, #tpu.memory_space<vmem>> -> memref<8x128xf32, #tpu.memory_space<vmem>>
    %dma_start3A_267 = tpu.memref_slice %arg2[%arg1, %multiple_of3A_255, %multiple_of3A_258] : memref<16x256x4096xf32, #tpu.memory_space<hbm>> -> memref<1x8x128xf32, #tpu.memory_space<hbm>>
    %dma_start3A_268 = tpu.memref_squeeze %dma_start3A_267 : memref<1x8x128xf32, #tpu.memory_space<hbm>> -> memref<8x128xf32, #tpu.memory_space<hbm>>
    tpu.enqueue_dma source(%dma_start3A_268 : memref<8x128xf32, #tpu.memory_space<hbm>>) target(%dma_start3A_266 : memref<8x128xf32, #tpu.memory_space<vmem>>) target_semaphore(%arg15 : memref<!tpu.dma_semaphore, #tpu.memory_space<semaphore_mem>>)
    %get3A_269 = arith.index_cast %arg1 : i32 to index
    %get3A_270 = arith.constant 14 : index
    %get3A_271 = tpu.vector_load %arg7[%get3A_269, %get3A_270] {strides = array<i32>} : memref<16x30xi32, #tpu.memory_space<vmem>>, vector<1x16xi32>,
    %get3A_272 = vector.shape_cast %get3A_271 : vector<1x16xi32> to vector<16xi32>
    %shift_right_arithmetic3A_273 = arith.constant 3 : i32
    %shift_right_arithmetic3A_274 = vector.broadcast %shift_right_arithmetic3A_273 : i32 to vector<16xi32>
    %shift_right_arithmetic3A_275 = arith.shrsi %get3A_272, %shift_right_arithmetic3A_274 : vector<16xi32>
    %shift_left3A_276 = arith.constant 3 : i32
    %shift_left3A_277 = vector.broadcast %shift_left3A_276 : i32 to vector<16xi32>
    %shift_left3A_278 = arith.shli %shift_right_arithmetic3A_275, %shift_left3A_277 : vector<16xi32>
    %get3A_279 = arith.index_cast %arg1 : i32 to index
    %get3A_280 = arith.constant 14 : index
    %get3A_281 = tpu.vector_load %arg8[%get3A_279, %get3A_280] {strides = array<i32>} : memref<16x30xi32, #tpu.memory_space<vmem>>, vector<1x16xi32>,
    %get3A_282 = vector.shape_cast %get3A_281 : vector<1x16xi32> to vector<16xi32>
    %shift_right_arithmetic3A_283 = arith.constant 7 : i32
    %shift_right_arithmetic3A_284 = vector.broadcast %shift_right_arithmetic3A_283 : i32 to vector<16xi32>
    %shift_right_arithmetic3A_285 = arith.shrsi %get3A_282, %shift_right_arithmetic3A_284 : vector<16xi32>
    %shift_left3A_286 = arith.constant 7 : i32
    %shift_left3A_287 = vector.broadcast %shift_left3A_286 : i32 to vector<16xi32>
    %shift_left3A_288 = arith.shli %shift_right_arithmetic3A_285, %shift_left3A_287 : vector<16xi32>
    %slice3A_289 = vector.extract_strided_slice %shift_left3A_278 {offsets = [2], sizes = [1], strides = [1]} : vector<16xi32> to vector<1xi32>
    %squeeze3A_290 = vector.extract %slice3A_289[0] : i32 from vector<1xi32>
    %multiple_of3A_291 = tpu.assume_multiple %squeeze3A_290, 8 : i32
    %slice3A_292 = vector.extract_strided_slice %shift_left3A_288 {offsets = [2], sizes = [1], strides = [1]} : vector<16xi32> to vector<1xi32>
    %squeeze3A_293 = vector.extract %slice3A_292[0] : i32 from vector<1xi32>
    %multiple_of3A_294 = tpu.assume_multiple %squeeze3A_293, 128 : i32
    %dma_start3A_295 = arith.constant 144 : i32
    %dma_start3A_296 = arith.constant 0 : i32
    %dma_start3A_297 = tpu.memref_slice %arg9[%dma_start3A_295, %dma_start3A_296] : memref<256x128xf32, #tpu.memory_space<vmem>> -> memref<8x128xf32, #tpu.memory_space<vmem>>
    %dma_start3A_298 = tpu.memref_slice %arg2[%arg1, %multiple_of3A_291, %multiple_of3A_294] : memref<16x256x4096xf32, #tpu.memory_space<hbm>> -> memref<1x8x128xf32, #tpu.memory_space<hbm>>
    %dma_start3A_299 = tpu.memref_squeeze %dma_start3A_298 : memref<1x8x128xf32, #tpu.memory_space<hbm>> -> memref<8x128xf32, #tpu.memory_space<hbm>>
    %dma_start3A_300 = arith.constant 144 : i32
    %dma_start3A_301 = arith.constant 0 : i32
    %dma_start3A_302 = tpu.memref_slice %arg9[%dma_start3A_300, %dma_start3A_301] : memref<256x128xf32, #tpu.memory_space<vmem>> -> memref<8x128xf32, #tpu.memory_space<vmem>>
    %dma_start3A_303 = tpu.memref_slice %arg2[%arg1, %multiple_of3A_291, %multiple_of3A_294] : memref<16x256x4096xf32, #tpu.memory_space<hbm>> -> memref<1x8x128xf32, #tpu.memory_space<hbm>>
    %dma_start3A_304 = tpu.memref_squeeze %dma_start3A_303 : memref<1x8x128xf32, #tpu.memory_space<hbm>> -> memref<8x128xf32, #tpu.memory_space<hbm>>
    tpu.enqueue_dma source(%dma_start3A_304 : memref<8x128xf32, #tpu.memory_space<hbm>>) target(%dma_start3A_302 : memref<8x128xf32, #tpu.memory_space<vmem>>) target_semaphore(%arg15 : memref<!tpu.dma_semaphore, #tpu.memory_space<semaphore_mem>>)
    %slice3A_305 = vector.extract_strided_slice %shift_left3A_278 {offsets = [3], sizes = [1], strides = [1]} : vector<16xi32> to vector<1xi32>
    %squeeze3A_306 = vector.extract %slice3A_305[0] : i32 from vector<1xi32>
    %multiple_of3A_307 = tpu.assume_multiple %squeeze3A_306, 8 : i32
    %slice3A_308 = vector.extract_strided_slice %shift_left3A_288 {offsets = [3], sizes = [1], strides = [1]} : vector<16xi32> to vector<1xi32>
    %squeeze3A_309 = vector.extract %slice3A_308[0] : i32 from vector<1xi32>
    %multiple_of3A_310 = tpu.assume_multiple %squeeze3A_309, 128 : i32
    %dma_start3A_311 = arith.constant 152 : i32
    %dma_start3A_312 = arith.constant 0 : i32
    %dma_start3A_313 = tpu.memref_slice %arg9[%dma_start3A_311, %dma_start3A_312] : memref<256x128xf32, #tpu.memory_space<vmem>> -> memref<8x128xf32, #tpu.memory_space<vmem>>
    %dma_start3A_314 = tpu.memref_slice %arg2[%arg1, %multiple_of3A_307, %multiple_of3A_310] : memref<16x256x4096xf32, #tpu.memory_space<hbm>> -> memref<1x8x128xf32, #tpu.memory_space<hbm>>
    %dma_start3A_315 = tpu.memref_squeeze %dma_start3A_314 : memref<1x8x128xf32, #tpu.memory_space<hbm>> -> memref<8x128xf32, #tpu.memory_space<hbm>>
    %dma_start3A_316 = arith.constant 152 : i32
    %dma_start3A_317 = arith.constant 0 : i32
    %dma_start3A_318 = tpu.memref_slice %arg9[%dma_start3A_316, %dma_start3A_317] : memref<256x128xf32, #tpu.memory_space<vmem>> -> memref<8x128xf32, #tpu.memory_space<vmem>>
    %dma_start3A_319 = tpu.memref_slice %arg2[%arg1, %multiple_of3A_307, %multiple_of3A_310] : memref<16x256x4096xf32, #tpu.memory_space<hbm>> -> memref<1x8x128xf32, #tpu.memory_space<hbm>>
    %dma_start3A_320 = tpu.memref_squeeze %dma_start3A_319 : memref<1x8x128xf32, #tpu.memory_space<hbm>> -> memref<8x128xf32, #tpu.memory_space<hbm>>
    tpu.enqueue_dma source(%dma_start3A_320 : memref<8x128xf32, #tpu.memory_space<hbm>>) target(%dma_start3A_318 : memref<8x128xf32, #tpu.memory_space<vmem>>) target_semaphore(%arg15 : memref<!tpu.dma_semaphore, #tpu.memory_space<semaphore_mem>>)
    %slice3A_321 = vector.extract_strided_slice %shift_left3A_278 {offsets = [4], sizes = [1], strides = [1]} : vector<16xi32> to vector<1xi32>
    %squeeze3A_322 = vector.extract %slice3A_321[0] : i32 from vector<1xi32>
    %multiple_of3A_323 = tpu.assume_multiple %squeeze3A_322, 8 : i32
    %slice3A_324 = vector.extract_strided_slice %shift_left3A_288 {offsets = [4], sizes = [1], strides = [1]} : vector<16xi32> to vector<1xi32>
    %squeeze3A_325 = vector.extract %slice3A_324[0] : i32 from vector<1xi32>
    %multiple_of3A_326 = tpu.assume_multiple %squeeze3A_325, 128 : i32
    %dma_start3A_327 = arith.constant 160 : i32
    %dma_start3A_328 = arith.constant 0 : i32
    %dma_start3A_329 = tpu.memref_slice %arg9[%dma_start3A_327, %dma_start3A_328] : memref<256x128xf32, #tpu.memory_space<vmem>> -> memref<8x128xf32, #tpu.memory_space<vmem>>
    %dma_start3A_330 = tpu.memref_slice %arg2[%arg1, %multiple_of3A_323, %multiple_of3A_326] : memref<16x256x4096xf32, #tpu.memory_space<hbm>> -> memref<1x8x128xf32, #tpu.memory_space<hbm>>
    %dma_start3A_331 = tpu.memref_squeeze %dma_start3A_330 : memref<1x8x128xf32, #tpu.memory_space<hbm>> -> memref<8x128xf32, #tpu.memory_space<hbm>>
    %dma_start3A_332 = arith.constant 160 : i32
    %dma_start3A_333 = arith.constant 0 : i32
    %dma_start3A_334 = tpu.memref_slice %arg9[%dma_start3A_332, %dma_start3A_333] : memref<256x128xf32, #tpu.memory_space<vmem>> -> memref<8x128xf32, #tpu.memory_space<vmem>>
    %dma_start3A_335 = tpu.memref_slice %arg2[%arg1, %multiple_of3A_323, %multiple_of3A_326] : memref<16x256x4096xf32, #tpu.memory_space<hbm>> -> memref<1x8x128xf32, #tpu.memory_space<hbm>>
    %dma_start3A_336 = tpu.memref_squeeze %dma_start3A_335 : memref<1x8x128xf32, #tpu.memory_space<hbm>> -> memref<8x128xf32, #tpu.memory_space<hbm>>
    tpu.enqueue_dma source(%dma_start3A_336 : memref<8x128xf32, #tpu.memory_space<hbm>>) target(%dma_start3A_334 : memref<8x128xf32, #tpu.memory_space<vmem>>) target_semaphore(%arg15 : memref<!tpu.dma_semaphore, #tpu.memory_space<semaphore_mem>>)
    %slice3A_337 = vector.extract_strided_slice %shift_left3A_278 {offsets = [5], sizes = [1], strides = [1]} : vector<16xi32> to vector<1xi32>
    %squeeze3A_338 = vector.extract %slice3A_337[0] : i32 from vector<1xi32>
    %multiple_of3A_339 = tpu.assume_multiple %squeeze3A_338, 8 : i32
    %slice3A_340 = vector.extract_strided_slice %shift_left3A_288 {offsets = [5], sizes = [1], strides = [1]} : vector<16xi32> to vector<1xi32>
    %squeeze3A_341 = vector.extract %slice3A_340[0] : i32 from vector<1xi32>
    %multiple_of3A_342 = tpu.assume_multiple %squeeze3A_341, 128 : i32
    %dma_start3A_343 = arith.constant 168 : i32
    %dma_start3A_344 = arith.constant 0 : i32
    %dma_start3A_345 = tpu.memref_slice %arg9[%dma_start3A_343, %dma_start3A_344] : memref<256x128xf32, #tpu.memory_space<vmem>> -> memref<8x128xf32, #tpu.memory_space<vmem>>
    %dma_start3A_346 = tpu.memref_slice %arg2[%arg1, %multiple_of3A_339, %multiple_of3A_342] : memref<16x256x4096xf32, #tpu.memory_space<hbm>> -> memref<1x8x128xf32, #tpu.memory_space<hbm>>
    %dma_start3A_347 = tpu.memref_squeeze %dma_start3A_346 : memref<1x8x128xf32, #tpu.memory_space<hbm>> -> memref<8x128xf32, #tpu.memory_space<hbm>>
    %dma_start3A_348 = arith.constant 168 : i32
    %dma_start3A_349 = arith.constant 0 : i32
    %dma_start3A_350 = tpu.memref_slice %arg9[%dma_start3A_348, %dma_start3A_349] : memref<256x128xf32, #tpu.memory_space<vmem>> -> memref<8x128xf32, #tpu.memory_space<vmem>>
    %dma_start3A_351 = tpu.memref_slice %arg2[%arg1, %multiple_of3A_339, %multiple_of3A_342] : memref<16x256x4096xf32, #tpu.memory_space<hbm>> -> memref<1x8x128xf32, #tpu.memory_space<hbm>>
    %dma_start3A_352 = tpu.memref_squeeze %dma_start3A_351 : memref<1x8x128xf32, #tpu.memory_space<hbm>> -> memref<8x128xf32, #tpu.memory_space<hbm>>
    tpu.enqueue_dma source(%dma_start3A_352 : memref<8x128xf32, #tpu.memory_space<hbm>>) target(%dma_start3A_350 : memref<8x128xf32, #tpu.memory_space<vmem>>) target_semaphore(%arg15 : memref<!tpu.dma_semaphore, #tpu.memory_space<semaphore_mem>>)
    %slice3A_353 = vector.extract_strided_slice %shift_left3A_278 {offsets = [6], sizes = [1], strides = [1]} : vector<16xi32> to vector<1xi32>
    %squeeze3A_354 = vector.extract %slice3A_353[0] : i32 from vector<1xi32>
    %multiple_of3A_355 = tpu.assume_multiple %squeeze3A_354, 8 : i32
    %slice3A_356 = vector.extract_strided_slice %shift_left3A_288 {offsets = [6], sizes = [1], strides = [1]} : vector<16xi32> to vector<1xi32>
    %squeeze3A_357 = vector.extract %slice3A_356[0] : i32 from vector<1xi32>
    %multiple_of3A_358 = tpu.assume_multiple %squeeze3A_357, 128 : i32
    %dma_start3A_359 = arith.constant 176 : i32
    %dma_start3A_360 = arith.constant 0 : i32
    %dma_start3A_361 = tpu.memref_slice %arg9[%dma_start3A_359, %dma_start3A_360] : memref<256x128xf32, #tpu.memory_space<vmem>> -> memref<8x128xf32, #tpu.memory_space<vmem>>
    %dma_start3A_362 = tpu.memref_slice %arg2[%arg1, %multiple_of3A_355, %multiple_of3A_358] : memref<16x256x4096xf32, #tpu.memory_space<hbm>> -> memref<1x8x128xf32, #tpu.memory_space<hbm>>
    %dma_start3A_363 = tpu.memref_squeeze %dma_start3A_362 : memref<1x8x128xf32, #tpu.memory_space<hbm>> -> memref<8x128xf32, #tpu.memory_space<hbm>>
    %dma_start3A_364 = arith.constant 176 : i32
    %dma_start3A_365 = arith.constant 0 : i32
    %dma_start3A_366 = tpu.memref_slice %arg9[%dma_start3A_364, %dma_start3A_365] : memref<256x128xf32, #tpu.memory_space<vmem>> -> memref<8x128xf32, #tpu.memory_space<vmem>>
    %dma_start3A_367 = tpu.memref_slice %arg2[%arg1, %multiple_of3A_355, %multiple_of3A_358] : memref<16x256x4096xf32, #tpu.memory_space<hbm>> -> memref<1x8x128xf32, #tpu.memory_space<hbm>>
    %dma_start3A_368 = tpu.memref_squeeze %dma_start3A_367 : memref<1x8x128xf32, #tpu.memory_space<hbm>> -> memref<8x128xf32, #tpu.memory_space<hbm>>
    tpu.enqueue_dma source(%dma_start3A_368 : memref<8x128xf32, #tpu.memory_space<hbm>>) target(%dma_start3A_366 : memref<8x128xf32, #tpu.memory_space<vmem>>) target_semaphore(%arg15 : memref<!tpu.dma_semaphore, #tpu.memory_space<semaphore_mem>>)
    %slice3A_369 = vector.extract_strided_slice %shift_left3A_278 {offsets = [7], sizes = [1], strides = [1]} : vector<16xi32> to vector<1xi32>
    %squeeze3A_370 = vector.extract %slice3A_369[0] : i32 from vector<1xi32>
    %multiple_of3A_371 = tpu.assume_multiple %squeeze3A_370, 8 : i32
    %slice3A_372 = vector.extract_strided_slice %shift_left3A_288 {offsets = [7], sizes = [1], strides = [1]} : vector<16xi32> to vector<1xi32>
    %squeeze3A_373 = vector.extract %slice3A_372[0] : i32 from vector<1xi32>
    %multiple_of3A_374 = tpu.assume_multiple %squeeze3A_373, 128 : i32
    %dma_start3A_375 = arith.constant 184 : i32
    %dma_start3A_376 = arith.constant 0 : i32
    %dma_start3A_377 = tpu.memref_slice %arg9[%dma_start3A_375, %dma_start3A_376] : memref<256x128xf32, #tpu.memory_space<vmem>> -> memref<8x128xf32, #tpu.memory_space<vmem>>
    %dma_start3A_378 = tpu.memref_slice %arg2[%arg1, %multiple_of3A_371, %multiple_of3A_374] : memref<16x256x4096xf32, #tpu.memory_space<hbm>> -> memref<1x8x128xf32, #tpu.memory_space<hbm>>
    %dma_start3A_379 = tpu.memref_squeeze %dma_start3A_378 : memref<1x8x128xf32, #tpu.memory_space<hbm>> -> memref<8x128xf32, #tpu.memory_space<hbm>>
    %dma_start3A_380 = arith.constant 184 : i32
    %dma_start3A_381 = arith.constant 0 : i32
    %dma_start3A_382 = tpu.memref_slice %arg9[%dma_start3A_380, %dma_start3A_381] : memref<256x128xf32, #tpu.memory_space<vmem>> -> memref<8x128xf32, #tpu.memory_space<vmem>>
    %dma_start3A_383 = tpu.memref_slice %arg2[%arg1, %multiple_of3A_371, %multiple_of3A_374] : memref<16x256x4096xf32, #tpu.memory_space<hbm>> -> memref<1x8x128xf32, #tpu.memory_space<hbm>>
    %dma_start3A_384 = tpu.memref_squeeze %dma_start3A_383 : memref<1x8x128xf32, #tpu.memory_space<hbm>> -> memref<8x128xf32, #tpu.memory_space<hbm>>
    tpu.enqueue_dma source(%dma_start3A_384 : memref<8x128xf32, #tpu.memory_space<hbm>>) target(%dma_start3A_382 : memref<8x128xf32, #tpu.memory_space<vmem>>) target_semaphore(%arg15 : memref<!tpu.dma_semaphore, #tpu.memory_space<semaphore_mem>>)
    %slice3A_385 = vector.extract_strided_slice %shift_left3A_278 {offsets = [8], sizes = [1], strides = [1]} : vector<16xi32> to vector<1xi32>
    %squeeze3A_386 = vector.extract %slice3A_385[0] : i32 from vector<1xi32>
    %multiple_of3A_387 = tpu.assume_multiple %squeeze3A_386, 8 : i32
    %slice3A_388 = vector.extract_strided_slice %shift_left3A_288 {offsets = [8], sizes = [1], strides = [1]} : vector<16xi32> to vector<1xi32>
    %squeeze3A_389 = vector.extract %slice3A_388[0] : i32 from vector<1xi32>
    %multiple_of3A_390 = tpu.assume_multiple %squeeze3A_389, 128 : i32
    %dma_start3A_391 = arith.constant 192 : i32
    %dma_start3A_392 = arith.constant 0 : i32
    %dma_start3A_393 = tpu.memref_slice %arg9[%dma_start3A_391, %dma_start3A_392] : memref<256x128xf32, #tpu.memory_space<vmem>> -> memref<8x128xf32, #tpu.memory_space<vmem>>
    %dma_start3A_394 = tpu.memref_slice %arg2[%arg1, %multiple_of3A_387, %multiple_of3A_390] : memref<16x256x4096xf32, #tpu.memory_space<hbm>> -> memref<1x8x128xf32, #tpu.memory_space<hbm>>
    %dma_start3A_395 = tpu.memref_squeeze %dma_start3A_394 : memref<1x8x128xf32, #tpu.memory_space<hbm>> -> memref<8x128xf32, #tpu.memory_space<hbm>>
    %dma_start3A_396 = arith.constant 192 : i32
    %dma_start3A_397 = arith.constant 0 : i32
    %dma_start3A_398 = tpu.memref_slice %arg9[%dma_start3A_396, %dma_start3A_397] : memref<256x128xf32, #tpu.memory_space<vmem>> -> memref<8x128xf32, #tpu.memory_space<vmem>>
    %dma_start3A_399 = tpu.memref_slice %arg2[%arg1, %multiple_of3A_387, %multiple_of3A_390] : memref<16x256x4096xf32, #tpu.memory_space<hbm>> -> memref<1x8x128xf32, #tpu.memory_space<hbm>>
    %dma_start3A_400 = tpu.memref_squeeze %dma_start3A_399 : memref<1x8x128xf32, #tpu.memory_space<hbm>> -> memref<8x128xf32, #tpu.memory_space<hbm>>
    tpu.enqueue_dma source(%dma_start3A_400 : memref<8x128xf32, #tpu.memory_space<hbm>>) target(%dma_start3A_398 : memref<8x128xf32, #tpu.memory_space<vmem>>) target_semaphore(%arg15 : memref<!tpu.dma_semaphore, #tpu.memory_space<semaphore_mem>>)
    %slice3A_401 = vector.extract_strided_slice %shift_left3A_278 {offsets = [9], sizes = [1], strides = [1]} : vector<16xi32> to vector<1xi32>
    %squeeze3A_402 = vector.extract %slice3A_401[0] : i32 from vector<1xi32>
    %multiple_of3A_403 = tpu.assume_multiple %squeeze3A_402, 8 : i32
    %slice3A_404 = vector.extract_strided_slice %shift_left3A_288 {offsets = [9], sizes = [1], strides = [1]} : vector<16xi32> to vector<1xi32>
    %squeeze3A_405 = vector.extract %slice3A_404[0] : i32 from vector<1xi32>
    %multiple_of3A_406 = tpu.assume_multiple %squeeze3A_405, 128 : i32
    %dma_start3A_407 = arith.constant 200 : i32
    %dma_start3A_408 = arith.constant 0 : i32
    %dma_start3A_409 = tpu.memref_slice %arg9[%dma_start3A_407, %dma_start3A_408] : memref<256x128xf32, #tpu.memory_space<vmem>> -> memref<8x128xf32, #tpu.memory_space<vmem>>
    %dma_start3A_410 = tpu.memref_slice %arg2[%arg1, %multiple_of3A_403, %multiple_of3A_406] : memref<16x256x4096xf32, #tpu.memory_space<hbm>> -> memref<1x8x128xf32, #tpu.memory_space<hbm>>
    %dma_start3A_411 = tpu.memref_squeeze %dma_start3A_410 : memref<1x8x128xf32, #tpu.memory_space<hbm>> -> memref<8x128xf32, #tpu.memory_space<hbm>>
    %dma_start3A_412 = arith.constant 200 : i32
    %dma_start3A_413 = arith.constant 0 : i32
    %dma_start3A_414 = tpu.memref_slice %arg9[%dma_start3A_412, %dma_start3A_413] : memref<256x128xf32, #tpu.memory_space<vmem>> -> memref<8x128xf32, #tpu.memory_space<vmem>>
    %dma_start3A_415 = tpu.memref_slice %arg2[%arg1, %multiple_of3A_403, %multiple_of3A_406] : memref<16x256x4096xf32, #tpu.memory_space<hbm>> -> memref<1x8x128xf32, #tpu.memory_space<hbm>>
    %dma_start3A_416 = tpu.memref_squeeze %dma_start3A_415 : memref<1x8x128xf32, #tpu.memory_space<hbm>> -> memref<8x128xf32, #tpu.memory_space<hbm>>
    tpu.enqueue_dma source(%dma_start3A_416 : memref<8x128xf32, #tpu.memory_space<hbm>>) target(%dma_start3A_414 : memref<8x128xf32, #tpu.memory_space<vmem>>) target_semaphore(%arg15 : memref<!tpu.dma_semaphore, #tpu.memory_space<semaphore_mem>>)
    %slice3A_417 = vector.extract_strided_slice %shift_left3A_278 {offsets = [10], sizes = [1], strides = [1]} : vector<16xi32> to vector<1xi32>
    %squeeze3A_418 = vector.extract %slice3A_417[0] : i32 from vector<1xi32>
    %multiple_of3A_419 = tpu.assume_multiple %squeeze3A_418, 8 : i32
    %slice3A_420 = vector.extract_strided_slice %shift_left3A_288 {offsets = [10], sizes = [1], strides = [1]} : vector<16xi32> to vector<1xi32>
    %squeeze3A_421 = vector.extract %slice3A_420[0] : i32 from vector<1xi32>
    %multiple_of3A_422 = tpu.assume_multiple %squeeze3A_421, 128 : i32
    %dma_start3A_423 = arith.constant 208 : i32
    %dma_start3A_424 = arith.constant 0 : i32
    %dma_start3A_425 = tpu.memref_slice %arg9[%dma_start3A_423, %dma_start3A_424] : memref<256x128xf32, #tpu.memory_space<vmem>> -> memref<8x128xf32, #tpu.memory_space<vmem>>
    %dma_start3A_426 = tpu.memref_slice %arg2[%arg1, %multiple_of3A_419, %multiple_of3A_422] : memref<16x256x4096xf32, #tpu.memory_space<hbm>> -> memref<1x8x128xf32, #tpu.memory_space<hbm>>
    %dma_start3A_427 = tpu.memref_squeeze %dma_start3A_426 : memref<1x8x128xf32, #tpu.memory_space<hbm>> -> memref<8x128xf32, #tpu.memory_space<hbm>>
    %dma_start3A_428 = arith.constant 208 : i32
    %dma_start3A_429 = arith.constant 0 : i32
    %dma_start3A_430 = tpu.memref_slice %arg9[%dma_start3A_428, %dma_start3A_429] : memref<256x128xf32, #tpu.memory_space<vmem>> -> memref<8x128xf32, #tpu.memory_space<vmem>>
    %dma_start3A_431 = tpu.memref_slice %arg2[%arg1, %multiple_of3A_419, %multiple_of3A_422] : memref<16x256x4096xf32, #tpu.memory_space<hbm>> -> memref<1x8x128xf32, #tpu.memory_space<hbm>>
    %dma_start3A_432 = tpu.memref_squeeze %dma_start3A_431 : memref<1x8x128xf32, #tpu.memory_space<hbm>> -> memref<8x128xf32, #tpu.memory_space<hbm>>
    tpu.enqueue_dma source(%dma_start3A_432 : memref<8x128xf32, #tpu.memory_space<hbm>>) target(%dma_start3A_430 : memref<8x128xf32, #tpu.memory_space<vmem>>) target_semaphore(%arg15 : memref<!tpu.dma_semaphore, #tpu.memory_space<semaphore_mem>>)
    %slice3A_433 = vector.extract_strided_slice %shift_left3A_278 {offsets = [11], sizes = [1], strides = [1]} : vector<16xi32> to vector<1xi32>
    %squeeze3A_434 = vector.extract %slice3A_433[0] : i32 from vector<1xi32>
    %multiple_of3A_435 = tpu.assume_multiple %squeeze3A_434, 8 : i32
    %slice3A_436 = vector.extract_strided_slice %shift_left3A_288 {offsets = [11], sizes = [1], strides = [1]} : vector<16xi32> to vector<1xi32>
    %squeeze3A_437 = vector.extract %slice3A_436[0] : i32 from vector<1xi32>
    %multiple_of3A_438 = tpu.assume_multiple %squeeze3A_437, 128 : i32
    %dma_start3A_439 = arith.constant 216 : i32
    %dma_start3A_440 = arith.constant 0 : i32
    %dma_start3A_441 = tpu.memref_slice %arg9[%dma_start3A_439, %dma_start3A_440] : memref<256x128xf32, #tpu.memory_space<vmem>> -> memref<8x128xf32, #tpu.memory_space<vmem>>
    %dma_start3A_442 = tpu.memref_slice %arg2[%arg1, %multiple_of3A_435, %multiple_of3A_438] : memref<16x256x4096xf32, #tpu.memory_space<hbm>> -> memref<1x8x128xf32, #tpu.memory_space<hbm>>
    %dma_start3A_443 = tpu.memref_squeeze %dma_start3A_442 : memref<1x8x128xf32, #tpu.memory_space<hbm>> -> memref<8x128xf32, #tpu.memory_space<hbm>>
    %dma_start3A_444 = arith.constant 216 : i32
    %dma_start3A_445 = arith.constant 0 : i32
    %dma_start3A_446 = tpu.memref_slice %arg9[%dma_start3A_444, %dma_start3A_445] : memref<256x128xf32, #tpu.memory_space<vmem>> -> memref<8x128xf32, #tpu.memory_space<vmem>>
    %dma_start3A_447 = tpu.memref_slice %arg2[%arg1, %multiple_of3A_435, %multiple_of3A_438] : memref<16x256x4096xf32, #tpu.memory_space<hbm>> -> memref<1x8x128xf32, #tpu.memory_space<hbm>>
    %dma_start3A_448 = tpu.memref_squeeze %dma_start3A_447 : memref<1x8x128xf32, #tpu.memory_space<hbm>> -> memref<8x128xf32, #tpu.memory_space<hbm>>
    tpu.enqueue_dma source(%dma_start3A_448 : memref<8x128xf32, #tpu.memory_space<hbm>>) target(%dma_start3A_446 : memref<8x128xf32, #tpu.memory_space<vmem>>) target_semaphore(%arg15 : memref<!tpu.dma_semaphore, #tpu.memory_space<semaphore_mem>>)
    %slice3A_449 = vector.extract_strided_slice %shift_left3A_278 {offsets = [12], sizes = [1], strides = [1]} : vector<16xi32> to vector<1xi32>
    %squeeze3A_450 = vector.extract %slice3A_449[0] : i32 from vector<1xi32>
    %multiple_of3A_451 = tpu.assume_multiple %squeeze3A_450, 8 : i32
    %slice3A_452 = vector.extract_strided_slice %shift_left3A_288 {offsets = [12], sizes = [1], strides = [1]} : vector<16xi32> to vector<1xi32>
    %squeeze3A_453 = vector.extract %slice3A_452[0] : i32 from vector<1xi32>
    %multiple_of3A_454 = tpu.assume_multiple %squeeze3A_453, 128 : i32
    %dma_start3A_455 = arith.constant 224 : i32
    %dma_start3A_456 = arith.constant 0 : i32
    %dma_start3A_457 = tpu.memref_slice %arg9[%dma_start3A_455, %dma_start3A_456] : memref<256x128xf32, #tpu.memory_space<vmem>> -> memref<8x128xf32, #tpu.memory_space<vmem>>
    %dma_start3A_458 = tpu.memref_slice %arg2[%arg1, %multiple_of3A_451, %multiple_of3A_454] : memref<16x256x4096xf32, #tpu.memory_space<hbm>> -> memref<1x8x128xf32, #tpu.memory_space<hbm>>
    %dma_start3A_459 = tpu.memref_squeeze %dma_start3A_458 : memref<1x8x128xf32, #tpu.memory_space<hbm>> -> memref<8x128xf32, #tpu.memory_space<hbm>>
    %dma_start3A_460 = arith.constant 224 : i32
    %dma_start3A_461 = arith.constant 0 : i32
    %dma_start3A_462 = tpu.memref_slice %arg9[%dma_start3A_460, %dma_start3A_461] : memref<256x128xf32, #tpu.memory_space<vmem>> -> memref<8x128xf32, #tpu.memory_space<vmem>>
    %dma_start3A_463 = tpu.memref_slice %arg2[%arg1, %multiple_of3A_451, %multiple_of3A_454] : memref<16x256x4096xf32, #tpu.memory_space<hbm>> -> memref<1x8x128xf32, #tpu.memory_space<hbm>>
    %dma_start3A_464 = tpu.memref_squeeze %dma_start3A_463 : memref<1x8x128xf32, #tpu.memory_space<hbm>> -> memref<8x128xf32, #tpu.memory_space<hbm>>
    tpu.enqueue_dma source(%dma_start3A_464 : memref<8x128xf32, #tpu.memory_space<hbm>>) target(%dma_start3A_462 : memref<8x128xf32, #tpu.memory_space<vmem>>) target_semaphore(%arg15 : memref<!tpu.dma_semaphore, #tpu.memory_space<semaphore_mem>>)
    %slice3A_465 = vector.extract_strided_slice %shift_left3A_278 {offsets = [13], sizes = [1], strides = [1]} : vector<16xi32> to vector<1xi32>
    %squeeze3A_466 = vector.extract %slice3A_465[0] : i32 from vector<1xi32>
    %multiple_of3A_467 = tpu.assume_multiple %squeeze3A_466, 8 : i32
    %slice3A_468 = vector.extract_strided_slice %shift_left3A_288 {offsets = [13], sizes = [1], strides = [1]} : vector<16xi32> to vector<1xi32>
    %squeeze3A_469 = vector.extract %slice3A_468[0] : i32 from vector<1xi32>
    %multiple_of3A_470 = tpu.assume_multiple %squeeze3A_469, 128 : i32
    %dma_start3A_471 = arith.constant 232 : i32
    %dma_start3A_472 = arith.constant 0 : i32
    %dma_start3A_473 = tpu.memref_slice %arg9[%dma_start3A_471, %dma_start3A_472] : memref<256x128xf32, #tpu.memory_space<vmem>> -> memref<8x128xf32, #tpu.memory_space<vmem>>
    %dma_start3A_474 = tpu.memref_slice %arg2[%arg1, %multiple_of3A_467, %multiple_of3A_470] : memref<16x256x4096xf32, #tpu.memory_space<hbm>> -> memref<1x8x128xf32, #tpu.memory_space<hbm>>
    %dma_start3A_475 = tpu.memref_squeeze %dma_start3A_474 : memref<1x8x128xf32, #tpu.memory_space<hbm>> -> memref<8x128xf32, #tpu.memory_space<hbm>>
    %dma_start3A_476 = arith.constant 232 : i32
    %dma_start3A_477 = arith.constant 0 : i32
    %dma_start3A_478 = tpu.memref_slice %arg9[%dma_start3A_476, %dma_start3A_477] : memref<256x128xf32, #tpu.memory_space<vmem>> -> memref<8x128xf32, #tpu.memory_space<vmem>>
    %dma_start3A_479 = tpu.memref_slice %arg2[%arg1, %multiple_of3A_467, %multiple_of3A_470] : memref<16x256x4096xf32, #tpu.memory_space<hbm>> -> memref<1x8x128xf32, #tpu.memory_space<hbm>>
    %dma_start3A_480 = tpu.memref_squeeze %dma_start3A_479 : memref<1x8x128xf32, #tpu.memory_space<hbm>> -> memref<8x128xf32, #tpu.memory_space<hbm>>
    tpu.enqueue_dma source(%dma_start3A_480 : memref<8x128xf32, #tpu.memory_space<hbm>>) target(%dma_start3A_478 : memref<8x128xf32, #tpu.memory_space<vmem>>) target_semaphore(%arg15 : memref<!tpu.dma_semaphore, #tpu.memory_space<semaphore_mem>>)
    %slice3A_481 = vector.extract_strided_slice %shift_left3A_278 {offsets = [14], sizes = [1], strides = [1]} : vector<16xi32> to vector<1xi32>
    %squeeze3A_482 = vector.extract %slice3A_481[0] : i32 from vector<1xi32>
    %multiple_of3A_483 = tpu.assume_multiple %squeeze3A_482, 8 : i32
    %slice3A_484 = vector.extract_strided_slice %shift_left3A_288 {offsets = [14], sizes = [1], strides = [1]} : vector<16xi32> to vector<1xi32>
    %squeeze3A_485 = vector.extract %slice3A_484[0] : i32 from vector<1xi32>
    %multiple_of3A_486 = tpu.assume_multiple %squeeze3A_485, 128 : i32
    %dma_start3A_487 = arith.constant 240 : i32
    %dma_start3A_488 = arith.constant 0 : i32
    %dma_start3A_489 = tpu.memref_slice %arg9[%dma_start3A_487, %dma_start3A_488] : memref<256x128xf32, #tpu.memory_space<vmem>> -> memref<8x128xf32, #tpu.memory_space<vmem>>
    %dma_start3A_490 = tpu.memref_slice %arg2[%arg1, %multiple_of3A_483, %multiple_of3A_486] : memref<16x256x4096xf32, #tpu.memory_space<hbm>> -> memref<1x8x128xf32, #tpu.memory_space<hbm>>
    %dma_start3A_491 = tpu.memref_squeeze %dma_start3A_490 : memref<1x8x128xf32, #tpu.memory_space<hbm>> -> memref<8x128xf32, #tpu.memory_space<hbm>>
    %dma_start3A_492 = arith.constant 240 : i32
    %dma_start3A_493 = arith.constant 0 : i32
    %dma_start3A_494 = tpu.memref_slice %arg9[%dma_start3A_492, %dma_start3A_493] : memref<256x128xf32, #tpu.memory_space<vmem>> -> memref<8x128xf32, #tpu.memory_space<vmem>>
    %dma_start3A_495 = tpu.memref_slice %arg2[%arg1, %multiple_of3A_483, %multiple_of3A_486] : memref<16x256x4096xf32, #tpu.memory_space<hbm>> -> memref<1x8x128xf32, #tpu.memory_space<hbm>>
    %dma_start3A_496 = tpu.memref_squeeze %dma_start3A_495 : memref<1x8x128xf32, #tpu.memory_space<hbm>> -> memref<8x128xf32, #tpu.memory_space<hbm>>
    tpu.enqueue_dma source(%dma_start3A_496 : memref<8x128xf32, #tpu.memory_space<hbm>>) target(%dma_start3A_494 : memref<8x128xf32, #tpu.memory_space<vmem>>) target_semaphore(%arg15 : memref<!tpu.dma_semaphore, #tpu.memory_space<semaphore_mem>>)
    %slice3A_497 = vector.extract_strided_slice %shift_left3A_278 {offsets = [15], sizes = [1], strides = [1]} : vector<16xi32> to vector<1xi32>
    %squeeze3A_498 = vector.extract %slice3A_497[0] : i32 from vector<1xi32>
    %multiple_of3A_499 = tpu.assume_multiple %squeeze3A_498, 8 : i32
    %slice3A_500 = vector.extract_strided_slice %shift_left3A_288 {offsets = [15], sizes = [1], strides = [1]} : vector<16xi32> to vector<1xi32>
    %squeeze3A_501 = vector.extract %slice3A_500[0] : i32 from vector<1xi32>
    %multiple_of3A_502 = tpu.assume_multiple %squeeze3A_501, 128 : i32
    %dma_start3A_503 = arith.constant 248 : i32
    %dma_start3A_504 = arith.constant 0 : i32
    %dma_start3A_505 = tpu.memref_slice %arg9[%dma_start3A_503, %dma_start3A_504] : memref<256x128xf32, #tpu.memory_space<vmem>> -> memref<8x128xf32, #tpu.memory_space<vmem>>
    %dma_start3A_506 = tpu.memref_slice %arg2[%arg1, %multiple_of3A_499, %multiple_of3A_502] : memref<16x256x4096xf32, #tpu.memory_space<hbm>> -> memref<1x8x128xf32, #tpu.memory_space<hbm>>
    %dma_start3A_507 = tpu.memref_squeeze %dma_start3A_506 : memref<1x8x128xf32, #tpu.memory_space<hbm>> -> memref<8x128xf32, #tpu.memory_space<hbm>>
    %dma_start3A_508 = arith.constant 248 : i32
    %dma_start3A_509 = arith.constant 0 : i32
    %dma_start3A_510 = tpu.memref_slice %arg9[%dma_start3A_508, %dma_start3A_509] : memref<256x128xf32, #tpu.memory_space<vmem>> -> memref<8x128xf32, #tpu.memory_space<vmem>>
    %dma_start3A_511 = tpu.memref_slice %arg2[%arg1, %multiple_of3A_499, %multiple_of3A_502] : memref<16x256x4096xf32, #tpu.memory_space<hbm>> -> memref<1x8x128xf32, #tpu.memory_space<hbm>>
    %dma_start3A_512 = tpu.memref_squeeze %dma_start3A_511 : memref<1x8x128xf32, #tpu.memory_space<hbm>> -> memref<8x128xf32, #tpu.memory_space<hbm>>
    tpu.enqueue_dma source(%dma_start3A_512 : memref<8x128xf32, #tpu.memory_space<hbm>>) target(%dma_start3A_510 : memref<8x128xf32, #tpu.memory_space<vmem>>) target_semaphore(%arg15 : memref<!tpu.dma_semaphore, #tpu.memory_space<semaphore_mem>>)
    %broadcast_in_dim3A = arith.constant 0.000000e+00 : f32
    %broadcast_in_dim3A_513 = vector.broadcast %broadcast_in_dim3A : f32 to vector<16xf32>
    %broadcast_in_dim3A_514 = arith.constant 0.000000e+00 : f32
    %broadcast_in_dim3A_515 = vector.broadcast %broadcast_in_dim3A_514 : f32 to vector<16xf32>
    %iota3A = tpu.iota {dimensions = array<i32: 0>} : vector<16xi32>
    %get3A_516 = arith.index_cast %arg1 : i32 to index
    %get3A_517 = arith.constant 0 : index
    %get3A_518 = tpu.vector_load %arg7[%get3A_516, %get3A_517] {strides = array<i32>} : memref<16x30xi32, #tpu.memory_space<vmem>>, vector<1x16xi32>,
    %get3A_519 = vector.shape_cast %get3A_518 : vector<1x16xi32> to vector<16xi32>
    %get3A_520 = arith.index_cast %arg1 : i32 to index
    %get3A_521 = arith.constant 0 : index
    %get3A_522 = tpu.vector_load %arg8[%get3A_520, %get3A_521] {strides = array<i32>} : memref<16x30xi32, #tpu.memory_space<vmem>>, vector<1x16xi32>,
    %get3A_523 = vector.shape_cast %get3A_522 : vector<1x16xi32> to vector<16xi32>
    %and3A = arith.constant 7 : i32
    %and3A_524 = vector.broadcast %and3A : i32 to vector<16xi32>
    %and3A_525 = arith.andi %get3A_519, %and3A_524 : vector<16xi32>
    %and3A_526 = arith.constant 127 : i32
    %and3A_527 = vector.broadcast %and3A_526 : i32 to vector<16xi32>
    %and3A_528 = arith.andi %get3A_523, %and3A_527 : vector<16xi32>
    %and3A_529 = arith.constant -16 : i32
    %and3A_530 = vector.broadcast %and3A_529 : i32 to vector<16xi32>
    %and3A_531 = arith.andi %and3A_528, %and3A_530 : vector<16xi32>
    %ne3A = arith.constant 0 : i32
    %ne3A_532 = vector.broadcast %ne3A : i32 to vector<16xi32>
    %ne3A_533 = arith.cmpi ne, %get3A_519, %ne3A_532 : vector<16xi32>
    %and3A_534 = arith.constant 15 : i32
    %and3A_535 = vector.broadcast %and3A_534 : i32 to vector<16xi32>
    %and3A_536 = arith.andi %get3A_523, %and3A_535 : vector<16xi32>
    %jit3A = arith.constant 16 : i32
    %broadcast_in_dim3A_537 = vector.broadcast %jit3A : i32 to vector<16xi32>
    %select_n3A = arith.select %ne3A_533, %and3A_536, %broadcast_in_dim3A_537 : vector<16xi1>, vector<16xi32>
    %dma_wait3A = arith.constant 0 : i32
    %dma_wait3A_538 = arith.constant 0 : i32
    %dma_wait3A_539 = tpu.memref_slice %arg9[%dma_wait3A, %dma_wait3A_538] : memref<256x128xf32, #tpu.memory_space<vmem>> -> memref<8x128xf32, #tpu.memory_space<vmem>>
    %dma_wait3A_540 = tpu.memref_slice %arg2[%arg1, %multiple_of3A, %multiple_of3A_19] : memref<16x256x4096xf32, #tpu.memory_space<hbm>> -> memref<1x8x128xf32, #tpu.memory_space<hbm>>
    %dma_wait3A_541 = tpu.memref_squeeze %dma_wait3A_540 : memref<1x8x128xf32, #tpu.memory_space<hbm>> -> memref<8x128xf32, #tpu.memory_space<hbm>>
    %dma_wait3A_542 = arith.constant 0 : i32
    %dma_wait3A_543 = arith.constant 0 : i32
    %dma_wait3A_544 = tpu.memref_slice %arg9[%dma_wait3A_542, %dma_wait3A_543] : memref<256x128xf32, #tpu.memory_space<vmem>> -> memref<8x128xf32, #tpu.memory_space<vmem>>
    %dma_wait3A_545 = tpu.memref_slice %arg2[%arg1, %multiple_of3A, %multiple_of3A_19] : memref<16x256x4096xf32, #tpu.memory_space<hbm>> -> memref<1x8x128xf32, #tpu.memory_space<hbm>>
    %dma_wait3A_546 = tpu.memref_squeeze %dma_wait3A_545 : memref<1x8x128xf32, #tpu.memory_space<hbm>> -> memref<8x128xf32, #tpu.memory_space<hbm>>
    tpu.wait_dma2 semaphore(%arg15 : memref<!tpu.dma_semaphore, #tpu.memory_space<semaphore_mem>>) src(%dma_wait3A_546 : memref<8x128xf32, #tpu.memory_space<hbm>>) dst(%dma_wait3A_544 : memref<8x128xf32, #tpu.memory_space<vmem>>)
    %slice3A_547 = vector.extract_strided_slice %and3A_525 {offsets = [0], sizes = [1], strides = [1]} : vector<16xi32> to vector<1xi32>
    %squeeze3A_548 = vector.extract %slice3A_547[0] : i32 from vector<1xi32>
    %add3A = arith.constant 0 : i32
    %add3A_549 = arith.addi %add3A, %squeeze3A_548 : i32
    %slice3A_550 = vector.extract_strided_slice %and3A_531 {offsets = [0], sizes = [1], strides = [1]} : vector<16xi32> to vector<1xi32>
    %squeeze3A_551 = vector.extract %slice3A_550[0] : i32 from vector<1xi32>
    %get3A_552 = arith.index_cast %add3A_549 : i32 to index
    %get3A_553 = arith.index_cast %squeeze3A_551 : i32 to index
    %get3A_554 = tpu.vector_load %arg9[%get3A_552, %get3A_553] {strides = array<i32>} : memref<256x128xf32, #tpu.memory_space<vmem>>, vector<1x16xf32>,
    %get3A_555 = vector.shape_cast %get3A_554 : vector<1x16xf32> to vector<16xf32>
    %slice3A_556 = vector.extract_strided_slice %select_n3A {offsets = [0], sizes = [1], strides = [1]} : vector<16xi32> to vector<1xi32>
    %squeeze3A_557 = vector.extract %slice3A_556[0] : i32 from vector<1xi32>
    %eq3A = vector.broadcast %squeeze3A_557 : i32 to vector<16xi32>
    %eq3A_558 = arith.cmpi eq, %iota3A, %eq3A : vector<16xi32>
    %jit3A_559 = arith.constant 0.000000e+00 : f32
    %broadcast_in_dim3A_560 = vector.broadcast %jit3A_559 : f32 to vector<16xf32>
    %select_n3A_561 = arith.select %eq3A_558, %get3A_555, %broadcast_in_dim3A_560 : vector<16xi1>, vector<16xf32>
    %add3A_562 = arith.addf %broadcast_in_dim3A_513, %select_n3A_561 : vector<16xf32>
    %dma_wait3A_563 = arith.constant 8 : i32
    %dma_wait3A_564 = arith.constant 0 : i32
    %dma_wait3A_565 = tpu.memref_slice %arg9[%dma_wait3A_563, %dma_wait3A_564] : memref<256x128xf32, #tpu.memory_space<vmem>> -> memref<8x128xf32, #tpu.memory_space<vmem>>
    %dma_wait3A_566 = tpu.memref_slice %arg2[%arg1, %multiple_of3A_31, %multiple_of3A_34] : memref<16x256x4096xf32, #tpu.memory_space<hbm>> -> memref<1x8x128xf32, #tpu.memory_space<hbm>>
    %dma_wait3A_567 = tpu.memref_squeeze %dma_wait3A_566 : memref<1x8x128xf32, #tpu.memory_space<hbm>> -> memref<8x128xf32, #tpu.memory_space<hbm>>
    %dma_wait3A_568 = arith.constant 8 : i32
    %dma_wait3A_569 = arith.constant 0 : i32
    %dma_wait3A_570 = tpu.memref_slice %arg9[%dma_wait3A_568, %dma_wait3A_569] : memref<256x128xf32, #tpu.memory_space<vmem>> -> memref<8x128xf32, #tpu.memory_space<vmem>>
    %dma_wait3A_571 = tpu.memref_slice %arg2[%arg1, %multiple_of3A_31, %multiple_of3A_34] : memref<16x256x4096xf32, #tpu.memory_space<hbm>> -> memref<1x8x128xf32, #tpu.memory_space<hbm>>
    %dma_wait3A_572 = tpu.memref_squeeze %dma_wait3A_571 : memref<1x8x128xf32, #tpu.memory_space<hbm>> -> memref<8x128xf32, #tpu.memory_space<hbm>>
    tpu.wait_dma2 semaphore(%arg15 : memref<!tpu.dma_semaphore, #tpu.memory_space<semaphore_mem>>) src(%dma_wait3A_572 : memref<8x128xf32, #tpu.memory_space<hbm>>) dst(%dma_wait3A_570 : memref<8x128xf32, #tpu.memory_space<vmem>>)
    %slice3A_573 = vector.extract_strided_slice %and3A_525 {offsets = [1], sizes = [1], strides = [1]} : vector<16xi32> to vector<1xi32>
    %squeeze3A_574 = vector.extract %slice3A_573[0] : i32 from vector<1xi32>
    %add3A_575 = arith.constant 8 : i32
    %add3A_576 = arith.addi %add3A_575, %squeeze3A_574 : i32
    %slice3A_577 = vector.extract_strided_slice %and3A_531 {offsets = [1], sizes = [1], strides = [1]} : vector<16xi32> to vector<1xi32>
    %squeeze3A_578 = vector.extract %slice3A_577[0] : i32 from vector<1xi32>
    %get3A_579 = arith.index_cast %add3A_576 : i32 to index
    %get3A_580 = arith.index_cast %squeeze3A_578 : i32 to index
    %get3A_581 = tpu.vector_load %arg9[%get3A_579, %get3A_580] {strides = array<i32>} : memref<256x128xf32, #tpu.memory_space<vmem>>, vector<1x16xf32>,
    %get3A_582 = vector.shape_cast %get3A_581 : vector<1x16xf32> to vector<16xf32>
    %slice3A_583 = vector.extract_strided_slice %select_n3A {offsets = [1], sizes = [1], strides = [1]} : vector<16xi32> to vector<1xi32>
    %squeeze3A_584 = vector.extract %slice3A_583[0] : i32 from vector<1xi32>
    %eq3A_585 = vector.broadcast %squeeze3A_584 : i32 to vector<16xi32>
    %eq3A_586 = arith.cmpi eq, %iota3A, %eq3A_585 : vector<16xi32>
    %jit3A_587 = arith.constant 0.000000e+00 : f32
    %broadcast_in_dim3A_588 = vector.broadcast %jit3A_587 : f32 to vector<16xf32>
    %select_n3A_589 = arith.select %eq3A_586, %get3A_582, %broadcast_in_dim3A_588 : vector<16xi1>, vector<16xf32>
    %add3A_590 = arith.addf %broadcast_in_dim3A_515, %select_n3A_589 : vector<16xf32>
    %dma_wait3A_591 = arith.constant 16 : i32
    %dma_wait3A_592 = arith.constant 0 : i32
    %dma_wait3A_593 = tpu.memref_slice %arg9[%dma_wait3A_591, %dma_wait3A_592] : memref<256x128xf32, #tpu.memory_space<vmem>> -> memref<8x128xf32, #tpu.memory_space<vmem>>
    %dma_wait3A_594 = tpu.memref_slice %arg2[%arg1, %multiple_of3A_47, %multiple_of3A_50] : memref<16x256x4096xf32, #tpu.memory_space<hbm>> -> memref<1x8x128xf32, #tpu.memory_space<hbm>>
    %dma_wait3A_595 = tpu.memref_squeeze %dma_wait3A_594 : memref<1x8x128xf32, #tpu.memory_space<hbm>> -> memref<8x128xf32, #tpu.memory_space<hbm>>
    %dma_wait3A_596 = arith.constant 16 : i32
    %dma_wait3A_597 = arith.constant 0 : i32
    %dma_wait3A_598 = tpu.memref_slice %arg9[%dma_wait3A_596, %dma_wait3A_597] : memref<256x128xf32, #tpu.memory_space<vmem>> -> memref<8x128xf32, #tpu.memory_space<vmem>>
    %dma_wait3A_599 = tpu.memref_slice %arg2[%arg1, %multiple_of3A_47, %multiple_of3A_50] : memref<16x256x4096xf32, #tpu.memory_space<hbm>> -> memref<1x8x128xf32, #tpu.memory_space<hbm>>
    %dma_wait3A_600 = tpu.memref_squeeze %dma_wait3A_599 : memref<1x8x128xf32, #tpu.memory_space<hbm>> -> memref<8x128xf32, #tpu.memory_space<hbm>>
    tpu.wait_dma2 semaphore(%arg15 : memref<!tpu.dma_semaphore, #tpu.memory_space<semaphore_mem>>) src(%dma_wait3A_600 : memref<8x128xf32, #tpu.memory_space<hbm>>) dst(%dma_wait3A_598 : memref<8x128xf32, #tpu.memory_space<vmem>>)
    %slice3A_601 = vector.extract_strided_slice %and3A_525 {offsets = [2], sizes = [1], strides = [1]} : vector<16xi32> to vector<1xi32>
    %squeeze3A_602 = vector.extract %slice3A_601[0] : i32 from vector<1xi32>
    %add3A_603 = arith.constant 16 : i32
    %add3A_604 = arith.addi %add3A_603, %squeeze3A_602 : i32
    %slice3A_605 = vector.extract_strided_slice %and3A_531 {offsets = [2], sizes = [1], strides = [1]} : vector<16xi32> to vector<1xi32>
    %squeeze3A_606 = vector.extract %slice3A_605[0] : i32 from vector<1xi32>
    %get3A_607 = arith.index_cast %add3A_604 : i32 to index
    %get3A_608 = arith.index_cast %squeeze3A_606 : i32 to index
    %get3A_609 = tpu.vector_load %arg9[%get3A_607, %get3A_608] {strides = array<i32>} : memref<256x128xf32, #tpu.memory_space<vmem>>, vector<1x16xf32>,
    %get3A_610 = vector.shape_cast %get3A_609 : vector<1x16xf32> to vector<16xf32>
    %slice3A_611 = vector.extract_strided_slice %select_n3A {offsets = [2], sizes = [1], strides = [1]} : vector<16xi32> to vector<1xi32>
    %squeeze3A_612 = vector.extract %slice3A_611[0] : i32 from vector<1xi32>
    %eq3A_613 = vector.broadcast %squeeze3A_612 : i32 to vector<16xi32>
    %eq3A_614 = arith.cmpi eq, %iota3A, %eq3A_613 : vector<16xi32>
    %jit3A_615 = arith.constant 0.000000e+00 : f32
    %broadcast_in_dim3A_616 = vector.broadcast %jit3A_615 : f32 to vector<16xf32>
    %select_n3A_617 = arith.select %eq3A_614, %get3A_610, %broadcast_in_dim3A_616 : vector<16xi1>, vector<16xf32>
    %add3A_618 = arith.addf %add3A_562, %select_n3A_617 : vector<16xf32>
    %dma_wait3A_619 = arith.constant 24 : i32
    %dma_wait3A_620 = arith.constant 0 : i32
    %dma_wait3A_621 = tpu.memref_slice %arg9[%dma_wait3A_619, %dma_wait3A_620] : memref<256x128xf32, #tpu.memory_space<vmem>> -> memref<8x128xf32, #tpu.memory_space<vmem>>
    %dma_wait3A_622 = tpu.memref_slice %arg2[%arg1, %multiple_of3A_63, %multiple_of3A_66] : memref<16x256x4096xf32, #tpu.memory_space<hbm>> -> memref<1x8x128xf32, #tpu.memory_space<hbm>>
    %dma_wait3A_623 = tpu.memref_squeeze %dma_wait3A_622 : memref<1x8x128xf32, #tpu.memory_space<hbm>> -> memref<8x128xf32, #tpu.memory_space<hbm>>
    %dma_wait3A_624 = arith.constant 24 : i32
    %dma_wait3A_625 = arith.constant 0 : i32
    %dma_wait3A_626 = tpu.memref_slice %arg9[%dma_wait3A_624, %dma_wait3A_625] : memref<256x128xf32, #tpu.memory_space<vmem>> -> memref<8x128xf32, #tpu.memory_space<vmem>>
    %dma_wait3A_627 = tpu.memref_slice %arg2[%arg1, %multiple_of3A_63, %multiple_of3A_66] : memref<16x256x4096xf32, #tpu.memory_space<hbm>> -> memref<1x8x128xf32, #tpu.memory_space<hbm>>
    %dma_wait3A_628 = tpu.memref_squeeze %dma_wait3A_627 : memref<1x8x128xf32, #tpu.memory_space<hbm>> -> memref<8x128xf32, #tpu.memory_space<hbm>>
    tpu.wait_dma2 semaphore(%arg15 : memref<!tpu.dma_semaphore, #tpu.memory_space<semaphore_mem>>) src(%dma_wait3A_628 : memref<8x128xf32, #tpu.memory_space<hbm>>) dst(%dma_wait3A_626 : memref<8x128xf32, #tpu.memory_space<vmem>>)
    %slice3A_629 = vector.extract_strided_slice %and3A_525 {offsets = [3], sizes = [1], strides = [1]} : vector<16xi32> to vector<1xi32>
    %squeeze3A_630 = vector.extract %slice3A_629[0] : i32 from vector<1xi32>
    %add3A_631 = arith.constant 24 : i32
    %add3A_632 = arith.addi %add3A_631, %squeeze3A_630 : i32
    %slice3A_633 = vector.extract_strided_slice %and3A_531 {offsets = [3], sizes = [1], strides = [1]} : vector<16xi32> to vector<1xi32>
    %squeeze3A_634 = vector.extract %slice3A_633[0] : i32 from vector<1xi32>
    %get3A_635 = arith.index_cast %add3A_632 : i32 to index
    %get3A_636 = arith.index_cast %squeeze3A_634 : i32 to index
    %get3A_637 = tpu.vector_load %arg9[%get3A_635, %get3A_636] {strides = array<i32>} : memref<256x128xf32, #tpu.memory_space<vmem>>, vector<1x16xf32>,
    %get3A_638 = vector.shape_cast %get3A_637 : vector<1x16xf32> to vector<16xf32>
    %slice3A_639 = vector.extract_strided_slice %select_n3A {offsets = [3], sizes = [1], strides = [1]} : vector<16xi32> to vector<1xi32>
    %squeeze3A_640 = vector.extract %slice3A_639[0] : i32 from vector<1xi32>
    %eq3A_641 = vector.broadcast %squeeze3A_640 : i32 to vector<16xi32>
    %eq3A_642 = arith.cmpi eq, %iota3A, %eq3A_641 : vector<16xi32>
    %jit3A_643 = arith.constant 0.000000e+00 : f32
    %broadcast_in_dim3A_644 = vector.broadcast %jit3A_643 : f32 to vector<16xf32>
    %select_n3A_645 = arith.select %eq3A_642, %get3A_638, %broadcast_in_dim3A_644 : vector<16xi1>, vector<16xf32>
    %add3A_646 = arith.addf %add3A_590, %select_n3A_645 : vector<16xf32>
    %dma_wait3A_647 = arith.constant 32 : i32
    %dma_wait3A_648 = arith.constant 0 : i32
    %dma_wait3A_649 = tpu.memref_slice %arg9[%dma_wait3A_647, %dma_wait3A_648] : memref<256x128xf32, #tpu.memory_space<vmem>> -> memref<8x128xf32, #tpu.memory_space<vmem>>
    %dma_wait3A_650 = tpu.memref_slice %arg2[%arg1, %multiple_of3A_79, %multiple_of3A_82] : memref<16x256x4096xf32, #tpu.memory_space<hbm>> -> memref<1x8x128xf32, #tpu.memory_space<hbm>>
    %dma_wait3A_651 = tpu.memref_squeeze %dma_wait3A_650 : memref<1x8x128xf32, #tpu.memory_space<hbm>> -> memref<8x128xf32, #tpu.memory_space<hbm>>
    %dma_wait3A_652 = arith.constant 32 : i32
    %dma_wait3A_653 = arith.constant 0 : i32
    %dma_wait3A_654 = tpu.memref_slice %arg9[%dma_wait3A_652, %dma_wait3A_653] : memref<256x128xf32, #tpu.memory_space<vmem>> -> memref<8x128xf32, #tpu.memory_space<vmem>>
    %dma_wait3A_655 = tpu.memref_slice %arg2[%arg1, %multiple_of3A_79, %multiple_of3A_82] : memref<16x256x4096xf32, #tpu.memory_space<hbm>> -> memref<1x8x128xf32, #tpu.memory_space<hbm>>
    %dma_wait3A_656 = tpu.memref_squeeze %dma_wait3A_655 : memref<1x8x128xf32, #tpu.memory_space<hbm>> -> memref<8x128xf32, #tpu.memory_space<hbm>>
    tpu.wait_dma2 semaphore(%arg15 : memref<!tpu.dma_semaphore, #tpu.memory_space<semaphore_mem>>) src(%dma_wait3A_656 : memref<8x128xf32, #tpu.memory_space<hbm>>) dst(%dma_wait3A_654 : memref<8x128xf32, #tpu.memory_space<vmem>>)
    %slice3A_657 = vector.extract_strided_slice %and3A_525 {offsets = [4], sizes = [1], strides = [1]} : vector<16xi32> to vector<1xi32>
    %squeeze3A_658 = vector.extract %slice3A_657[0] : i32 from vector<1xi32>
    %add3A_659 = arith.constant 32 : i32
    %add3A_660 = arith.addi %add3A_659, %squeeze3A_658 : i32
    %slice3A_661 = vector.extract_strided_slice %and3A_531 {offsets = [4], sizes = [1], strides = [1]} : vector<16xi32> to vector<1xi32>
    %squeeze3A_662 = vector.extract %slice3A_661[0] : i32 from vector<1xi32>
    %get3A_663 = arith.index_cast %add3A_660 : i32 to index
    %get3A_664 = arith.index_cast %squeeze3A_662 : i32 to index
    %get3A_665 = tpu.vector_load %arg9[%get3A_663, %get3A_664] {strides = array<i32>} : memref<256x128xf32, #tpu.memory_space<vmem>>, vector<1x16xf32>,
    %get3A_666 = vector.shape_cast %get3A_665 : vector<1x16xf32> to vector<16xf32>
    %slice3A_667 = vector.extract_strided_slice %select_n3A {offsets = [4], sizes = [1], strides = [1]} : vector<16xi32> to vector<1xi32>
    %squeeze3A_668 = vector.extract %slice3A_667[0] : i32 from vector<1xi32>
    %eq3A_669 = vector.broadcast %squeeze3A_668 : i32 to vector<16xi32>
    %eq3A_670 = arith.cmpi eq, %iota3A, %eq3A_669 : vector<16xi32>
    %jit3A_671 = arith.constant 0.000000e+00 : f32
    %broadcast_in_dim3A_672 = vector.broadcast %jit3A_671 : f32 to vector<16xf32>
    %select_n3A_673 = arith.select %eq3A_670, %get3A_666, %broadcast_in_dim3A_672 : vector<16xi1>, vector<16xf32>
    %add3A_674 = arith.addf %add3A_618, %select_n3A_673 : vector<16xf32>
    %dma_wait3A_675 = arith.constant 40 : i32
    %dma_wait3A_676 = arith.constant 0 : i32
    %dma_wait3A_677 = tpu.memref_slice %arg9[%dma_wait3A_675, %dma_wait3A_676] : memref<256x128xf32, #tpu.memory_space<vmem>> -> memref<8x128xf32, #tpu.memory_space<vmem>>
    %dma_wait3A_678 = tpu.memref_slice %arg2[%arg1, %multiple_of3A_95, %multiple_of3A_98] : memref<16x256x4096xf32, #tpu.memory_space<hbm>> -> memref<1x8x128xf32, #tpu.memory_space<hbm>>
    %dma_wait3A_679 = tpu.memref_squeeze %dma_wait3A_678 : memref<1x8x128xf32, #tpu.memory_space<hbm>> -> memref<8x128xf32, #tpu.memory_space<hbm>>
    %dma_wait3A_680 = arith.constant 40 : i32
    %dma_wait3A_681 = arith.constant 0 : i32
    %dma_wait3A_682 = tpu.memref_slice %arg9[%dma_wait3A_680, %dma_wait3A_681] : memref<256x128xf32, #tpu.memory_space<vmem>> -> memref<8x128xf32, #tpu.memory_space<vmem>>
    %dma_wait3A_683 = tpu.memref_slice %arg2[%arg1, %multiple_of3A_95, %multiple_of3A_98] : memref<16x256x4096xf32, #tpu.memory_space<hbm>> -> memref<1x8x128xf32, #tpu.memory_space<hbm>>
    %dma_wait3A_684 = tpu.memref_squeeze %dma_wait3A_683 : memref<1x8x128xf32, #tpu.memory_space<hbm>> -> memref<8x128xf32, #tpu.memory_space<hbm>>
    tpu.wait_dma2 semaphore(%arg15 : memref<!tpu.dma_semaphore, #tpu.memory_space<semaphore_mem>>) src(%dma_wait3A_684 : memref<8x128xf32, #tpu.memory_space<hbm>>) dst(%dma_wait3A_682 : memref<8x128xf32, #tpu.memory_space<vmem>>)
    %slice3A_685 = vector.extract_strided_slice %and3A_525 {offsets = [5], sizes = [1], strides = [1]} : vector<16xi32> to vector<1xi32>
    %squeeze3A_686 = vector.extract %slice3A_685[0] : i32 from vector<1xi32>
    %add3A_687 = arith.constant 40 : i32
    %add3A_688 = arith.addi %add3A_687, %squeeze3A_686 : i32
    %slice3A_689 = vector.extract_strided_slice %and3A_531 {offsets = [5], sizes = [1], strides = [1]} : vector<16xi32> to vector<1xi32>
    %squeeze3A_690 = vector.extract %slice3A_689[0] : i32 from vector<1xi32>
    %get3A_691 = arith.index_cast %add3A_688 : i32 to index
    %get3A_692 = arith.index_cast %squeeze3A_690 : i32 to index
    %get3A_693 = tpu.vector_load %arg9[%get3A_691, %get3A_692] {strides = array<i32>} : memref<256x128xf32, #tpu.memory_space<vmem>>, vector<1x16xf32>,
    %get3A_694 = vector.shape_cast %get3A_693 : vector<1x16xf32> to vector<16xf32>
    %slice3A_695 = vector.extract_strided_slice %select_n3A {offsets = [5], sizes = [1], strides = [1]} : vector<16xi32> to vector<1xi32>
    %squeeze3A_696 = vector.extract %slice3A_695[0] : i32 from vector<1xi32>
    %eq3A_697 = vector.broadcast %squeeze3A_696 : i32 to vector<16xi32>
    %eq3A_698 = arith.cmpi eq, %iota3A, %eq3A_697 : vector<16xi32>
    %jit3A_699 = arith.constant 0.000000e+00 : f32
    %broadcast_in_dim3A_700 = vector.broadcast %jit3A_699 : f32 to vector<16xf32>
    %select_n3A_701 = arith.select %eq3A_698, %get3A_694, %broadcast_in_dim3A_700 : vector<16xi1>, vector<16xf32>
    %add3A_702 = arith.addf %add3A_646, %select_n3A_701 : vector<16xf32>
    %dma_wait3A_703 = arith.constant 48 : i32
    %dma_wait3A_704 = arith.constant 0 : i32
    %dma_wait3A_705 = tpu.memref_slice %arg9[%dma_wait3A_703, %dma_wait3A_704] : memref<256x128xf32, #tpu.memory_space<vmem>> -> memref<8x128xf32, #tpu.memory_space<vmem>>
    %dma_wait3A_706 = tpu.memref_slice %arg2[%arg1, %multiple_of3A_111, %multiple_of3A_114] : memref<16x256x4096xf32, #tpu.memory_space<hbm>> -> memref<1x8x128xf32, #tpu.memory_space<hbm>>
    %dma_wait3A_707 = tpu.memref_squeeze %dma_wait3A_706 : memref<1x8x128xf32, #tpu.memory_space<hbm>> -> memref<8x128xf32, #tpu.memory_space<hbm>>
    %dma_wait3A_708 = arith.constant 48 : i32
    %dma_wait3A_709 = arith.constant 0 : i32
    %dma_wait3A_710 = tpu.memref_slice %arg9[%dma_wait3A_708, %dma_wait3A_709] : memref<256x128xf32, #tpu.memory_space<vmem>> -> memref<8x128xf32, #tpu.memory_space<vmem>>
    %dma_wait3A_711 = tpu.memref_slice %arg2[%arg1, %multiple_of3A_111, %multiple_of3A_114] : memref<16x256x4096xf32, #tpu.memory_space<hbm>> -> memref<1x8x128xf32, #tpu.memory_space<hbm>>
    %dma_wait3A_712 = tpu.memref_squeeze %dma_wait3A_711 : memref<1x8x128xf32, #tpu.memory_space<hbm>> -> memref<8x128xf32, #tpu.memory_space<hbm>>
    tpu.wait_dma2 semaphore(%arg15 : memref<!tpu.dma_semaphore, #tpu.memory_space<semaphore_mem>>) src(%dma_wait3A_712 : memref<8x128xf32, #tpu.memory_space<hbm>>) dst(%dma_wait3A_710 : memref<8x128xf32, #tpu.memory_space<vmem>>)
    %slice3A_713 = vector.extract_strided_slice %and3A_525 {offsets = [6], sizes = [1], strides = [1]} : vector<16xi32> to vector<1xi32>
    %squeeze3A_714 = vector.extract %slice3A_713[0] : i32 from vector<1xi32>
    %add3A_715 = arith.constant 48 : i32
    %add3A_716 = arith.addi %add3A_715, %squeeze3A_714 : i32
    %slice3A_717 = vector.extract_strided_slice %and3A_531 {offsets = [6], sizes = [1], strides = [1]} : vector<16xi32> to vector<1xi32>
    %squeeze3A_718 = vector.extract %slice3A_717[0] : i32 from vector<1xi32>
    %get3A_719 = arith.index_cast %add3A_716 : i32 to index
    %get3A_720 = arith.index_cast %squeeze3A_718 : i32 to index
    %get3A_721 = tpu.vector_load %arg9[%get3A_719, %get3A_720] {strides = array<i32>} : memref<256x128xf32, #tpu.memory_space<vmem>>, vector<1x16xf32>,
    %get3A_722 = vector.shape_cast %get3A_721 : vector<1x16xf32> to vector<16xf32>
    %slice3A_723 = vector.extract_strided_slice %select_n3A {offsets = [6], sizes = [1], strides = [1]} : vector<16xi32> to vector<1xi32>
    %squeeze3A_724 = vector.extract %slice3A_723[0] : i32 from vector<1xi32>
    %eq3A_725 = vector.broadcast %squeeze3A_724 : i32 to vector<16xi32>
    %eq3A_726 = arith.cmpi eq, %iota3A, %eq3A_725 : vector<16xi32>
    %jit3A_727 = arith.constant 0.000000e+00 : f32
    %broadcast_in_dim3A_728 = vector.broadcast %jit3A_727 : f32 to vector<16xf32>
    %select_n3A_729 = arith.select %eq3A_726, %get3A_722, %broadcast_in_dim3A_728 : vector<16xi1>, vector<16xf32>
    %add3A_730 = arith.addf %add3A_674, %select_n3A_729 : vector<16xf32>
    %dma_wait3A_731 = arith.constant 56 : i32
    %dma_wait3A_732 = arith.constant 0 : i32
    %dma_wait3A_733 = tpu.memref_slice %arg9[%dma_wait3A_731, %dma_wait3A_732] : memref<256x128xf32, #tpu.memory_space<vmem>> -> memref<8x128xf32, #tpu.memory_space<vmem>>
    %dma_wait3A_734 = tpu.memref_slice %arg2[%arg1, %multiple_of3A_127, %multiple_of3A_130] : memref<16x256x4096xf32, #tpu.memory_space<hbm>> -> memref<1x8x128xf32, #tpu.memory_space<hbm>>
    %dma_wait3A_735 = tpu.memref_squeeze %dma_wait3A_734 : memref<1x8x128xf32, #tpu.memory_space<hbm>> -> memref<8x128xf32, #tpu.memory_space<hbm>>
    %dma_wait3A_736 = arith.constant 56 : i32
    %dma_wait3A_737 = arith.constant 0 : i32
    %dma_wait3A_738 = tpu.memref_slice %arg9[%dma_wait3A_736, %dma_wait3A_737] : memref<256x128xf32, #tpu.memory_space<vmem>> -> memref<8x128xf32, #tpu.memory_space<vmem>>
    %dma_wait3A_739 = tpu.memref_slice %arg2[%arg1, %multiple_of3A_127, %multiple_of3A_130] : memref<16x256x4096xf32, #tpu.memory_space<hbm>> -> memref<1x8x128xf32, #tpu.memory_space<hbm>>
    %dma_wait3A_740 = tpu.memref_squeeze %dma_wait3A_739 : memref<1x8x128xf32, #tpu.memory_space<hbm>> -> memref<8x128xf32, #tpu.memory_space<hbm>>
    tpu.wait_dma2 semaphore(%arg15 : memref<!tpu.dma_semaphore, #tpu.memory_space<semaphore_mem>>) src(%dma_wait3A_740 : memref<8x128xf32, #tpu.memory_space<hbm>>) dst(%dma_wait3A_738 : memref<8x128xf32, #tpu.memory_space<vmem>>)
    %slice3A_741 = vector.extract_strided_slice %and3A_525 {offsets = [7], sizes = [1], strides = [1]} : vector<16xi32> to vector<1xi32>
    %squeeze3A_742 = vector.extract %slice3A_741[0] : i32 from vector<1xi32>
    %add3A_743 = arith.constant 56 : i32
    %add3A_744 = arith.addi %add3A_743, %squeeze3A_742 : i32
    %slice3A_745 = vector.extract_strided_slice %and3A_531 {offsets = [7], sizes = [1], strides = [1]} : vector<16xi32> to vector<1xi32>
    %squeeze3A_746 = vector.extract %slice3A_745[0] : i32 from vector<1xi32>
    %get3A_747 = arith.index_cast %add3A_744 : i32 to index
    %get3A_748 = arith.index_cast %squeeze3A_746 : i32 to index
    %get3A_749 = tpu.vector_load %arg9[%get3A_747, %get3A_748] {strides = array<i32>} : memref<256x128xf32, #tpu.memory_space<vmem>>, vector<1x16xf32>,
    %get3A_750 = vector.shape_cast %get3A_749 : vector<1x16xf32> to vector<16xf32>
    %slice3A_751 = vector.extract_strided_slice %select_n3A {offsets = [7], sizes = [1], strides = [1]} : vector<16xi32> to vector<1xi32>
    %squeeze3A_752 = vector.extract %slice3A_751[0] : i32 from vector<1xi32>
    %eq3A_753 = vector.broadcast %squeeze3A_752 : i32 to vector<16xi32>
    %eq3A_754 = arith.cmpi eq, %iota3A, %eq3A_753 : vector<16xi32>
    %jit3A_755 = arith.constant 0.000000e+00 : f32
    %broadcast_in_dim3A_756 = vector.broadcast %jit3A_755 : f32 to vector<16xf32>
    %select_n3A_757 = arith.select %eq3A_754, %get3A_750, %broadcast_in_dim3A_756 : vector<16xi1>, vector<16xf32>
    %add3A_758 = arith.addf %add3A_702, %select_n3A_757 : vector<16xf32>
    %dma_wait3A_759 = arith.constant 64 : i32
    %dma_wait3A_760 = arith.constant 0 : i32
    %dma_wait3A_761 = tpu.memref_slice %arg9[%dma_wait3A_759, %dma_wait3A_760] : memref<256x128xf32, #tpu.memory_space<vmem>> -> memref<8x128xf32, #tpu.memory_space<vmem>>
    %dma_wait3A_762 = tpu.memref_slice %arg2[%arg1, %multiple_of3A_143, %multiple_of3A_146] : memref<16x256x4096xf32, #tpu.memory_space<hbm>> -> memref<1x8x128xf32, #tpu.memory_space<hbm>>
    %dma_wait3A_763 = tpu.memref_squeeze %dma_wait3A_762 : memref<1x8x128xf32, #tpu.memory_space<hbm>> -> memref<8x128xf32, #tpu.memory_space<hbm>>
    %dma_wait3A_764 = arith.constant 64 : i32
    %dma_wait3A_765 = arith.constant 0 : i32
    %dma_wait3A_766 = tpu.memref_slice %arg9[%dma_wait3A_764, %dma_wait3A_765] : memref<256x128xf32, #tpu.memory_space<vmem>> -> memref<8x128xf32, #tpu.memory_space<vmem>>
    %dma_wait3A_767 = tpu.memref_slice %arg2[%arg1, %multiple_of3A_143, %multiple_of3A_146] : memref<16x256x4096xf32, #tpu.memory_space<hbm>> -> memref<1x8x128xf32, #tpu.memory_space<hbm>>
    %dma_wait3A_768 = tpu.memref_squeeze %dma_wait3A_767 : memref<1x8x128xf32, #tpu.memory_space<hbm>> -> memref<8x128xf32, #tpu.memory_space<hbm>>
    tpu.wait_dma2 semaphore(%arg15 : memref<!tpu.dma_semaphore, #tpu.memory_space<semaphore_mem>>) src(%dma_wait3A_768 : memref<8x128xf32, #tpu.memory_space<hbm>>) dst(%dma_wait3A_766 : memref<8x128xf32, #tpu.memory_space<vmem>>)
    %slice3A_769 = vector.extract_strided_slice %and3A_525 {offsets = [8], sizes = [1], strides = [1]} : vector<16xi32> to vector<1xi32>
    %squeeze3A_770 = vector.extract %slice3A_769[0] : i32 from vector<1xi32>
    %add3A_771 = arith.constant 64 : i32
    %add3A_772 = arith.addi %add3A_771, %squeeze3A_770 : i32
    %slice3A_773 = vector.extract_strided_slice %and3A_531 {offsets = [8], sizes = [1], strides = [1]} : vector<16xi32> to vector<1xi32>
    %squeeze3A_774 = vector.extract %slice3A_773[0] : i32 from vector<1xi32>
    %get3A_775 = arith.index_cast %add3A_772 : i32 to index
    %get3A_776 = arith.index_cast %squeeze3A_774 : i32 to index
    %get3A_777 = tpu.vector_load %arg9[%get3A_775, %get3A_776] {strides = array<i32>} : memref<256x128xf32, #tpu.memory_space<vmem>>, vector<1x16xf32>,
    %get3A_778 = vector.shape_cast %get3A_777 : vector<1x16xf32> to vector<16xf32>
    %slice3A_779 = vector.extract_strided_slice %select_n3A {offsets = [8], sizes = [1], strides = [1]} : vector<16xi32> to vector<1xi32>
    %squeeze3A_780 = vector.extract %slice3A_779[0] : i32 from vector<1xi32>
    %eq3A_781 = vector.broadcast %squeeze3A_780 : i32 to vector<16xi32>
    %eq3A_782 = arith.cmpi eq, %iota3A, %eq3A_781 : vector<16xi32>
    %jit3A_783 = arith.constant 0.000000e+00 : f32
    %broadcast_in_dim3A_784 = vector.broadcast %jit3A_783 : f32 to vector<16xf32>
    %select_n3A_785 = arith.select %eq3A_782, %get3A_778, %broadcast_in_dim3A_784 : vector<16xi1>, vector<16xf32>
    %add3A_786 = arith.addf %add3A_730, %select_n3A_785 : vector<16xf32>
    %dma_wait3A_787 = arith.constant 72 : i32
    %dma_wait3A_788 = arith.constant 0 : i32
    %dma_wait3A_789 = tpu.memref_slice %arg9[%dma_wait3A_787, %dma_wait3A_788] : memref<256x128xf32, #tpu.memory_space<vmem>> -> memref<8x128xf32, #tpu.memory_space<vmem>>
    %dma_wait3A_790 = tpu.memref_slice %arg2[%arg1, %multiple_of3A_159, %multiple_of3A_162] : memref<16x256x4096xf32, #tpu.memory_space<hbm>> -> memref<1x8x128xf32, #tpu.memory_space<hbm>>
    %dma_wait3A_791 = tpu.memref_squeeze %dma_wait3A_790 : memref<1x8x128xf32, #tpu.memory_space<hbm>> -> memref<8x128xf32, #tpu.memory_space<hbm>>
    %dma_wait3A_792 = arith.constant 72 : i32
    %dma_wait3A_793 = arith.constant 0 : i32
    %dma_wait3A_794 = tpu.memref_slice %arg9[%dma_wait3A_792, %dma_wait3A_793] : memref<256x128xf32, #tpu.memory_space<vmem>> -> memref<8x128xf32, #tpu.memory_space<vmem>>
    %dma_wait3A_795 = tpu.memref_slice %arg2[%arg1, %multiple_of3A_159, %multiple_of3A_162] : memref<16x256x4096xf32, #tpu.memory_space<hbm>> -> memref<1x8x128xf32, #tpu.memory_space<hbm>>
    %dma_wait3A_796 = tpu.memref_squeeze %dma_wait3A_795 : memref<1x8x128xf32, #tpu.memory_space<hbm>> -> memref<8x128xf32, #tpu.memory_space<hbm>>
    tpu.wait_dma2 semaphore(%arg15 : memref<!tpu.dma_semaphore, #tpu.memory_space<semaphore_mem>>) src(%dma_wait3A_796 : memref<8x128xf32, #tpu.memory_space<hbm>>) dst(%dma_wait3A_794 : memref<8x128xf32, #tpu.memory_space<vmem>>)
    %slice3A_797 = vector.extract_strided_slice %and3A_525 {offsets = [9], sizes = [1], strides = [1]} : vector<16xi32> to vector<1xi32>
    %squeeze3A_798 = vector.extract %slice3A_797[0] : i32 from vector<1xi32>
    %add3A_799 = arith.constant 72 : i32
    %add3A_800 = arith.addi %add3A_799, %squeeze3A_798 : i32
    %slice3A_801 = vector.extract_strided_slice %and3A_531 {offsets = [9], sizes = [1], strides = [1]} : vector<16xi32> to vector<1xi32>
    %squeeze3A_802 = vector.extract %slice3A_801[0] : i32 from vector<1xi32>
    %get3A_803 = arith.index_cast %add3A_800 : i32 to index
    %get3A_804 = arith.index_cast %squeeze3A_802 : i32 to index
    %get3A_805 = tpu.vector_load %arg9[%get3A_803, %get3A_804] {strides = array<i32>} : memref<256x128xf32, #tpu.memory_space<vmem>>, vector<1x16xf32>,
    %get3A_806 = vector.shape_cast %get3A_805 : vector<1x16xf32> to vector<16xf32>
    %slice3A_807 = vector.extract_strided_slice %select_n3A {offsets = [9], sizes = [1], strides = [1]} : vector<16xi32> to vector<1xi32>
    %squeeze3A_808 = vector.extract %slice3A_807[0] : i32 from vector<1xi32>
    %eq3A_809 = vector.broadcast %squeeze3A_808 : i32 to vector<16xi32>
    %eq3A_810 = arith.cmpi eq, %iota3A, %eq3A_809 : vector<16xi32>
    %jit3A_811 = arith.constant 0.000000e+00 : f32
    %broadcast_in_dim3A_812 = vector.broadcast %jit3A_811 : f32 to vector<16xf32>
    %select_n3A_813 = arith.select %eq3A_810, %get3A_806, %broadcast_in_dim3A_812 : vector<16xi1>, vector<16xf32>
    %add3A_814 = arith.addf %add3A_758, %select_n3A_813 : vector<16xf32>
    %dma_wait3A_815 = arith.constant 80 : i32
    %dma_wait3A_816 = arith.constant 0 : i32
    %dma_wait3A_817 = tpu.memref_slice %arg9[%dma_wait3A_815, %dma_wait3A_816] : memref<256x128xf32, #tpu.memory_space<vmem>> -> memref<8x128xf32, #tpu.memory_space<vmem>>
    %dma_wait3A_818 = tpu.memref_slice %arg2[%arg1, %multiple_of3A_175, %multiple_of3A_178] : memref<16x256x4096xf32, #tpu.memory_space<hbm>> -> memref<1x8x128xf32, #tpu.memory_space<hbm>>
    %dma_wait3A_819 = tpu.memref_squeeze %dma_wait3A_818 : memref<1x8x128xf32, #tpu.memory_space<hbm>> -> memref<8x128xf32, #tpu.memory_space<hbm>>
    %dma_wait3A_820 = arith.constant 80 : i32
    %dma_wait3A_821 = arith.constant 0 : i32
    %dma_wait3A_822 = tpu.memref_slice %arg9[%dma_wait3A_820, %dma_wait3A_821] : memref<256x128xf32, #tpu.memory_space<vmem>> -> memref<8x128xf32, #tpu.memory_space<vmem>>
    %dma_wait3A_823 = tpu.memref_slice %arg2[%arg1, %multiple_of3A_175, %multiple_of3A_178] : memref<16x256x4096xf32, #tpu.memory_space<hbm>> -> memref<1x8x128xf32, #tpu.memory_space<hbm>>
    %dma_wait3A_824 = tpu.memref_squeeze %dma_wait3A_823 : memref<1x8x128xf32, #tpu.memory_space<hbm>> -> memref<8x128xf32, #tpu.memory_space<hbm>>
    tpu.wait_dma2 semaphore(%arg15 : memref<!tpu.dma_semaphore, #tpu.memory_space<semaphore_mem>>) src(%dma_wait3A_824 : memref<8x128xf32, #tpu.memory_space<hbm>>) dst(%dma_wait3A_822 : memref<8x128xf32, #tpu.memory_space<vmem>>)
    %slice3A_825 = vector.extract_strided_slice %and3A_525 {offsets = [10], sizes = [1], strides = [1]} : vector<16xi32> to vector<1xi32>
    %squeeze3A_826 = vector.extract %slice3A_825[0] : i32 from vector<1xi32>
    %add3A_827 = arith.constant 80 : i32
    %add3A_828 = arith.addi %add3A_827, %squeeze3A_826 : i32
    %slice3A_829 = vector.extract_strided_slice %and3A_531 {offsets = [10], sizes = [1], strides = [1]} : vector<16xi32> to vector<1xi32>
    %squeeze3A_830 = vector.extract %slice3A_829[0] : i32 from vector<1xi32>
    %get3A_831 = arith.index_cast %add3A_828 : i32 to index
    %get3A_832 = arith.index_cast %squeeze3A_830 : i32 to index
    %get3A_833 = tpu.vector_load %arg9[%get3A_831, %get3A_832] {strides = array<i32>} : memref<256x128xf32, #tpu.memory_space<vmem>>, vector<1x16xf32>,
    %get3A_834 = vector.shape_cast %get3A_833 : vector<1x16xf32> to vector<16xf32>
    %slice3A_835 = vector.extract_strided_slice %select_n3A {offsets = [10], sizes = [1], strides = [1]} : vector<16xi32> to vector<1xi32>
    %squeeze3A_836 = vector.extract %slice3A_835[0] : i32 from vector<1xi32>
    %eq3A_837 = vector.broadcast %squeeze3A_836 : i32 to vector<16xi32>
    %eq3A_838 = arith.cmpi eq, %iota3A, %eq3A_837 : vector<16xi32>
    %jit3A_839 = arith.constant 0.000000e+00 : f32
    %broadcast_in_dim3A_840 = vector.broadcast %jit3A_839 : f32 to vector<16xf32>
    %select_n3A_841 = arith.select %eq3A_838, %get3A_834, %broadcast_in_dim3A_840 : vector<16xi1>, vector<16xf32>
    %add3A_842 = arith.addf %add3A_786, %select_n3A_841 : vector<16xf32>
    %dma_wait3A_843 = arith.constant 88 : i32
    %dma_wait3A_844 = arith.constant 0 : i32
    %dma_wait3A_845 = tpu.memref_slice %arg9[%dma_wait3A_843, %dma_wait3A_844] : memref<256x128xf32, #tpu.memory_space<vmem>> -> memref<8x128xf32, #tpu.memory_space<vmem>>
    %dma_wait3A_846 = tpu.memref_slice %arg2[%arg1, %multiple_of3A_191, %multiple_of3A_194] : memref<16x256x4096xf32, #tpu.memory_space<hbm>> -> memref<1x8x128xf32, #tpu.memory_space<hbm>>
    %dma_wait3A_847 = tpu.memref_squeeze %dma_wait3A_846 : memref<1x8x128xf32, #tpu.memory_space<hbm>> -> memref<8x128xf32, #tpu.memory_space<hbm>>
    %dma_wait3A_848 = arith.constant 88 : i32
    %dma_wait3A_849 = arith.constant 0 : i32
    %dma_wait3A_850 = tpu.memref_slice %arg9[%dma_wait3A_848, %dma_wait3A_849] : memref<256x128xf32, #tpu.memory_space<vmem>> -> memref<8x128xf32, #tpu.memory_space<vmem>>
    %dma_wait3A_851 = tpu.memref_slice %arg2[%arg1, %multiple_of3A_191, %multiple_of3A_194] : memref<16x256x4096xf32, #tpu.memory_space<hbm>> -> memref<1x8x128xf32, #tpu.memory_space<hbm>>
    %dma_wait3A_852 = tpu.memref_squeeze %dma_wait3A_851 : memref<1x8x128xf32, #tpu.memory_space<hbm>> -> memref<8x128xf32, #tpu.memory_space<hbm>>
    tpu.wait_dma2 semaphore(%arg15 : memref<!tpu.dma_semaphore, #tpu.memory_space<semaphore_mem>>) src(%dma_wait3A_852 : memref<8x128xf32, #tpu.memory_space<hbm>>) dst(%dma_wait3A_850 : memref<8x128xf32, #tpu.memory_space<vmem>>)
    %slice3A_853 = vector.extract_strided_slice %and3A_525 {offsets = [11], sizes = [1], strides = [1]} : vector<16xi32> to vector<1xi32>
    %squeeze3A_854 = vector.extract %slice3A_853[0] : i32 from vector<1xi32>
    %add3A_855 = arith.constant 88 : i32
    %add3A_856 = arith.addi %add3A_855, %squeeze3A_854 : i32
    %slice3A_857 = vector.extract_strided_slice %and3A_531 {offsets = [11], sizes = [1], strides = [1]} : vector<16xi32> to vector<1xi32>
    %squeeze3A_858 = vector.extract %slice3A_857[0] : i32 from vector<1xi32>
    %get3A_859 = arith.index_cast %add3A_856 : i32 to index
    %get3A_860 = arith.index_cast %squeeze3A_858 : i32 to index
    %get3A_861 = tpu.vector_load %arg9[%get3A_859, %get3A_860] {strides = array<i32>} : memref<256x128xf32, #tpu.memory_space<vmem>>, vector<1x16xf32>,
    %get3A_862 = vector.shape_cast %get3A_861 : vector<1x16xf32> to vector<16xf32>
    %slice3A_863 = vector.extract_strided_slice %select_n3A {offsets = [11], sizes = [1], strides = [1]} : vector<16xi32> to vector<1xi32>
    %squeeze3A_864 = vector.extract %slice3A_863[0] : i32 from vector<1xi32>
    %eq3A_865 = vector.broadcast %squeeze3A_864 : i32 to vector<16xi32>
    %eq3A_866 = arith.cmpi eq, %iota3A, %eq3A_865 : vector<16xi32>
    %jit3A_867 = arith.constant 0.000000e+00 : f32
    %broadcast_in_dim3A_868 = vector.broadcast %jit3A_867 : f32 to vector<16xf32>
    %select_n3A_869 = arith.select %eq3A_866, %get3A_862, %broadcast_in_dim3A_868 : vector<16xi1>, vector<16xf32>
    %add3A_870 = arith.addf %add3A_814, %select_n3A_869 : vector<16xf32>
    %dma_wait3A_871 = arith.constant 96 : i32
    %dma_wait3A_872 = arith.constant 0 : i32
    %dma_wait3A_873 = tpu.memref_slice %arg9[%dma_wait3A_871, %dma_wait3A_872] : memref<256x128xf32, #tpu.memory_space<vmem>> -> memref<8x128xf32, #tpu.memory_space<vmem>>
    %dma_wait3A_874 = tpu.memref_slice %arg2[%arg1, %multiple_of3A_207, %multiple_of3A_210] : memref<16x256x4096xf32, #tpu.memory_space<hbm>> -> memref<1x8x128xf32, #tpu.memory_space<hbm>>
    %dma_wait3A_875 = tpu.memref_squeeze %dma_wait3A_874 : memref<1x8x128xf32, #tpu.memory_space<hbm>> -> memref<8x128xf32, #tpu.memory_space<hbm>>
    %dma_wait3A_876 = arith.constant 96 : i32
    %dma_wait3A_877 = arith.constant 0 : i32
    %dma_wait3A_878 = tpu.memref_slice %arg9[%dma_wait3A_876, %dma_wait3A_877] : memref<256x128xf32, #tpu.memory_space<vmem>> -> memref<8x128xf32, #tpu.memory_space<vmem>>
    %dma_wait3A_879 = tpu.memref_slice %arg2[%arg1, %multiple_of3A_207, %multiple_of3A_210] : memref<16x256x4096xf32, #tpu.memory_space<hbm>> -> memref<1x8x128xf32, #tpu.memory_space<hbm>>
    %dma_wait3A_880 = tpu.memref_squeeze %dma_wait3A_879 : memref<1x8x128xf32, #tpu.memory_space<hbm>> -> memref<8x128xf32, #tpu.memory_space<hbm>>
    tpu.wait_dma2 semaphore(%arg15 : memref<!tpu.dma_semaphore, #tpu.memory_space<semaphore_mem>>) src(%dma_wait3A_880 : memref<8x128xf32, #tpu.memory_space<hbm>>) dst(%dma_wait3A_878 : memref<8x128xf32, #tpu.memory_space<vmem>>)
    %slice3A_881 = vector.extract_strided_slice %and3A_525 {offsets = [12], sizes = [1], strides = [1]} : vector<16xi32> to vector<1xi32>
    %squeeze3A_882 = vector.extract %slice3A_881[0] : i32 from vector<1xi32>
    %add3A_883 = arith.constant 96 : i32
    %add3A_884 = arith.addi %add3A_883, %squeeze3A_882 : i32
    %slice3A_885 = vector.extract_strided_slice %and3A_531 {offsets = [12], sizes = [1], strides = [1]} : vector<16xi32> to vector<1xi32>
    %squeeze3A_886 = vector.extract %slice3A_885[0] : i32 from vector<1xi32>
    %get3A_887 = arith.index_cast %add3A_884 : i32 to index
    %get3A_888 = arith.index_cast %squeeze3A_886 : i32 to index
    %get3A_889 = tpu.vector_load %arg9[%get3A_887, %get3A_888] {strides = array<i32>} : memref<256x128xf32, #tpu.memory_space<vmem>>, vector<1x16xf32>,
    %get3A_890 = vector.shape_cast %get3A_889 : vector<1x16xf32> to vector<16xf32>
    %slice3A_891 = vector.extract_strided_slice %select_n3A {offsets = [12], sizes = [1], strides = [1]} : vector<16xi32> to vector<1xi32>
    %squeeze3A_892 = vector.extract %slice3A_891[0] : i32 from vector<1xi32>
    %eq3A_893 = vector.broadcast %squeeze3A_892 : i32 to vector<16xi32>
    %eq3A_894 = arith.cmpi eq, %iota3A, %eq3A_893 : vector<16xi32>
    %jit3A_895 = arith.constant 0.000000e+00 : f32
    %broadcast_in_dim3A_896 = vector.broadcast %jit3A_895 : f32 to vector<16xf32>
    %select_n3A_897 = arith.select %eq3A_894, %get3A_890, %broadcast_in_dim3A_896 : vector<16xi1>, vector<16xf32>
    %add3A_898 = arith.addf %add3A_842, %select_n3A_897 : vector<16xf32>
    %dma_wait3A_899 = arith.constant 104 : i32
    %dma_wait3A_900 = arith.constant 0 : i32
    %dma_wait3A_901 = tpu.memref_slice %arg9[%dma_wait3A_899, %dma_wait3A_900] : memref<256x128xf32, #tpu.memory_space<vmem>> -> memref<8x128xf32, #tpu.memory_space<vmem>>
    %dma_wait3A_902 = tpu.memref_slice %arg2[%arg1, %multiple_of3A_223, %multiple_of3A_226] : memref<16x256x4096xf32, #tpu.memory_space<hbm>> -> memref<1x8x128xf32, #tpu.memory_space<hbm>>
    %dma_wait3A_903 = tpu.memref_squeeze %dma_wait3A_902 : memref<1x8x128xf32, #tpu.memory_space<hbm>> -> memref<8x128xf32, #tpu.memory_space<hbm>>
    %dma_wait3A_904 = arith.constant 104 : i32
    %dma_wait3A_905 = arith.constant 0 : i32
    %dma_wait3A_906 = tpu.memref_slice %arg9[%dma_wait3A_904, %dma_wait3A_905] : memref<256x128xf32, #tpu.memory_space<vmem>> -> memref<8x128xf32, #tpu.memory_space<vmem>>
    %dma_wait3A_907 = tpu.memref_slice %arg2[%arg1, %multiple_of3A_223, %multiple_of3A_226] : memref<16x256x4096xf32, #tpu.memory_space<hbm>> -> memref<1x8x128xf32, #tpu.memory_space<hbm>>
    %dma_wait3A_908 = tpu.memref_squeeze %dma_wait3A_907 : memref<1x8x128xf32, #tpu.memory_space<hbm>> -> memref<8x128xf32, #tpu.memory_space<hbm>>
    tpu.wait_dma2 semaphore(%arg15 : memref<!tpu.dma_semaphore, #tpu.memory_space<semaphore_mem>>) src(%dma_wait3A_908 : memref<8x128xf32, #tpu.memory_space<hbm>>) dst(%dma_wait3A_906 : memref<8x128xf32, #tpu.memory_space<vmem>>)
    %slice3A_909 = vector.extract_strided_slice %and3A_525 {offsets = [13], sizes = [1], strides = [1]} : vector<16xi32> to vector<1xi32>
    %squeeze3A_910 = vector.extract %slice3A_909[0] : i32 from vector<1xi32>
    %add3A_911 = arith.constant 104 : i32
    %add3A_912 = arith.addi %add3A_911, %squeeze3A_910 : i32
    %slice3A_913 = vector.extract_strided_slice %and3A_531 {offsets = [13], sizes = [1], strides = [1]} : vector<16xi32> to vector<1xi32>
    %squeeze3A_914 = vector.extract %slice3A_913[0] : i32 from vector<1xi32>
    %get3A_915 = arith.index_cast %add3A_912 : i32 to index
    %get3A_916 = arith.index_cast %squeeze3A_914 : i32 to index
    %get3A_917 = tpu.vector_load %arg9[%get3A_915, %get3A_916] {strides = array<i32>} : memref<256x128xf32, #tpu.memory_space<vmem>>, vector<1x16xf32>,
    %get3A_918 = vector.shape_cast %get3A_917 : vector<1x16xf32> to vector<16xf32>
    %slice3A_919 = vector.extract_strided_slice %select_n3A {offsets = [13], sizes = [1], strides = [1]} : vector<16xi32> to vector<1xi32>
    %squeeze3A_920 = vector.extract %slice3A_919[0] : i32 from vector<1xi32>
    %eq3A_921 = vector.broadcast %squeeze3A_920 : i32 to vector<16xi32>
    %eq3A_922 = arith.cmpi eq, %iota3A, %eq3A_921 : vector<16xi32>
    %jit3A_923 = arith.constant 0.000000e+00 : f32
    %broadcast_in_dim3A_924 = vector.broadcast %jit3A_923 : f32 to vector<16xf32>
    %select_n3A_925 = arith.select %eq3A_922, %get3A_918, %broadcast_in_dim3A_924 : vector<16xi1>, vector<16xf32>
    %add3A_926 = arith.addf %add3A_870, %select_n3A_925 : vector<16xf32>
    %dma_wait3A_927 = arith.constant 112 : i32
    %dma_wait3A_928 = arith.constant 0 : i32
    %dma_wait3A_929 = tpu.memref_slice %arg9[%dma_wait3A_927, %dma_wait3A_928] : memref<256x128xf32, #tpu.memory_space<vmem>> -> memref<8x128xf32, #tpu.memory_space<vmem>>
    %dma_wait3A_930 = tpu.memref_slice %arg2[%arg1, %multiple_of3A_239, %multiple_of3A_242] : memref<16x256x4096xf32, #tpu.memory_space<hbm>> -> memref<1x8x128xf32, #tpu.memory_space<hbm>>
    %dma_wait3A_931 = tpu.memref_squeeze %dma_wait3A_930 : memref<1x8x128xf32, #tpu.memory_space<hbm>> -> memref<8x128xf32, #tpu.memory_space<hbm>>
    %dma_wait3A_932 = arith.constant 112 : i32
    %dma_wait3A_933 = arith.constant 0 : i32
    %dma_wait3A_934 = tpu.memref_slice %arg9[%dma_wait3A_932, %dma_wait3A_933] : memref<256x128xf32, #tpu.memory_space<vmem>> -> memref<8x128xf32, #tpu.memory_space<vmem>>
    %dma_wait3A_935 = tpu.memref_slice %arg2[%arg1, %multiple_of3A_239, %multiple_of3A_242] : memref<16x256x4096xf32, #tpu.memory_space<hbm>> -> memref<1x8x128xf32, #tpu.memory_space<hbm>>
    %dma_wait3A_936 = tpu.memref_squeeze %dma_wait3A_935 : memref<1x8x128xf32, #tpu.memory_space<hbm>> -> memref<8x128xf32, #tpu.memory_space<hbm>>
    tpu.wait_dma2 semaphore(%arg15 : memref<!tpu.dma_semaphore, #tpu.memory_space<semaphore_mem>>) src(%dma_wait3A_936 : memref<8x128xf32, #tpu.memory_space<hbm>>) dst(%dma_wait3A_934 : memref<8x128xf32, #tpu.memory_space<vmem>>)
    %slice3A_937 = vector.extract_strided_slice %and3A_525 {offsets = [14], sizes = [1], strides = [1]} : vector<16xi32> to vector<1xi32>
    %squeeze3A_938 = vector.extract %slice3A_937[0] : i32 from vector<1xi32>
    %add3A_939 = arith.constant 112 : i32
    %add3A_940 = arith.addi %add3A_939, %squeeze3A_938 : i32
    %slice3A_941 = vector.extract_strided_slice %and3A_531 {offsets = [14], sizes = [1], strides = [1]} : vector<16xi32> to vector<1xi32>
    %squeeze3A_942 = vector.extract %slice3A_941[0] : i32 from vector<1xi32>
    %get3A_943 = arith.index_cast %add3A_940 : i32 to index
    %get3A_944 = arith.index_cast %squeeze3A_942 : i32 to index
    %get3A_945 = tpu.vector_load %arg9[%get3A_943, %get3A_944] {strides = array<i32>} : memref<256x128xf32, #tpu.memory_space<vmem>>, vector<1x16xf32>,
    %get3A_946 = vector.shape_cast %get3A_945 : vector<1x16xf32> to vector<16xf32>
    %slice3A_947 = vector.extract_strided_slice %select_n3A {offsets = [14], sizes = [1], strides = [1]} : vector<16xi32> to vector<1xi32>
    %squeeze3A_948 = vector.extract %slice3A_947[0] : i32 from vector<1xi32>
    %eq3A_949 = vector.broadcast %squeeze3A_948 : i32 to vector<16xi32>
    %eq3A_950 = arith.cmpi eq, %iota3A, %eq3A_949 : vector<16xi32>
    %jit3A_951 = arith.constant 0.000000e+00 : f32
    %broadcast_in_dim3A_952 = vector.broadcast %jit3A_951 : f32 to vector<16xf32>
    %select_n3A_953 = arith.select %eq3A_950, %get3A_946, %broadcast_in_dim3A_952 : vector<16xi1>, vector<16xf32>
    %add3A_954 = arith.addf %add3A_898, %select_n3A_953 : vector<16xf32>
    %dma_wait3A_955 = arith.constant 120 : i32
    %dma_wait3A_956 = arith.constant 0 : i32
    %dma_wait3A_957 = tpu.memref_slice %arg9[%dma_wait3A_955, %dma_wait3A_956] : memref<256x128xf32, #tpu.memory_space<vmem>> -> memref<8x128xf32, #tpu.memory_space<vmem>>
    %dma_wait3A_958 = tpu.memref_slice %arg2[%arg1, %multiple_of3A_255, %multiple_of3A_258] : memref<16x256x4096xf32, #tpu.memory_space<hbm>> -> memref<1x8x128xf32, #tpu.memory_space<hbm>>
    %dma_wait3A_959 = tpu.memref_squeeze %dma_wait3A_958 : memref<1x8x128xf32, #tpu.memory_space<hbm>> -> memref<8x128xf32, #tpu.memory_space<hbm>>
    %dma_wait3A_960 = arith.constant 120 : i32
    %dma_wait3A_961 = arith.constant 0 : i32
    %dma_wait3A_962 = tpu.memref_slice %arg9[%dma_wait3A_960, %dma_wait3A_961] : memref<256x128xf32, #tpu.memory_space<vmem>> -> memref<8x128xf32, #tpu.memory_space<vmem>>
    %dma_wait3A_963 = tpu.memref_slice %arg2[%arg1, %multiple_of3A_255, %multiple_of3A_258] : memref<16x256x4096xf32, #tpu.memory_space<hbm>> -> memref<1x8x128xf32, #tpu.memory_space<hbm>>
    %dma_wait3A_964 = tpu.memref_squeeze %dma_wait3A_963 : memref<1x8x128xf32, #tpu.memory_space<hbm>> -> memref<8x128xf32, #tpu.memory_space<hbm>>
    tpu.wait_dma2 semaphore(%arg15 : memref<!tpu.dma_semaphore, #tpu.memory_space<semaphore_mem>>) src(%dma_wait3A_964 : memref<8x128xf32, #tpu.memory_space<hbm>>) dst(%dma_wait3A_962 : memref<8x128xf32, #tpu.memory_space<vmem>>)
    %slice3A_965 = vector.extract_strided_slice %and3A_525 {offsets = [15], sizes = [1], strides = [1]} : vector<16xi32> to vector<1xi32>
    %squeeze3A_966 = vector.extract %slice3A_965[0] : i32 from vector<1xi32>
    %add3A_967 = arith.constant 120 : i32
    %add3A_968 = arith.addi %add3A_967, %squeeze3A_966 : i32
    %slice3A_969 = vector.extract_strided_slice %and3A_531 {offsets = [15], sizes = [1], strides = [1]} : vector<16xi32> to vector<1xi32>
    %squeeze3A_970 = vector.extract %slice3A_969[0] : i32 from vector<1xi32>
    %get3A_971 = arith.index_cast %add3A_968 : i32 to index
    %get3A_972 = arith.index_cast %squeeze3A_970 : i32 to index
    %get3A_973 = tpu.vector_load %arg9[%get3A_971, %get3A_972] {strides = array<i32>} : memref<256x128xf32, #tpu.memory_space<vmem>>, vector<1x16xf32>,
    %get3A_974 = vector.shape_cast %get3A_973 : vector<1x16xf32> to vector<16xf32>
    %slice3A_975 = vector.extract_strided_slice %select_n3A {offsets = [15], sizes = [1], strides = [1]} : vector<16xi32> to vector<1xi32>
    %squeeze3A_976 = vector.extract %slice3A_975[0] : i32 from vector<1xi32>
    %eq3A_977 = vector.broadcast %squeeze3A_976 : i32 to vector<16xi32>
    %eq3A_978 = arith.cmpi eq, %iota3A, %eq3A_977 : vector<16xi32>
    %jit3A_979 = arith.constant 0.000000e+00 : f32
    %broadcast_in_dim3A_980 = vector.broadcast %jit3A_979 : f32 to vector<16xf32>
    %select_n3A_981 = arith.select %eq3A_978, %get3A_974, %broadcast_in_dim3A_980 : vector<16xi1>, vector<16xf32>
    %add3A_982 = arith.addf %add3A_926, %select_n3A_981 : vector<16xf32>
    %get3A_983 = arith.index_cast %arg1 : i32 to index
    %get3A_984 = arith.constant 14 : index
    %get3A_985 = tpu.vector_load %arg7[%get3A_983, %get3A_984] {strides = array<i32>} : memref<16x30xi32, #tpu.memory_space<vmem>>, vector<1x16xi32>,
    %get3A_986 = vector.shape_cast %get3A_985 : vector<1x16xi32> to vector<16xi32>
    %get3A_987 = arith.index_cast %arg1 : i32 to index
    %get3A_988 = arith.constant 14 : index
    %get3A_989 = tpu.vector_load %arg8[%get3A_987, %get3A_988] {strides = array<i32>} : memref<16x30xi32, #tpu.memory_space<vmem>>, vector<1x16xi32>,
    %get3A_990 = vector.shape_cast %get3A_989 : vector<1x16xi32> to vector<16xi32>
    %and3A_991 = arith.constant 7 : i32
    %and3A_992 = vector.broadcast %and3A_991 : i32 to vector<16xi32>
    %and3A_993 = arith.andi %get3A_986, %and3A_992 : vector<16xi32>
    %and3A_994 = arith.constant 127 : i32
    %and3A_995 = vector.broadcast %and3A_994 : i32 to vector<16xi32>
    %and3A_996 = arith.andi %get3A_990, %and3A_995 : vector<16xi32>
    %and3A_997 = arith.constant -16 : i32
    %and3A_998 = vector.broadcast %and3A_997 : i32 to vector<16xi32>
    %and3A_999 = arith.andi %and3A_996, %and3A_998 : vector<16xi32>
    %ne3A_1000 = arith.constant 0 : i32
    %ne3A_1001 = vector.broadcast %ne3A_1000 : i32 to vector<16xi32>
    %ne3A_1002 = arith.cmpi ne, %get3A_986, %ne3A_1001 : vector<16xi32>
    %and3A_1003 = arith.constant 15 : i32
    %and3A_1004 = vector.broadcast %and3A_1003 : i32 to vector<16xi32>
    %and3A_1005 = arith.andi %get3A_990, %and3A_1004 : vector<16xi32>
    %jit3A_1006 = arith.constant 16 : i32
    %broadcast_in_dim3A_1007 = vector.broadcast %jit3A_1006 : i32 to vector<16xi32>
    %select_n3A_1008 = arith.select %ne3A_1002, %and3A_1005, %broadcast_in_dim3A_1007 : vector<16xi1>, vector<16xi32>
    %dma_wait3A_1009 = arith.constant 144 : i32
    %dma_wait3A_1010 = arith.constant 0 : i32
    %dma_wait3A_1011 = tpu.memref_slice %arg9[%dma_wait3A_1009, %dma_wait3A_1010] : memref<256x128xf32, #tpu.memory_space<vmem>> -> memref<8x128xf32, #tpu.memory_space<vmem>>
    %dma_wait3A_1012 = tpu.memref_slice %arg2[%arg1, %multiple_of3A_291, %multiple_of3A_294] : memref<16x256x4096xf32, #tpu.memory_space<hbm>> -> memref<1x8x128xf32, #tpu.memory_space<hbm>>
    %dma_wait3A_1013 = tpu.memref_squeeze %dma_wait3A_1012 : memref<1x8x128xf32, #tpu.memory_space<hbm>> -> memref<8x128xf32, #tpu.memory_space<hbm>>
    %dma_wait3A_1014 = arith.constant 144 : i32
    %dma_wait3A_1015 = arith.constant 0 : i32
    %dma_wait3A_1016 = tpu.memref_slice %arg9[%dma_wait3A_1014, %dma_wait3A_1015] : memref<256x128xf32, #tpu.memory_space<vmem>> -> memref<8x128xf32, #tpu.memory_space<vmem>>
    %dma_wait3A_1017 = tpu.memref_slice %arg2[%arg1, %multiple_of3A_291, %multiple_of3A_294] : memref<16x256x4096xf32, #tpu.memory_space<hbm>> -> memref<1x8x128xf32, #tpu.memory_space<hbm>>
    %dma_wait3A_1018 = tpu.memref_squeeze %dma_wait3A_1017 : memref<1x8x128xf32, #tpu.memory_space<hbm>> -> memref<8x128xf32, #tpu.memory_space<hbm>>
    tpu.wait_dma2 semaphore(%arg15 : memref<!tpu.dma_semaphore, #tpu.memory_space<semaphore_mem>>) src(%dma_wait3A_1018 : memref<8x128xf32, #tpu.memory_space<hbm>>) dst(%dma_wait3A_1016 : memref<8x128xf32, #tpu.memory_space<vmem>>)
    %slice3A_1019 = vector.extract_strided_slice %and3A_993 {offsets = [2], sizes = [1], strides = [1]} : vector<16xi32> to vector<1xi32>
    %squeeze3A_1020 = vector.extract %slice3A_1019[0] : i32 from vector<1xi32>
    %add3A_1021 = arith.constant 144 : i32
    %add3A_1022 = arith.addi %add3A_1021, %squeeze3A_1020 : i32
    %slice3A_1023 = vector.extract_strided_slice %and3A_999 {offsets = [2], sizes = [1], strides = [1]} : vector<16xi32> to vector<1xi32>
    %squeeze3A_1024 = vector.extract %slice3A_1023[0] : i32 from vector<1xi32>
    %get3A_1025 = arith.index_cast %add3A_1022 : i32 to index
    %get3A_1026 = arith.index_cast %squeeze3A_1024 : i32 to index
    %get3A_1027 = tpu.vector_load %arg9[%get3A_1025, %get3A_1026] {strides = array<i32>} : memref<256x128xf32, #tpu.memory_space<vmem>>, vector<1x16xf32>,
    %get3A_1028 = vector.shape_cast %get3A_1027 : vector<1x16xf32> to vector<16xf32>
    %slice3A_1029 = vector.extract_strided_slice %select_n3A_1008 {offsets = [2], sizes = [1], strides = [1]} : vector<16xi32> to vector<1xi32>
    %squeeze3A_1030 = vector.extract %slice3A_1029[0] : i32 from vector<1xi32>
    %eq3A_1031 = vector.broadcast %squeeze3A_1030 : i32 to vector<16xi32>
    %eq3A_1032 = arith.cmpi eq, %iota3A, %eq3A_1031 : vector<16xi32>
    %jit3A_1033 = arith.constant 0.000000e+00 : f32
    %broadcast_in_dim3A_1034 = vector.broadcast %jit3A_1033 : f32 to vector<16xf32>
    %select_n3A_1035 = arith.select %eq3A_1032, %get3A_1028, %broadcast_in_dim3A_1034 : vector<16xi1>, vector<16xf32>
    %add3A_1036 = arith.addf %add3A_954, %select_n3A_1035 : vector<16xf32>
    %dma_wait3A_1037 = arith.constant 152 : i32
    %dma_wait3A_1038 = arith.constant 0 : i32
    %dma_wait3A_1039 = tpu.memref_slice %arg9[%dma_wait3A_1037, %dma_wait3A_1038] : memref<256x128xf32, #tpu.memory_space<vmem>> -> memref<8x128xf32, #tpu.memory_space<vmem>>
    %dma_wait3A_1040 = tpu.memref_slice %arg2[%arg1, %multiple_of3A_307, %multiple_of3A_310] : memref<16x256x4096xf32, #tpu.memory_space<hbm>> -> memref<1x8x128xf32, #tpu.memory_space<hbm>>
    %dma_wait3A_1041 = tpu.memref_squeeze %dma_wait3A_1040 : memref<1x8x128xf32, #tpu.memory_space<hbm>> -> memref<8x128xf32, #tpu.memory_space<hbm>>
    %dma_wait3A_1042 = arith.constant 152 : i32
    %dma_wait3A_1043 = arith.constant 0 : i32
    %dma_wait3A_1044 = tpu.memref_slice %arg9[%dma_wait3A_1042, %dma_wait3A_1043] : memref<256x128xf32, #tpu.memory_space<vmem>> -> memref<8x128xf32, #tpu.memory_space<vmem>>
    %dma_wait3A_1045 = tpu.memref_slice %arg2[%arg1, %multiple_of3A_307, %multiple_of3A_310] : memref<16x256x4096xf32, #tpu.memory_space<hbm>> -> memref<1x8x128xf32, #tpu.memory_space<hbm>>
    %dma_wait3A_1046 = tpu.memref_squeeze %dma_wait3A_1045 : memref<1x8x128xf32, #tpu.memory_space<hbm>> -> memref<8x128xf32, #tpu.memory_space<hbm>>
    tpu.wait_dma2 semaphore(%arg15 : memref<!tpu.dma_semaphore, #tpu.memory_space<semaphore_mem>>) src(%dma_wait3A_1046 : memref<8x128xf32, #tpu.memory_space<hbm>>) dst(%dma_wait3A_1044 : memref<8x128xf32, #tpu.memory_space<vmem>>)
    %slice3A_1047 = vector.extract_strided_slice %and3A_993 {offsets = [3], sizes = [1], strides = [1]} : vector<16xi32> to vector<1xi32>
    %squeeze3A_1048 = vector.extract %slice3A_1047[0] : i32 from vector<1xi32>
    %add3A_1049 = arith.constant 152 : i32
    %add3A_1050 = arith.addi %add3A_1049, %squeeze3A_1048 : i32
    %slice3A_1051 = vector.extract_strided_slice %and3A_999 {offsets = [3], sizes = [1], strides = [1]} : vector<16xi32> to vector<1xi32>
    %squeeze3A_1052 = vector.extract %slice3A_1051[0] : i32 from vector<1xi32>
    %get3A_1053 = arith.index_cast %add3A_1050 : i32 to index
    %get3A_1054 = arith.index_cast %squeeze3A_1052 : i32 to index
    %get3A_1055 = tpu.vector_load %arg9[%get3A_1053, %get3A_1054] {strides = array<i32>} : memref<256x128xf32, #tpu.memory_space<vmem>>, vector<1x16xf32>,
    %get3A_1056 = vector.shape_cast %get3A_1055 : vector<1x16xf32> to vector<16xf32>
    %slice3A_1057 = vector.extract_strided_slice %select_n3A_1008 {offsets = [3], sizes = [1], strides = [1]} : vector<16xi32> to vector<1xi32>
    %squeeze3A_1058 = vector.extract %slice3A_1057[0] : i32 from vector<1xi32>
    %eq3A_1059 = vector.broadcast %squeeze3A_1058 : i32 to vector<16xi32>
    %eq3A_1060 = arith.cmpi eq, %iota3A, %eq3A_1059 : vector<16xi32>
    %jit3A_1061 = arith.constant 0.000000e+00 : f32
    %broadcast_in_dim3A_1062 = vector.broadcast %jit3A_1061 : f32 to vector<16xf32>
    %select_n3A_1063 = arith.select %eq3A_1060, %get3A_1056, %broadcast_in_dim3A_1062 : vector<16xi1>, vector<16xf32>
    %add3A_1064 = arith.addf %add3A_982, %select_n3A_1063 : vector<16xf32>
    %dma_wait3A_1065 = arith.constant 160 : i32
    %dma_wait3A_1066 = arith.constant 0 : i32
    %dma_wait3A_1067 = tpu.memref_slice %arg9[%dma_wait3A_1065, %dma_wait3A_1066] : memref<256x128xf32, #tpu.memory_space<vmem>> -> memref<8x128xf32, #tpu.memory_space<vmem>>
    %dma_wait3A_1068 = tpu.memref_slice %arg2[%arg1, %multiple_of3A_323, %multiple_of3A_326] : memref<16x256x4096xf32, #tpu.memory_space<hbm>> -> memref<1x8x128xf32, #tpu.memory_space<hbm>>
    %dma_wait3A_1069 = tpu.memref_squeeze %dma_wait3A_1068 : memref<1x8x128xf32, #tpu.memory_space<hbm>> -> memref<8x128xf32, #tpu.memory_space<hbm>>
    %dma_wait3A_1070 = arith.constant 160 : i32
    %dma_wait3A_1071 = arith.constant 0 : i32
    %dma_wait3A_1072 = tpu.memref_slice %arg9[%dma_wait3A_1070, %dma_wait3A_1071] : memref<256x128xf32, #tpu.memory_space<vmem>> -> memref<8x128xf32, #tpu.memory_space<vmem>>
    %dma_wait3A_1073 = tpu.memref_slice %arg2[%arg1, %multiple_of3A_323, %multiple_of3A_326] : memref<16x256x4096xf32, #tpu.memory_space<hbm>> -> memref<1x8x128xf32, #tpu.memory_space<hbm>>
    %dma_wait3A_1074 = tpu.memref_squeeze %dma_wait3A_1073 : memref<1x8x128xf32, #tpu.memory_space<hbm>> -> memref<8x128xf32, #tpu.memory_space<hbm>>
    tpu.wait_dma2 semaphore(%arg15 : memref<!tpu.dma_semaphore, #tpu.memory_space<semaphore_mem>>) src(%dma_wait3A_1074 : memref<8x128xf32, #tpu.memory_space<hbm>>) dst(%dma_wait3A_1072 : memref<8x128xf32, #tpu.memory_space<vmem>>)
    %slice3A_1075 = vector.extract_strided_slice %and3A_993 {offsets = [4], sizes = [1], strides = [1]} : vector<16xi32> to vector<1xi32>
    %squeeze3A_1076 = vector.extract %slice3A_1075[0] : i32 from vector<1xi32>
    %add3A_1077 = arith.constant 160 : i32
    %add3A_1078 = arith.addi %add3A_1077, %squeeze3A_1076 : i32
    %slice3A_1079 = vector.extract_strided_slice %and3A_999 {offsets = [4], sizes = [1], strides = [1]} : vector<16xi32> to vector<1xi32>
    %squeeze3A_1080 = vector.extract %slice3A_1079[0] : i32 from vector<1xi32>
    %get3A_1081 = arith.index_cast %add3A_1078 : i32 to index
    %get3A_1082 = arith.index_cast %squeeze3A_1080 : i32 to index
    %get3A_1083 = tpu.vector_load %arg9[%get3A_1081, %get3A_1082] {strides = array<i32>} : memref<256x128xf32, #tpu.memory_space<vmem>>, vector<1x16xf32>,
    %get3A_1084 = vector.shape_cast %get3A_1083 : vector<1x16xf32> to vector<16xf32>
    %slice3A_1085 = vector.extract_strided_slice %select_n3A_1008 {offsets = [4], sizes = [1], strides = [1]} : vector<16xi32> to vector<1xi32>
    %squeeze3A_1086 = vector.extract %slice3A_1085[0] : i32 from vector<1xi32>
    %eq3A_1087 = vector.broadcast %squeeze3A_1086 : i32 to vector<16xi32>
    %eq3A_1088 = arith.cmpi eq, %iota3A, %eq3A_1087 : vector<16xi32>
    %jit3A_1089 = arith.constant 0.000000e+00 : f32
    %broadcast_in_dim3A_1090 = vector.broadcast %jit3A_1089 : f32 to vector<16xf32>
    %select_n3A_1091 = arith.select %eq3A_1088, %get3A_1084, %broadcast_in_dim3A_1090 : vector<16xi1>, vector<16xf32>
    %add3A_1092 = arith.addf %add3A_1036, %select_n3A_1091 : vector<16xf32>
    %dma_wait3A_1093 = arith.constant 168 : i32
    %dma_wait3A_1094 = arith.constant 0 : i32
    %dma_wait3A_1095 = tpu.memref_slice %arg9[%dma_wait3A_1093, %dma_wait3A_1094] : memref<256x128xf32, #tpu.memory_space<vmem>> -> memref<8x128xf32, #tpu.memory_space<vmem>>
    %dma_wait3A_1096 = tpu.memref_slice %arg2[%arg1, %multiple_of3A_339, %multiple_of3A_342] : memref<16x256x4096xf32, #tpu.memory_space<hbm>> -> memref<1x8x128xf32, #tpu.memory_space<hbm>>
    %dma_wait3A_1097 = tpu.memref_squeeze %dma_wait3A_1096 : memref<1x8x128xf32, #tpu.memory_space<hbm>> -> memref<8x128xf32, #tpu.memory_space<hbm>>
    %dma_wait3A_1098 = arith.constant 168 : i32
    %dma_wait3A_1099 = arith.constant 0 : i32
    %dma_wait3A_1100 = tpu.memref_slice %arg9[%dma_wait3A_1098, %dma_wait3A_1099] : memref<256x128xf32, #tpu.memory_space<vmem>> -> memref<8x128xf32, #tpu.memory_space<vmem>>
    %dma_wait3A_1101 = tpu.memref_slice %arg2[%arg1, %multiple_of3A_339, %multiple_of3A_342] : memref<16x256x4096xf32, #tpu.memory_space<hbm>> -> memref<1x8x128xf32, #tpu.memory_space<hbm>>
    %dma_wait3A_1102 = tpu.memref_squeeze %dma_wait3A_1101 : memref<1x8x128xf32, #tpu.memory_space<hbm>> -> memref<8x128xf32, #tpu.memory_space<hbm>>
    tpu.wait_dma2 semaphore(%arg15 : memref<!tpu.dma_semaphore, #tpu.memory_space<semaphore_mem>>) src(%dma_wait3A_1102 : memref<8x128xf32, #tpu.memory_space<hbm>>) dst(%dma_wait3A_1100 : memref<8x128xf32, #tpu.memory_space<vmem>>)
    %slice3A_1103 = vector.extract_strided_slice %and3A_993 {offsets = [5], sizes = [1], strides = [1]} : vector<16xi32> to vector<1xi32>
    %squeeze3A_1104 = vector.extract %slice3A_1103[0] : i32 from vector<1xi32>
    %add3A_1105 = arith.constant 168 : i32
    %add3A_1106 = arith.addi %add3A_1105, %squeeze3A_1104 : i32
    %slice3A_1107 = vector.extract_strided_slice %and3A_999 {offsets = [5], sizes = [1], strides = [1]} : vector<16xi32> to vector<1xi32>
    %squeeze3A_1108 = vector.extract %slice3A_1107[0] : i32 from vector<1xi32>
    %get3A_1109 = arith.index_cast %add3A_1106 : i32 to index
    %get3A_1110 = arith.index_cast %squeeze3A_1108 : i32 to index
    %get3A_1111 = tpu.vector_load %arg9[%get3A_1109, %get3A_1110] {strides = array<i32>} : memref<256x128xf32, #tpu.memory_space<vmem>>, vector<1x16xf32>,
    %get3A_1112 = vector.shape_cast %get3A_1111 : vector<1x16xf32> to vector<16xf32>
    %slice3A_1113 = vector.extract_strided_slice %select_n3A_1008 {offsets = [5], sizes = [1], strides = [1]} : vector<16xi32> to vector<1xi32>
    %squeeze3A_1114 = vector.extract %slice3A_1113[0] : i32 from vector<1xi32>
    %eq3A_1115 = vector.broadcast %squeeze3A_1114 : i32 to vector<16xi32>
    %eq3A_1116 = arith.cmpi eq, %iota3A, %eq3A_1115 : vector<16xi32>
    %jit3A_1117 = arith.constant 0.000000e+00 : f32
    %broadcast_in_dim3A_1118 = vector.broadcast %jit3A_1117 : f32 to vector<16xf32>
    %select_n3A_1119 = arith.select %eq3A_1116, %get3A_1112, %broadcast_in_dim3A_1118 : vector<16xi1>, vector<16xf32>
    %add3A_1120 = arith.addf %add3A_1064, %select_n3A_1119 : vector<16xf32>
    %dma_wait3A_1121 = arith.constant 176 : i32
    %dma_wait3A_1122 = arith.constant 0 : i32
    %dma_wait3A_1123 = tpu.memref_slice %arg9[%dma_wait3A_1121, %dma_wait3A_1122] : memref<256x128xf32, #tpu.memory_space<vmem>> -> memref<8x128xf32, #tpu.memory_space<vmem>>
    %dma_wait3A_1124 = tpu.memref_slice %arg2[%arg1, %multiple_of3A_355, %multiple_of3A_358] : memref<16x256x4096xf32, #tpu.memory_space<hbm>> -> memref<1x8x128xf32, #tpu.memory_space<hbm>>
    %dma_wait3A_1125 = tpu.memref_squeeze %dma_wait3A_1124 : memref<1x8x128xf32, #tpu.memory_space<hbm>> -> memref<8x128xf32, #tpu.memory_space<hbm>>
    %dma_wait3A_1126 = arith.constant 176 : i32
    %dma_wait3A_1127 = arith.constant 0 : i32
    %dma_wait3A_1128 = tpu.memref_slice %arg9[%dma_wait3A_1126, %dma_wait3A_1127] : memref<256x128xf32, #tpu.memory_space<vmem>> -> memref<8x128xf32, #tpu.memory_space<vmem>>
    %dma_wait3A_1129 = tpu.memref_slice %arg2[%arg1, %multiple_of3A_355, %multiple_of3A_358] : memref<16x256x4096xf32, #tpu.memory_space<hbm>> -> memref<1x8x128xf32, #tpu.memory_space<hbm>>
    %dma_wait3A_1130 = tpu.memref_squeeze %dma_wait3A_1129 : memref<1x8x128xf32, #tpu.memory_space<hbm>> -> memref<8x128xf32, #tpu.memory_space<hbm>>
    tpu.wait_dma2 semaphore(%arg15 : memref<!tpu.dma_semaphore, #tpu.memory_space<semaphore_mem>>) src(%dma_wait3A_1130 : memref<8x128xf32, #tpu.memory_space<hbm>>) dst(%dma_wait3A_1128 : memref<8x128xf32, #tpu.memory_space<vmem>>)
    %slice3A_1131 = vector.extract_strided_slice %and3A_993 {offsets = [6], sizes = [1], strides = [1]} : vector<16xi32> to vector<1xi32>
    %squeeze3A_1132 = vector.extract %slice3A_1131[0] : i32 from vector<1xi32>
    %add3A_1133 = arith.constant 176 : i32
    %add3A_1134 = arith.addi %add3A_1133, %squeeze3A_1132 : i32
    %slice3A_1135 = vector.extract_strided_slice %and3A_999 {offsets = [6], sizes = [1], strides = [1]} : vector<16xi32> to vector<1xi32>
    %squeeze3A_1136 = vector.extract %slice3A_1135[0] : i32 from vector<1xi32>
    %get3A_1137 = arith.index_cast %add3A_1134 : i32 to index
    %get3A_1138 = arith.index_cast %squeeze3A_1136 : i32 to index
    %get3A_1139 = tpu.vector_load %arg9[%get3A_1137, %get3A_1138] {strides = array<i32>} : memref<256x128xf32, #tpu.memory_space<vmem>>, vector<1x16xf32>,
    %get3A_1140 = vector.shape_cast %get3A_1139 : vector<1x16xf32> to vector<16xf32>
    %slice3A_1141 = vector.extract_strided_slice %select_n3A_1008 {offsets = [6], sizes = [1], strides = [1]} : vector<16xi32> to vector<1xi32>
    %squeeze3A_1142 = vector.extract %slice3A_1141[0] : i32 from vector<1xi32>
    %eq3A_1143 = vector.broadcast %squeeze3A_1142 : i32 to vector<16xi32>
    %eq3A_1144 = arith.cmpi eq, %iota3A, %eq3A_1143 : vector<16xi32>
    %jit3A_1145 = arith.constant 0.000000e+00 : f32
    %broadcast_in_dim3A_1146 = vector.broadcast %jit3A_1145 : f32 to vector<16xf32>
    %select_n3A_1147 = arith.select %eq3A_1144, %get3A_1140, %broadcast_in_dim3A_1146 : vector<16xi1>, vector<16xf32>
    %add3A_1148 = arith.addf %add3A_1092, %select_n3A_1147 : vector<16xf32>
    %dma_wait3A_1149 = arith.constant 184 : i32
    %dma_wait3A_1150 = arith.constant 0 : i32
    %dma_wait3A_1151 = tpu.memref_slice %arg9[%dma_wait3A_1149, %dma_wait3A_1150] : memref<256x128xf32, #tpu.memory_space<vmem>> -> memref<8x128xf32, #tpu.memory_space<vmem>>
    %dma_wait3A_1152 = tpu.memref_slice %arg2[%arg1, %multiple_of3A_371, %multiple_of3A_374] : memref<16x256x4096xf32, #tpu.memory_space<hbm>> -> memref<1x8x128xf32, #tpu.memory_space<hbm>>
    %dma_wait3A_1153 = tpu.memref_squeeze %dma_wait3A_1152 : memref<1x8x128xf32, #tpu.memory_space<hbm>> -> memref<8x128xf32, #tpu.memory_space<hbm>>
    %dma_wait3A_1154 = arith.constant 184 : i32
    %dma_wait3A_1155 = arith.constant 0 : i32
    %dma_wait3A_1156 = tpu.memref_slice %arg9[%dma_wait3A_1154, %dma_wait3A_1155] : memref<256x128xf32, #tpu.memory_space<vmem>> -> memref<8x128xf32, #tpu.memory_space<vmem>>
    %dma_wait3A_1157 = tpu.memref_slice %arg2[%arg1, %multiple_of3A_371, %multiple_of3A_374] : memref<16x256x4096xf32, #tpu.memory_space<hbm>> -> memref<1x8x128xf32, #tpu.memory_space<hbm>>
    %dma_wait3A_1158 = tpu.memref_squeeze %dma_wait3A_1157 : memref<1x8x128xf32, #tpu.memory_space<hbm>> -> memref<8x128xf32, #tpu.memory_space<hbm>>
    tpu.wait_dma2 semaphore(%arg15 : memref<!tpu.dma_semaphore, #tpu.memory_space<semaphore_mem>>) src(%dma_wait3A_1158 : memref<8x128xf32, #tpu.memory_space<hbm>>) dst(%dma_wait3A_1156 : memref<8x128xf32, #tpu.memory_space<vmem>>)
    %slice3A_1159 = vector.extract_strided_slice %and3A_993 {offsets = [7], sizes = [1], strides = [1]} : vector<16xi32> to vector<1xi32>
    %squeeze3A_1160 = vector.extract %slice3A_1159[0] : i32 from vector<1xi32>
    %add3A_1161 = arith.constant 184 : i32
    %add3A_1162 = arith.addi %add3A_1161, %squeeze3A_1160 : i32
    %slice3A_1163 = vector.extract_strided_slice %and3A_999 {offsets = [7], sizes = [1], strides = [1]} : vector<16xi32> to vector<1xi32>
    %squeeze3A_1164 = vector.extract %slice3A_1163[0] : i32 from vector<1xi32>
    %get3A_1165 = arith.index_cast %add3A_1162 : i32 to index
    %get3A_1166 = arith.index_cast %squeeze3A_1164 : i32 to index
    %get3A_1167 = tpu.vector_load %arg9[%get3A_1165, %get3A_1166] {strides = array<i32>} : memref<256x128xf32, #tpu.memory_space<vmem>>, vector<1x16xf32>,
    %get3A_1168 = vector.shape_cast %get3A_1167 : vector<1x16xf32> to vector<16xf32>
    %slice3A_1169 = vector.extract_strided_slice %select_n3A_1008 {offsets = [7], sizes = [1], strides = [1]} : vector<16xi32> to vector<1xi32>
    %squeeze3A_1170 = vector.extract %slice3A_1169[0] : i32 from vector<1xi32>
    %eq3A_1171 = vector.broadcast %squeeze3A_1170 : i32 to vector<16xi32>
    %eq3A_1172 = arith.cmpi eq, %iota3A, %eq3A_1171 : vector<16xi32>
    %jit3A_1173 = arith.constant 0.000000e+00 : f32
    %broadcast_in_dim3A_1174 = vector.broadcast %jit3A_1173 : f32 to vector<16xf32>
    %select_n3A_1175 = arith.select %eq3A_1172, %get3A_1168, %broadcast_in_dim3A_1174 : vector<16xi1>, vector<16xf32>
    %add3A_1176 = arith.addf %add3A_1120, %select_n3A_1175 : vector<16xf32>
    %dma_wait3A_1177 = arith.constant 192 : i32
    %dma_wait3A_1178 = arith.constant 0 : i32
    %dma_wait3A_1179 = tpu.memref_slice %arg9[%dma_wait3A_1177, %dma_wait3A_1178] : memref<256x128xf32, #tpu.memory_space<vmem>> -> memref<8x128xf32, #tpu.memory_space<vmem>>
    %dma_wait3A_1180 = tpu.memref_slice %arg2[%arg1, %multiple_of3A_387, %multiple_of3A_390] : memref<16x256x4096xf32, #tpu.memory_space<hbm>> -> memref<1x8x128xf32, #tpu.memory_space<hbm>>
    %dma_wait3A_1181 = tpu.memref_squeeze %dma_wait3A_1180 : memref<1x8x128xf32, #tpu.memory_space<hbm>> -> memref<8x128xf32, #tpu.memory_space<hbm>>
    %dma_wait3A_1182 = arith.constant 192 : i32
    %dma_wait3A_1183 = arith.constant 0 : i32
    %dma_wait3A_1184 = tpu.memref_slice %arg9[%dma_wait3A_1182, %dma_wait3A_1183] : memref<256x128xf32, #tpu.memory_space<vmem>> -> memref<8x128xf32, #tpu.memory_space<vmem>>
    %dma_wait3A_1185 = tpu.memref_slice %arg2[%arg1, %multiple_of3A_387, %multiple_of3A_390] : memref<16x256x4096xf32, #tpu.memory_space<hbm>> -> memref<1x8x128xf32, #tpu.memory_space<hbm>>
    %dma_wait3A_1186 = tpu.memref_squeeze %dma_wait3A_1185 : memref<1x8x128xf32, #tpu.memory_space<hbm>> -> memref<8x128xf32, #tpu.memory_space<hbm>>
    tpu.wait_dma2 semaphore(%arg15 : memref<!tpu.dma_semaphore, #tpu.memory_space<semaphore_mem>>) src(%dma_wait3A_1186 : memref<8x128xf32, #tpu.memory_space<hbm>>) dst(%dma_wait3A_1184 : memref<8x128xf32, #tpu.memory_space<vmem>>)
    %slice3A_1187 = vector.extract_strided_slice %and3A_993 {offsets = [8], sizes = [1], strides = [1]} : vector<16xi32> to vector<1xi32>
    %squeeze3A_1188 = vector.extract %slice3A_1187[0] : i32 from vector<1xi32>
    %add3A_1189 = arith.constant 192 : i32
    %add3A_1190 = arith.addi %add3A_1189, %squeeze3A_1188 : i32
    %slice3A_1191 = vector.extract_strided_slice %and3A_999 {offsets = [8], sizes = [1], strides = [1]} : vector<16xi32> to vector<1xi32>
    %squeeze3A_1192 = vector.extract %slice3A_1191[0] : i32 from vector<1xi32>
    %get3A_1193 = arith.index_cast %add3A_1190 : i32 to index
    %get3A_1194 = arith.index_cast %squeeze3A_1192 : i32 to index
    %get3A_1195 = tpu.vector_load %arg9[%get3A_1193, %get3A_1194] {strides = array<i32>} : memref<256x128xf32, #tpu.memory_space<vmem>>, vector<1x16xf32>,
    %get3A_1196 = vector.shape_cast %get3A_1195 : vector<1x16xf32> to vector<16xf32>
    %slice3A_1197 = vector.extract_strided_slice %select_n3A_1008 {offsets = [8], sizes = [1], strides = [1]} : vector<16xi32> to vector<1xi32>
    %squeeze3A_1198 = vector.extract %slice3A_1197[0] : i32 from vector<1xi32>
    %eq3A_1199 = vector.broadcast %squeeze3A_1198 : i32 to vector<16xi32>
    %eq3A_1200 = arith.cmpi eq, %iota3A, %eq3A_1199 : vector<16xi32>
    %jit3A_1201 = arith.constant 0.000000e+00 : f32
    %broadcast_in_dim3A_1202 = vector.broadcast %jit3A_1201 : f32 to vector<16xf32>
    %select_n3A_1203 = arith.select %eq3A_1200, %get3A_1196, %broadcast_in_dim3A_1202 : vector<16xi1>, vector<16xf32>
    %add3A_1204 = arith.addf %add3A_1148, %select_n3A_1203 : vector<16xf32>
    %dma_wait3A_1205 = arith.constant 200 : i32
    %dma_wait3A_1206 = arith.constant 0 : i32
    %dma_wait3A_1207 = tpu.memref_slice %arg9[%dma_wait3A_1205, %dma_wait3A_1206] : memref<256x128xf32, #tpu.memory_space<vmem>> -> memref<8x128xf32, #tpu.memory_space<vmem>>
    %dma_wait3A_1208 = tpu.memref_slice %arg2[%arg1, %multiple_of3A_403, %multiple_of3A_406] : memref<16x256x4096xf32, #tpu.memory_space<hbm>> -> memref<1x8x128xf32, #tpu.memory_space<hbm>>
    %dma_wait3A_1209 = tpu.memref_squeeze %dma_wait3A_1208 : memref<1x8x128xf32, #tpu.memory_space<hbm>> -> memref<8x128xf32, #tpu.memory_space<hbm>>
    %dma_wait3A_1210 = arith.constant 200 : i32
    %dma_wait3A_1211 = arith.constant 0 : i32
    %dma_wait3A_1212 = tpu.memref_slice %arg9[%dma_wait3A_1210, %dma_wait3A_1211] : memref<256x128xf32, #tpu.memory_space<vmem>> -> memref<8x128xf32, #tpu.memory_space<vmem>>
    %dma_wait3A_1213 = tpu.memref_slice %arg2[%arg1, %multiple_of3A_403, %multiple_of3A_406] : memref<16x256x4096xf32, #tpu.memory_space<hbm>> -> memref<1x8x128xf32, #tpu.memory_space<hbm>>
    %dma_wait3A_1214 = tpu.memref_squeeze %dma_wait3A_1213 : memref<1x8x128xf32, #tpu.memory_space<hbm>> -> memref<8x128xf32, #tpu.memory_space<hbm>>
    tpu.wait_dma2 semaphore(%arg15 : memref<!tpu.dma_semaphore, #tpu.memory_space<semaphore_mem>>) src(%dma_wait3A_1214 : memref<8x128xf32, #tpu.memory_space<hbm>>) dst(%dma_wait3A_1212 : memref<8x128xf32, #tpu.memory_space<vmem>>)
    %slice3A_1215 = vector.extract_strided_slice %and3A_993 {offsets = [9], sizes = [1], strides = [1]} : vector<16xi32> to vector<1xi32>
    %squeeze3A_1216 = vector.extract %slice3A_1215[0] : i32 from vector<1xi32>
    %add3A_1217 = arith.constant 200 : i32
    %add3A_1218 = arith.addi %add3A_1217, %squeeze3A_1216 : i32
    %slice3A_1219 = vector.extract_strided_slice %and3A_999 {offsets = [9], sizes = [1], strides = [1]} : vector<16xi32> to vector<1xi32>
    %squeeze3A_1220 = vector.extract %slice3A_1219[0] : i32 from vector<1xi32>
    %get3A_1221 = arith.index_cast %add3A_1218 : i32 to index
    %get3A_1222 = arith.index_cast %squeeze3A_1220 : i32 to index
    %get3A_1223 = tpu.vector_load %arg9[%get3A_1221, %get3A_1222] {strides = array<i32>} : memref<256x128xf32, #tpu.memory_space<vmem>>, vector<1x16xf32>,
    %get3A_1224 = vector.shape_cast %get3A_1223 : vector<1x16xf32> to vector<16xf32>
    %slice3A_1225 = vector.extract_strided_slice %select_n3A_1008 {offsets = [9], sizes = [1], strides = [1]} : vector<16xi32> to vector<1xi32>
    %squeeze3A_1226 = vector.extract %slice3A_1225[0] : i32 from vector<1xi32>
    %eq3A_1227 = vector.broadcast %squeeze3A_1226 : i32 to vector<16xi32>
    %eq3A_1228 = arith.cmpi eq, %iota3A, %eq3A_1227 : vector<16xi32>
    %jit3A_1229 = arith.constant 0.000000e+00 : f32
    %broadcast_in_dim3A_1230 = vector.broadcast %jit3A_1229 : f32 to vector<16xf32>
    %select_n3A_1231 = arith.select %eq3A_1228, %get3A_1224, %broadcast_in_dim3A_1230 : vector<16xi1>, vector<16xf32>
    %add3A_1232 = arith.addf %add3A_1176, %select_n3A_1231 : vector<16xf32>
    %dma_wait3A_1233 = arith.constant 208 : i32
    %dma_wait3A_1234 = arith.constant 0 : i32
    %dma_wait3A_1235 = tpu.memref_slice %arg9[%dma_wait3A_1233, %dma_wait3A_1234] : memref<256x128xf32, #tpu.memory_space<vmem>> -> memref<8x128xf32, #tpu.memory_space<vmem>>
    %dma_wait3A_1236 = tpu.memref_slice %arg2[%arg1, %multiple_of3A_419, %multiple_of3A_422] : memref<16x256x4096xf32, #tpu.memory_space<hbm>> -> memref<1x8x128xf32, #tpu.memory_space<hbm>>
    %dma_wait3A_1237 = tpu.memref_squeeze %dma_wait3A_1236 : memref<1x8x128xf32, #tpu.memory_space<hbm>> -> memref<8x128xf32, #tpu.memory_space<hbm>>
    %dma_wait3A_1238 = arith.constant 208 : i32
    %dma_wait3A_1239 = arith.constant 0 : i32
    %dma_wait3A_1240 = tpu.memref_slice %arg9[%dma_wait3A_1238, %dma_wait3A_1239] : memref<256x128xf32, #tpu.memory_space<vmem>> -> memref<8x128xf32, #tpu.memory_space<vmem>>
    %dma_wait3A_1241 = tpu.memref_slice %arg2[%arg1, %multiple_of3A_419, %multiple_of3A_422] : memref<16x256x4096xf32, #tpu.memory_space<hbm>> -> memref<1x8x128xf32, #tpu.memory_space<hbm>>
    %dma_wait3A_1242 = tpu.memref_squeeze %dma_wait3A_1241 : memref<1x8x128xf32, #tpu.memory_space<hbm>> -> memref<8x128xf32, #tpu.memory_space<hbm>>
    tpu.wait_dma2 semaphore(%arg15 : memref<!tpu.dma_semaphore, #tpu.memory_space<semaphore_mem>>) src(%dma_wait3A_1242 : memref<8x128xf32, #tpu.memory_space<hbm>>) dst(%dma_wait3A_1240 : memref<8x128xf32, #tpu.memory_space<vmem>>)
    %slice3A_1243 = vector.extract_strided_slice %and3A_993 {offsets = [10], sizes = [1], strides = [1]} : vector<16xi32> to vector<1xi32>
    %squeeze3A_1244 = vector.extract %slice3A_1243[0] : i32 from vector<1xi32>
    %add3A_1245 = arith.constant 208 : i32
    %add3A_1246 = arith.addi %add3A_1245, %squeeze3A_1244 : i32
    %slice3A_1247 = vector.extract_strided_slice %and3A_999 {offsets = [10], sizes = [1], strides = [1]} : vector<16xi32> to vector<1xi32>
    %squeeze3A_1248 = vector.extract %slice3A_1247[0] : i32 from vector<1xi32>
    %get3A_1249 = arith.index_cast %add3A_1246 : i32 to index
    %get3A_1250 = arith.index_cast %squeeze3A_1248 : i32 to index
    %get3A_1251 = tpu.vector_load %arg9[%get3A_1249, %get3A_1250] {strides = array<i32>} : memref<256x128xf32, #tpu.memory_space<vmem>>, vector<1x16xf32>,
    %get3A_1252 = vector.shape_cast %get3A_1251 : vector<1x16xf32> to vector<16xf32>
    %slice3A_1253 = vector.extract_strided_slice %select_n3A_1008 {offsets = [10], sizes = [1], strides = [1]} : vector<16xi32> to vector<1xi32>
    %squeeze3A_1254 = vector.extract %slice3A_1253[0] : i32 from vector<1xi32>
    %eq3A_1255 = vector.broadcast %squeeze3A_1254 : i32 to vector<16xi32>
    %eq3A_1256 = arith.cmpi eq, %iota3A, %eq3A_1255 : vector<16xi32>
    %jit3A_1257 = arith.constant 0.000000e+00 : f32
    %broadcast_in_dim3A_1258 = vector.broadcast %jit3A_1257 : f32 to vector<16xf32>
    %select_n3A_1259 = arith.select %eq3A_1256, %get3A_1252, %broadcast_in_dim3A_1258 : vector<16xi1>, vector<16xf32>
    %add3A_1260 = arith.addf %add3A_1204, %select_n3A_1259 : vector<16xf32>
    %dma_wait3A_1261 = arith.constant 216 : i32
    %dma_wait3A_1262 = arith.constant 0 : i32
    %dma_wait3A_1263 = tpu.memref_slice %arg9[%dma_wait3A_1261, %dma_wait3A_1262] : memref<256x128xf32, #tpu.memory_space<vmem>> -> memref<8x128xf32, #tpu.memory_space<vmem>>
    %dma_wait3A_1264 = tpu.memref_slice %arg2[%arg1, %multiple_of3A_435, %multiple_of3A_438] : memref<16x256x4096xf32, #tpu.memory_space<hbm>> -> memref<1x8x128xf32, #tpu.memory_space<hbm>>
    %dma_wait3A_1265 = tpu.memref_squeeze %dma_wait3A_1264 : memref<1x8x128xf32, #tpu.memory_space<hbm>> -> memref<8x128xf32, #tpu.memory_space<hbm>>
    %dma_wait3A_1266 = arith.constant 216 : i32
    %dma_wait3A_1267 = arith.constant 0 : i32
    %dma_wait3A_1268 = tpu.memref_slice %arg9[%dma_wait3A_1266, %dma_wait3A_1267] : memref<256x128xf32, #tpu.memory_space<vmem>> -> memref<8x128xf32, #tpu.memory_space<vmem>>
    %dma_wait3A_1269 = tpu.memref_slice %arg2[%arg1, %multiple_of3A_435, %multiple_of3A_438] : memref<16x256x4096xf32, #tpu.memory_space<hbm>> -> memref<1x8x128xf32, #tpu.memory_space<hbm>>
    %dma_wait3A_1270 = tpu.memref_squeeze %dma_wait3A_1269 : memref<1x8x128xf32, #tpu.memory_space<hbm>> -> memref<8x128xf32, #tpu.memory_space<hbm>>
    tpu.wait_dma2 semaphore(%arg15 : memref<!tpu.dma_semaphore, #tpu.memory_space<semaphore_mem>>) src(%dma_wait3A_1270 : memref<8x128xf32, #tpu.memory_space<hbm>>) dst(%dma_wait3A_1268 : memref<8x128xf32, #tpu.memory_space<vmem>>)
    %slice3A_1271 = vector.extract_strided_slice %and3A_993 {offsets = [11], sizes = [1], strides = [1]} : vector<16xi32> to vector<1xi32>
    %squeeze3A_1272 = vector.extract %slice3A_1271[0] : i32 from vector<1xi32>
    %add3A_1273 = arith.constant 216 : i32
    %add3A_1274 = arith.addi %add3A_1273, %squeeze3A_1272 : i32
    %slice3A_1275 = vector.extract_strided_slice %and3A_999 {offsets = [11], sizes = [1], strides = [1]} : vector<16xi32> to vector<1xi32>
    %squeeze3A_1276 = vector.extract %slice3A_1275[0] : i32 from vector<1xi32>
    %get3A_1277 = arith.index_cast %add3A_1274 : i32 to index
    %get3A_1278 = arith.index_cast %squeeze3A_1276 : i32 to index
    %get3A_1279 = tpu.vector_load %arg9[%get3A_1277, %get3A_1278] {strides = array<i32>} : memref<256x128xf32, #tpu.memory_space<vmem>>, vector<1x16xf32>,
    %get3A_1280 = vector.shape_cast %get3A_1279 : vector<1x16xf32> to vector<16xf32>
    %slice3A_1281 = vector.extract_strided_slice %select_n3A_1008 {offsets = [11], sizes = [1], strides = [1]} : vector<16xi32> to vector<1xi32>
    %squeeze3A_1282 = vector.extract %slice3A_1281[0] : i32 from vector<1xi32>
    %eq3A_1283 = vector.broadcast %squeeze3A_1282 : i32 to vector<16xi32>
    %eq3A_1284 = arith.cmpi eq, %iota3A, %eq3A_1283 : vector<16xi32>
    %jit3A_1285 = arith.constant 0.000000e+00 : f32
    %broadcast_in_dim3A_1286 = vector.broadcast %jit3A_1285 : f32 to vector<16xf32>
    %select_n3A_1287 = arith.select %eq3A_1284, %get3A_1280, %broadcast_in_dim3A_1286 : vector<16xi1>, vector<16xf32>
    %add3A_1288 = arith.addf %add3A_1232, %select_n3A_1287 : vector<16xf32>
    %dma_wait3A_1289 = arith.constant 224 : i32
    %dma_wait3A_1290 = arith.constant 0 : i32
    %dma_wait3A_1291 = tpu.memref_slice %arg9[%dma_wait3A_1289, %dma_wait3A_1290] : memref<256x128xf32, #tpu.memory_space<vmem>> -> memref<8x128xf32, #tpu.memory_space<vmem>>
    %dma_wait3A_1292 = tpu.memref_slice %arg2[%arg1, %multiple_of3A_451, %multiple_of3A_454] : memref<16x256x4096xf32, #tpu.memory_space<hbm>> -> memref<1x8x128xf32, #tpu.memory_space<hbm>>
    %dma_wait3A_1293 = tpu.memref_squeeze %dma_wait3A_1292 : memref<1x8x128xf32, #tpu.memory_space<hbm>> -> memref<8x128xf32, #tpu.memory_space<hbm>>
    %dma_wait3A_1294 = arith.constant 224 : i32
    %dma_wait3A_1295 = arith.constant 0 : i32
    %dma_wait3A_1296 = tpu.memref_slice %arg9[%dma_wait3A_1294, %dma_wait3A_1295] : memref<256x128xf32, #tpu.memory_space<vmem>> -> memref<8x128xf32, #tpu.memory_space<vmem>>
    %dma_wait3A_1297 = tpu.memref_slice %arg2[%arg1, %multiple_of3A_451, %multiple_of3A_454] : memref<16x256x4096xf32, #tpu.memory_space<hbm>> -> memref<1x8x128xf32, #tpu.memory_space<hbm>>
    %dma_wait3A_1298 = tpu.memref_squeeze %dma_wait3A_1297 : memref<1x8x128xf32, #tpu.memory_space<hbm>> -> memref<8x128xf32, #tpu.memory_space<hbm>>
    tpu.wait_dma2 semaphore(%arg15 : memref<!tpu.dma_semaphore, #tpu.memory_space<semaphore_mem>>) src(%dma_wait3A_1298 : memref<8x128xf32, #tpu.memory_space<hbm>>) dst(%dma_wait3A_1296 : memref<8x128xf32, #tpu.memory_space<vmem>>)
    %slice3A_1299 = vector.extract_strided_slice %and3A_993 {offsets = [12], sizes = [1], strides = [1]} : vector<16xi32> to vector<1xi32>
    %squeeze3A_1300 = vector.extract %slice3A_1299[0] : i32 from vector<1xi32>
    %add3A_1301 = arith.constant 224 : i32
    %add3A_1302 = arith.addi %add3A_1301, %squeeze3A_1300 : i32
    %slice3A_1303 = vector.extract_strided_slice %and3A_999 {offsets = [12], sizes = [1], strides = [1]} : vector<16xi32> to vector<1xi32>
    %squeeze3A_1304 = vector.extract %slice3A_1303[0] : i32 from vector<1xi32>
    %get3A_1305 = arith.index_cast %add3A_1302 : i32 to index
    %get3A_1306 = arith.index_cast %squeeze3A_1304 : i32 to index
    %get3A_1307 = tpu.vector_load %arg9[%get3A_1305, %get3A_1306] {strides = array<i32>} : memref<256x128xf32, #tpu.memory_space<vmem>>, vector<1x16xf32>,
    %get3A_1308 = vector.shape_cast %get3A_1307 : vector<1x16xf32> to vector<16xf32>
    %slice3A_1309 = vector.extract_strided_slice %select_n3A_1008 {offsets = [12], sizes = [1], strides = [1]} : vector<16xi32> to vector<1xi32>
    %squeeze3A_1310 = vector.extract %slice3A_1309[0] : i32 from vector<1xi32>
    %eq3A_1311 = vector.broadcast %squeeze3A_1310 : i32 to vector<16xi32>
    %eq3A_1312 = arith.cmpi eq, %iota3A, %eq3A_1311 : vector<16xi32>
    %jit3A_1313 = arith.constant 0.000000e+00 : f32
    %broadcast_in_dim3A_1314 = vector.broadcast %jit3A_1313 : f32 to vector<16xf32>
    %select_n3A_1315 = arith.select %eq3A_1312, %get3A_1308, %broadcast_in_dim3A_1314 : vector<16xi1>, vector<16xf32>
    %add3A_1316 = arith.addf %add3A_1260, %select_n3A_1315 : vector<16xf32>
    %dma_wait3A_1317 = arith.constant 232 : i32
    %dma_wait3A_1318 = arith.constant 0 : i32
    %dma_wait3A_1319 = tpu.memref_slice %arg9[%dma_wait3A_1317, %dma_wait3A_1318] : memref<256x128xf32, #tpu.memory_space<vmem>> -> memref<8x128xf32, #tpu.memory_space<vmem>>
    %dma_wait3A_1320 = tpu.memref_slice %arg2[%arg1, %multiple_of3A_467, %multiple_of3A_470] : memref<16x256x4096xf32, #tpu.memory_space<hbm>> -> memref<1x8x128xf32, #tpu.memory_space<hbm>>
    %dma_wait3A_1321 = tpu.memref_squeeze %dma_wait3A_1320 : memref<1x8x128xf32, #tpu.memory_space<hbm>> -> memref<8x128xf32, #tpu.memory_space<hbm>>
    %dma_wait3A_1322 = arith.constant 232 : i32
    %dma_wait3A_1323 = arith.constant 0 : i32
    %dma_wait3A_1324 = tpu.memref_slice %arg9[%dma_wait3A_1322, %dma_wait3A_1323] : memref<256x128xf32, #tpu.memory_space<vmem>> -> memref<8x128xf32, #tpu.memory_space<vmem>>
    %dma_wait3A_1325 = tpu.memref_slice %arg2[%arg1, %multiple_of3A_467, %multiple_of3A_470] : memref<16x256x4096xf32, #tpu.memory_space<hbm>> -> memref<1x8x128xf32, #tpu.memory_space<hbm>>
    %dma_wait3A_1326 = tpu.memref_squeeze %dma_wait3A_1325 : memref<1x8x128xf32, #tpu.memory_space<hbm>> -> memref<8x128xf32, #tpu.memory_space<hbm>>
    tpu.wait_dma2 semaphore(%arg15 : memref<!tpu.dma_semaphore, #tpu.memory_space<semaphore_mem>>) src(%dma_wait3A_1326 : memref<8x128xf32, #tpu.memory_space<hbm>>) dst(%dma_wait3A_1324 : memref<8x128xf32, #tpu.memory_space<vmem>>)
    %slice3A_1327 = vector.extract_strided_slice %and3A_993 {offsets = [13], sizes = [1], strides = [1]} : vector<16xi32> to vector<1xi32>
    %squeeze3A_1328 = vector.extract %slice3A_1327[0] : i32 from vector<1xi32>
    %add3A_1329 = arith.constant 232 : i32
    %add3A_1330 = arith.addi %add3A_1329, %squeeze3A_1328 : i32
    %slice3A_1331 = vector.extract_strided_slice %and3A_999 {offsets = [13], sizes = [1], strides = [1]} : vector<16xi32> to vector<1xi32>
    %squeeze3A_1332 = vector.extract %slice3A_1331[0] : i32 from vector<1xi32>
    %get3A_1333 = arith.index_cast %add3A_1330 : i32 to index
    %get3A_1334 = arith.index_cast %squeeze3A_1332 : i32 to index
    %get3A_1335 = tpu.vector_load %arg9[%get3A_1333, %get3A_1334] {strides = array<i32>} : memref<256x128xf32, #tpu.memory_space<vmem>>, vector<1x16xf32>,
    %get3A_1336 = vector.shape_cast %get3A_1335 : vector<1x16xf32> to vector<16xf32>
    %slice3A_1337 = vector.extract_strided_slice %select_n3A_1008 {offsets = [13], sizes = [1], strides = [1]} : vector<16xi32> to vector<1xi32>
    %squeeze3A_1338 = vector.extract %slice3A_1337[0] : i32 from vector<1xi32>
    %eq3A_1339 = vector.broadcast %squeeze3A_1338 : i32 to vector<16xi32>
    %eq3A_1340 = arith.cmpi eq, %iota3A, %eq3A_1339 : vector<16xi32>
    %jit3A_1341 = arith.constant 0.000000e+00 : f32
    %broadcast_in_dim3A_1342 = vector.broadcast %jit3A_1341 : f32 to vector<16xf32>
    %select_n3A_1343 = arith.select %eq3A_1340, %get3A_1336, %broadcast_in_dim3A_1342 : vector<16xi1>, vector<16xf32>
    %add3A_1344 = arith.addf %add3A_1288, %select_n3A_1343 : vector<16xf32>
    %dma_wait3A_1345 = arith.constant 240 : i32
    %dma_wait3A_1346 = arith.constant 0 : i32
    %dma_wait3A_1347 = tpu.memref_slice %arg9[%dma_wait3A_1345, %dma_wait3A_1346] : memref<256x128xf32, #tpu.memory_space<vmem>> -> memref<8x128xf32, #tpu.memory_space<vmem>>
    %dma_wait3A_1348 = tpu.memref_slice %arg2[%arg1, %multiple_of3A_483, %multiple_of3A_486] : memref<16x256x4096xf32, #tpu.memory_space<hbm>> -> memref<1x8x128xf32, #tpu.memory_space<hbm>>
    %dma_wait3A_1349 = tpu.memref_squeeze %dma_wait3A_1348 : memref<1x8x128xf32, #tpu.memory_space<hbm>> -> memref<8x128xf32, #tpu.memory_space<hbm>>
    %dma_wait3A_1350 = arith.constant 240 : i32
    %dma_wait3A_1351 = arith.constant 0 : i32
    %dma_wait3A_1352 = tpu.memref_slice %arg9[%dma_wait3A_1350, %dma_wait3A_1351] : memref<256x128xf32, #tpu.memory_space<vmem>> -> memref<8x128xf32, #tpu.memory_space<vmem>>
    %dma_wait3A_1353 = tpu.memref_slice %arg2[%arg1, %multiple_of3A_483, %multiple_of3A_486] : memref<16x256x4096xf32, #tpu.memory_space<hbm>> -> memref<1x8x128xf32, #tpu.memory_space<hbm>>
    %dma_wait3A_1354 = tpu.memref_squeeze %dma_wait3A_1353 : memref<1x8x128xf32, #tpu.memory_space<hbm>> -> memref<8x128xf32, #tpu.memory_space<hbm>>
    tpu.wait_dma2 semaphore(%arg15 : memref<!tpu.dma_semaphore, #tpu.memory_space<semaphore_mem>>) src(%dma_wait3A_1354 : memref<8x128xf32, #tpu.memory_space<hbm>>) dst(%dma_wait3A_1352 : memref<8x128xf32, #tpu.memory_space<vmem>>)
    %slice3A_1355 = vector.extract_strided_slice %and3A_993 {offsets = [14], sizes = [1], strides = [1]} : vector<16xi32> to vector<1xi32>
    %squeeze3A_1356 = vector.extract %slice3A_1355[0] : i32 from vector<1xi32>
    %add3A_1357 = arith.constant 240 : i32
    %add3A_1358 = arith.addi %add3A_1357, %squeeze3A_1356 : i32
    %slice3A_1359 = vector.extract_strided_slice %and3A_999 {offsets = [14], sizes = [1], strides = [1]} : vector<16xi32> to vector<1xi32>
    %squeeze3A_1360 = vector.extract %slice3A_1359[0] : i32 from vector<1xi32>
    %get3A_1361 = arith.index_cast %add3A_1358 : i32 to index
    %get3A_1362 = arith.index_cast %squeeze3A_1360 : i32 to index
    %get3A_1363 = tpu.vector_load %arg9[%get3A_1361, %get3A_1362] {strides = array<i32>} : memref<256x128xf32, #tpu.memory_space<vmem>>, vector<1x16xf32>,
    %get3A_1364 = vector.shape_cast %get3A_1363 : vector<1x16xf32> to vector<16xf32>
    %slice3A_1365 = vector.extract_strided_slice %select_n3A_1008 {offsets = [14], sizes = [1], strides = [1]} : vector<16xi32> to vector<1xi32>
    %squeeze3A_1366 = vector.extract %slice3A_1365[0] : i32 from vector<1xi32>
    %eq3A_1367 = vector.broadcast %squeeze3A_1366 : i32 to vector<16xi32>
    %eq3A_1368 = arith.cmpi eq, %iota3A, %eq3A_1367 : vector<16xi32>
    %jit3A_1369 = arith.constant 0.000000e+00 : f32
    %broadcast_in_dim3A_1370 = vector.broadcast %jit3A_1369 : f32 to vector<16xf32>
    %select_n3A_1371 = arith.select %eq3A_1368, %get3A_1364, %broadcast_in_dim3A_1370 : vector<16xi1>, vector<16xf32>
    %add3A_1372 = arith.addf %add3A_1316, %select_n3A_1371 : vector<16xf32>
    %dma_wait3A_1373 = arith.constant 248 : i32
    %dma_wait3A_1374 = arith.constant 0 : i32
    %dma_wait3A_1375 = tpu.memref_slice %arg9[%dma_wait3A_1373, %dma_wait3A_1374] : memref<256x128xf32, #tpu.memory_space<vmem>> -> memref<8x128xf32, #tpu.memory_space<vmem>>
    %dma_wait3A_1376 = tpu.memref_slice %arg2[%arg1, %multiple_of3A_499, %multiple_of3A_502] : memref<16x256x4096xf32, #tpu.memory_space<hbm>> -> memref<1x8x128xf32, #tpu.memory_space<hbm>>
    %dma_wait3A_1377 = tpu.memref_squeeze %dma_wait3A_1376 : memref<1x8x128xf32, #tpu.memory_space<hbm>> -> memref<8x128xf32, #tpu.memory_space<hbm>>
    %dma_wait3A_1378 = arith.constant 248 : i32
    %dma_wait3A_1379 = arith.constant 0 : i32
    %dma_wait3A_1380 = tpu.memref_slice %arg9[%dma_wait3A_1378, %dma_wait3A_1379] : memref<256x128xf32, #tpu.memory_space<vmem>> -> memref<8x128xf32, #tpu.memory_space<vmem>>
    %dma_wait3A_1381 = tpu.memref_slice %arg2[%arg1, %multiple_of3A_499, %multiple_of3A_502] : memref<16x256x4096xf32, #tpu.memory_space<hbm>> -> memref<1x8x128xf32, #tpu.memory_space<hbm>>
    %dma_wait3A_1382 = tpu.memref_squeeze %dma_wait3A_1381 : memref<1x8x128xf32, #tpu.memory_space<hbm>> -> memref<8x128xf32, #tpu.memory_space<hbm>>
    tpu.wait_dma2 semaphore(%arg15 : memref<!tpu.dma_semaphore, #tpu.memory_space<semaphore_mem>>) src(%dma_wait3A_1382 : memref<8x128xf32, #tpu.memory_space<hbm>>) dst(%dma_wait3A_1380 : memref<8x128xf32, #tpu.memory_space<vmem>>)
    %slice3A_1383 = vector.extract_strided_slice %and3A_993 {offsets = [15], sizes = [1], strides = [1]} : vector<16xi32> to vector<1xi32>
    %squeeze3A_1384 = vector.extract %slice3A_1383[0] : i32 from vector<1xi32>
    %add3A_1385 = arith.constant 248 : i32
    %add3A_1386 = arith.addi %add3A_1385, %squeeze3A_1384 : i32
    %slice3A_1387 = vector.extract_strided_slice %and3A_999 {offsets = [15], sizes = [1], strides = [1]} : vector<16xi32> to vector<1xi32>
    %squeeze3A_1388 = vector.extract %slice3A_1387[0] : i32 from vector<1xi32>
    %get3A_1389 = arith.index_cast %add3A_1386 : i32 to index
    %get3A_1390 = arith.index_cast %squeeze3A_1388 : i32 to index
    %get3A_1391 = tpu.vector_load %arg9[%get3A_1389, %get3A_1390] {strides = array<i32>} : memref<256x128xf32, #tpu.memory_space<vmem>>, vector<1x16xf32>,
    %get3A_1392 = vector.shape_cast %get3A_1391 : vector<1x16xf32> to vector<16xf32>
    %slice3A_1393 = vector.extract_strided_slice %select_n3A_1008 {offsets = [15], sizes = [1], strides = [1]} : vector<16xi32> to vector<1xi32>
    %squeeze3A_1394 = vector.extract %slice3A_1393[0] : i32 from vector<1xi32>
    %eq3A_1395 = vector.broadcast %squeeze3A_1394 : i32 to vector<16xi32>
    %eq3A_1396 = arith.cmpi eq, %iota3A, %eq3A_1395 : vector<16xi32>
    %jit3A_1397 = arith.constant 0.000000e+00 : f32
    %broadcast_in_dim3A_1398 = vector.broadcast %jit3A_1397 : f32 to vector<16xf32>
    %select_n3A_1399 = arith.select %eq3A_1396, %get3A_1392, %broadcast_in_dim3A_1398 : vector<16xi1>, vector<16xf32>
    %add3A_1400 = arith.addf %add3A_1344, %select_n3A_1399 : vector<16xf32>
    %add3A_1401 = arith.addf %add3A_1372, %add3A_1400 : vector<16xf32>
    %swap3A = arith.constant 0 : i32
    %swap3A_1402 = arith.index_cast %swap3A : i32 to index
    %swap3A_1403 = arith.constant 0 : index
    %swap3A_1404 = tpu.vector_load %arg10[%swap3A_1402, %swap3A_1403] {strides = array<i32>} : memref<8x128xf32, #tpu.memory_space<vmem>>, vector<1x16xf32>,
    %swap3A_1405 = vector.shape_cast %swap3A_1404 : vector<1x16xf32> to vector<16xf32>
    %swap3A_1406 = vector.shape_cast %add3A_1401 : vector<16xf32> to vector<1x16xf32>
    tpu.vector_store %arg10[%swap3A_1402, %swap3A_1403], %swap3A_1406 {strides = array<i32>} : memref<8x128xf32, #tpu.memory_space<vmem>>, vector<1x16xf32>,
    "tpu.region"() ({
      %run_scoped3A = tpu.sem_alloc : memref<!tpu.dma_semaphore, #tpu.memory_space<semaphore_mem>>
      %dma_start3A_1410 = arith.constant 0 : i32
      %dma_start3A_1411 = arith.constant 0 : i32
      %dma_start3A_1412 = tpu.memref_slice %arg11[%arg1, %dma_start3A_1410, %dma_start3A_1411] : memref<16x8x128xf32, #tpu.memory_space<vmem_shared>> -> memref<1x8x128xf32, #tpu.memory_space<vmem_shared>>
      %dma_start3A_1413 = tpu.memref_squeeze %dma_start3A_1412 : memref<1x8x128xf32, #tpu.memory_space<vmem_shared>> -> memref<8x128xf32, #tpu.memory_space<vmem_shared>>
      %dma_start3A_1414 = arith.constant 0 : i32
      %dma_start3A_1415 = arith.constant 0 : i32
      %dma_start3A_1416 = tpu.memref_slice %arg11[%arg1, %dma_start3A_1414, %dma_start3A_1415] : memref<16x8x128xf32, #tpu.memory_space<vmem_shared>> -> memref<1x8x128xf32, #tpu.memory_space<vmem_shared>>
      %dma_start3A_1417 = tpu.memref_squeeze %dma_start3A_1416 : memref<1x8x128xf32, #tpu.memory_space<vmem_shared>> -> memref<8x128xf32, #tpu.memory_space<vmem_shared>>
      tpu.enqueue_dma source(%arg10 : memref<8x128xf32, #tpu.memory_space<vmem>>) target(%dma_start3A_1417 : memref<8x128xf32, #tpu.memory_space<vmem_shared>>) target_semaphore(%run_scoped3A : memref<!tpu.dma_semaphore, #tpu.memory_space<semaphore_mem>>)
      %dma_wait3A_1418 = arith.constant 0 : i32
      %dma_wait3A_1419 = arith.constant 0 : i32
      %dma_wait3A_1420 = tpu.memref_slice %arg11[%arg1, %dma_wait3A_1418, %dma_wait3A_1419] : memref<16x8x128xf32, #tpu.memory_space<vmem_shared>> -> memref<1x8x128xf32, #tpu.memory_space<vmem_shared>>
      %dma_wait3A_1421 = tpu.memref_squeeze %dma_wait3A_1420 : memref<1x8x128xf32, #tpu.memory_space<vmem_shared>> -> memref<8x128xf32, #tpu.memory_space<vmem_shared>>
      %dma_wait3A_1422 = arith.constant 0 : i32
      %dma_wait3A_1423 = arith.constant 0 : i32
      %dma_wait3A_1424 = tpu.memref_slice %arg11[%arg1, %dma_wait3A_1422, %dma_wait3A_1423] : memref<16x8x128xf32, #tpu.memory_space<vmem_shared>> -> memref<1x8x128xf32, #tpu.memory_space<vmem_shared>>
      %dma_wait3A_1425 = tpu.memref_squeeze %dma_wait3A_1424 : memref<1x8x128xf32, #tpu.memory_space<vmem_shared>> -> memref<8x128xf32, #tpu.memory_space<vmem_shared>>
      tpu.wait_dma2 semaphore(%run_scoped3A : memref<!tpu.dma_semaphore, #tpu.memory_space<semaphore_mem>>) src(%arg10 : memref<8x128xf32, #tpu.memory_space<vmem>>) dst(%dma_wait3A_1425 : memref<8x128xf32, #tpu.memory_space<vmem_shared>>)
      tpu.yield
    }) : () -> ()
    %barrier3A = arith.constant 0 : index
    tpu.barrier barrier_id(%barrier3A)
    %eq3A_1407 = arith.constant 0 : i32
    %eq3A_1408 = arith.cmpi eq, %arg1, %eq3A_1407 : i32
    %convert_element_type3A = arith.extui %eq3A_1408 : i1 to i32
    %cond3A = arith.constant 0 : i32
    %cond3A_1409 = arith.cmpi ne, %convert_element_type3A, %cond3A : i32
    scf.if %cond3A_1409 {
      "tpu.region"() ({
        %run_scoped3A = tpu.sem_alloc : memref<!tpu.dma_semaphore, #tpu.memory_space<semaphore_mem>>
        %dma_start3A_1643 = arith.constant 0 : i32
        %dma_start3A_1644 = arith.constant 0 : i32
        %dma_start3A_1645 = arith.constant 0 : i32
        %dma_start3A_1646 = tpu.memref_slice %arg11[%dma_start3A_1643, %dma_start3A_1644, %dma_start3A_1645] : memref<16x8x128xf32, #tpu.memory_space<vmem_shared>> -> memref<16x1x128xf32, #tpu.memory_space<vmem_shared>>
        %dma_start3A_1647 = arith.constant 0 : i32
        %dma_start3A_1648 = arith.constant 0 : i32
        %dma_start3A_1649 = arith.constant 0 : i32
        %dma_start3A_1650 = tpu.memref_slice %arg11[%dma_start3A_1647, %dma_start3A_1648, %dma_start3A_1649] : memref<16x8x128xf32, #tpu.memory_space<vmem_shared>> -> memref<16x1x128xf32, #tpu.memory_space<vmem_shared>>
        tpu.enqueue_dma source(%dma_start3A_1650 : memref<16x1x128xf32, #tpu.memory_space<vmem_shared>>) target(%arg12 : memref<16x1x128xf32, #tpu.memory_space<vmem>>) target_semaphore(%run_scoped3A : memref<!tpu.dma_semaphore, #tpu.memory_space<semaphore_mem>>)
        %dma_wait3A_1651 = arith.constant 0 : i32
        %dma_wait3A_1652 = arith.constant 0 : i32
        %dma_wait3A_1653 = arith.constant 0 : i32
        %dma_wait3A_1654 = tpu.memref_slice %arg11[%dma_wait3A_1651, %dma_wait3A_1652, %dma_wait3A_1653] : memref<16x8x128xf32, #tpu.memory_space<vmem_shared>> -> memref<16x1x128xf32, #tpu.memory_space<vmem_shared>>
        %dma_wait3A_1655 = arith.constant 0 : i32
        %dma_wait3A_1656 = arith.constant 0 : i32
        %dma_wait3A_1657 = arith.constant 0 : i32
        %dma_wait3A_1658 = tpu.memref_slice %arg11[%dma_wait3A_1655, %dma_wait3A_1656, %dma_wait3A_1657] : memref<16x8x128xf32, #tpu.memory_space<vmem_shared>> -> memref<16x1x128xf32, #tpu.memory_space<vmem_shared>>
        tpu.wait_dma2 semaphore(%run_scoped3A : memref<!tpu.dma_semaphore, #tpu.memory_space<semaphore_mem>>) src(%dma_wait3A_1658 : memref<16x1x128xf32, #tpu.memory_space<vmem_shared>>) dst(%arg12 : memref<16x1x128xf32, #tpu.memory_space<vmem>>)
        tpu.yield
      }) : () -> ()
      %get3A_1410 = arith.constant 0 : i32
      %get3A_1411 = arith.constant 0 : i32
      %get3A_1412 = arith.index_cast %get3A_1410 : i32 to index
      %get3A_1413 = arith.index_cast %get3A_1411 : i32 to index
      %get3A_1414 = arith.constant 0 : index
      %get3A_1415 = tpu.vector_load %arg12[%get3A_1412, %get3A_1413, %get3A_1414] {strides = array<i32>} : memref<16x1x128xf32, #tpu.memory_space<vmem>>, vector<1x1x16xf32>,
      %get3A_1416 = vector.shape_cast %get3A_1415 : vector<1x1x16xf32> to vector<16xf32>
      %get3A_1417 = arith.constant 1 : i32
      %get3A_1418 = arith.constant 0 : i32
      %get3A_1419 = arith.index_cast %get3A_1417 : i32 to index
      %get3A_1420 = arith.index_cast %get3A_1418 : i32 to index
      %get3A_1421 = arith.constant 0 : index
      %get3A_1422 = tpu.vector_load %arg12[%get3A_1419, %get3A_1420, %get3A_1421] {strides = array<i32>} : memref<16x1x128xf32, #tpu.memory_space<vmem>>, vector<1x1x16xf32>,
      %get3A_1423 = vector.shape_cast %get3A_1422 : vector<1x1x16xf32> to vector<16xf32>
      %add3A_1424 = arith.addf %get3A_1416, %get3A_1423 : vector<16xf32>
      %get3A_1425 = arith.constant 2 : i32
      %get3A_1426 = arith.constant 0 : i32
      %get3A_1427 = arith.index_cast %get3A_1425 : i32 to index
      %get3A_1428 = arith.index_cast %get3A_1426 : i32 to index
      %get3A_1429 = arith.constant 0 : index
      %get3A_1430 = tpu.vector_load %arg12[%get3A_1427, %get3A_1428, %get3A_1429] {strides = array<i32>} : memref<16x1x128xf32, #tpu.memory_space<vmem>>, vector<1x1x16xf32>,
      %get3A_1431 = vector.shape_cast %get3A_1430 : vector<1x1x16xf32> to vector<16xf32>
      %add3A_1432 = arith.addf %add3A_1424, %get3A_1431 : vector<16xf32>
      %get3A_1433 = arith.constant 3 : i32
      %get3A_1434 = arith.constant 0 : i32
      %get3A_1435 = arith.index_cast %get3A_1433 : i32 to index
      %get3A_1436 = arith.index_cast %get3A_1434 : i32 to index
      %get3A_1437 = arith.constant 0 : index
      %get3A_1438 = tpu.vector_load %arg12[%get3A_1435, %get3A_1436, %get3A_1437] {strides = array<i32>} : memref<16x1x128xf32, #tpu.memory_space<vmem>>, vector<1x1x16xf32>,
      %get3A_1439 = vector.shape_cast %get3A_1438 : vector<1x1x16xf32> to vector<16xf32>
      %add3A_1440 = arith.addf %add3A_1432, %get3A_1439 : vector<16xf32>
      %get3A_1441 = arith.constant 4 : i32
      %get3A_1442 = arith.constant 0 : i32
      %get3A_1443 = arith.index_cast %get3A_1441 : i32 to index
      %get3A_1444 = arith.index_cast %get3A_1442 : i32 to index
      %get3A_1445 = arith.constant 0 : index
      %get3A_1446 = tpu.vector_load %arg12[%get3A_1443, %get3A_1444, %get3A_1445] {strides = array<i32>} : memref<16x1x128xf32, #tpu.memory_space<vmem>>, vector<1x1x16xf32>,
      %get3A_1447 = vector.shape_cast %get3A_1446 : vector<1x1x16xf32> to vector<16xf32>
      %add3A_1448 = arith.addf %add3A_1440, %get3A_1447 : vector<16xf32>
      %get3A_1449 = arith.constant 5 : i32
      %get3A_1450 = arith.constant 0 : i32
      %get3A_1451 = arith.index_cast %get3A_1449 : i32 to index
      %get3A_1452 = arith.index_cast %get3A_1450 : i32 to index
      %get3A_1453 = arith.constant 0 : index
      %get3A_1454 = tpu.vector_load %arg12[%get3A_1451, %get3A_1452, %get3A_1453] {strides = array<i32>} : memref<16x1x128xf32, #tpu.memory_space<vmem>>, vector<1x1x16xf32>,
      %get3A_1455 = vector.shape_cast %get3A_1454 : vector<1x1x16xf32> to vector<16xf32>
      %add3A_1456 = arith.addf %add3A_1448, %get3A_1455 : vector<16xf32>
      %get3A_1457 = arith.constant 6 : i32
      %get3A_1458 = arith.constant 0 : i32
      %get3A_1459 = arith.index_cast %get3A_1457 : i32 to index
      %get3A_1460 = arith.index_cast %get3A_1458 : i32 to index
      %get3A_1461 = arith.constant 0 : index
      %get3A_1462 = tpu.vector_load %arg12[%get3A_1459, %get3A_1460, %get3A_1461] {strides = array<i32>} : memref<16x1x128xf32, #tpu.memory_space<vmem>>, vector<1x1x16xf32>,
      %get3A_1463 = vector.shape_cast %get3A_1462 : vector<1x1x16xf32> to vector<16xf32>
      %add3A_1464 = arith.addf %add3A_1456, %get3A_1463 : vector<16xf32>
      %get3A_1465 = arith.constant 7 : i32
      %get3A_1466 = arith.constant 0 : i32
      %get3A_1467 = arith.index_cast %get3A_1465 : i32 to index
      %get3A_1468 = arith.index_cast %get3A_1466 : i32 to index
      %get3A_1469 = arith.constant 0 : index
      %get3A_1470 = tpu.vector_load %arg12[%get3A_1467, %get3A_1468, %get3A_1469] {strides = array<i32>} : memref<16x1x128xf32, #tpu.memory_space<vmem>>, vector<1x1x16xf32>,
      %get3A_1471 = vector.shape_cast %get3A_1470 : vector<1x1x16xf32> to vector<16xf32>
      %add3A_1472 = arith.addf %add3A_1464, %get3A_1471 : vector<16xf32>
      %get3A_1473 = arith.constant 8 : i32
      %get3A_1474 = arith.constant 0 : i32
      %get3A_1475 = arith.index_cast %get3A_1473 : i32 to index
      %get3A_1476 = arith.index_cast %get3A_1474 : i32 to index
      %get3A_1477 = arith.constant 0 : index
      %get3A_1478 = tpu.vector_load %arg12[%get3A_1475, %get3A_1476, %get3A_1477] {strides = array<i32>} : memref<16x1x128xf32, #tpu.memory_space<vmem>>, vector<1x1x16xf32>,
      %get3A_1479 = vector.shape_cast %get3A_1478 : vector<1x1x16xf32> to vector<16xf32>
      %add3A_1480 = arith.addf %add3A_1472, %get3A_1479 : vector<16xf32>
      %get3A_1481 = arith.constant 9 : i32
      %get3A_1482 = arith.constant 0 : i32
      %get3A_1483 = arith.index_cast %get3A_1481 : i32 to index
      %get3A_1484 = arith.index_cast %get3A_1482 : i32 to index
      %get3A_1485 = arith.constant 0 : index
      %get3A_1486 = tpu.vector_load %arg12[%get3A_1483, %get3A_1484, %get3A_1485] {strides = array<i32>} : memref<16x1x128xf32, #tpu.memory_space<vmem>>, vector<1x1x16xf32>,
      %get3A_1487 = vector.shape_cast %get3A_1486 : vector<1x1x16xf32> to vector<16xf32>
      %add3A_1488 = arith.addf %add3A_1480, %get3A_1487 : vector<16xf32>
      %get3A_1489 = arith.constant 10 : i32
      %get3A_1490 = arith.constant 0 : i32
      %get3A_1491 = arith.index_cast %get3A_1489 : i32 to index
      %get3A_1492 = arith.index_cast %get3A_1490 : i32 to index
      %get3A_1493 = arith.constant 0 : index
      %get3A_1494 = tpu.vector_load %arg12[%get3A_1491, %get3A_1492, %get3A_1493] {strides = array<i32>} : memref<16x1x128xf32, #tpu.memory_space<vmem>>, vector<1x1x16xf32>,
      %get3A_1495 = vector.shape_cast %get3A_1494 : vector<1x1x16xf32> to vector<16xf32>
      %add3A_1496 = arith.addf %add3A_1488, %get3A_1495 : vector<16xf32>
      %get3A_1497 = arith.constant 11 : i32
      %get3A_1498 = arith.constant 0 : i32
      %get3A_1499 = arith.index_cast %get3A_1497 : i32 to index
      %get3A_1500 = arith.index_cast %get3A_1498 : i32 to index
      %get3A_1501 = arith.constant 0 : index
      %get3A_1502 = tpu.vector_load %arg12[%get3A_1499, %get3A_1500, %get3A_1501] {strides = array<i32>} : memref<16x1x128xf32, #tpu.memory_space<vmem>>, vector<1x1x16xf32>,
      %get3A_1503 = vector.shape_cast %get3A_1502 : vector<1x1x16xf32> to vector<16xf32>
      %add3A_1504 = arith.addf %add3A_1496, %get3A_1503 : vector<16xf32>
      %get3A_1505 = arith.constant 12 : i32
      %get3A_1506 = arith.constant 0 : i32
      %get3A_1507 = arith.index_cast %get3A_1505 : i32 to index
      %get3A_1508 = arith.index_cast %get3A_1506 : i32 to index
      %get3A_1509 = arith.constant 0 : index
      %get3A_1510 = tpu.vector_load %arg12[%get3A_1507, %get3A_1508, %get3A_1509] {strides = array<i32>} : memref<16x1x128xf32, #tpu.memory_space<vmem>>, vector<1x1x16xf32>,
      %get3A_1511 = vector.shape_cast %get3A_1510 : vector<1x1x16xf32> to vector<16xf32>
      %add3A_1512 = arith.addf %add3A_1504, %get3A_1511 : vector<16xf32>
      %get3A_1513 = arith.constant 13 : i32
      %get3A_1514 = arith.constant 0 : i32
      %get3A_1515 = arith.index_cast %get3A_1513 : i32 to index
      %get3A_1516 = arith.index_cast %get3A_1514 : i32 to index
      %get3A_1517 = arith.constant 0 : index
      %get3A_1518 = tpu.vector_load %arg12[%get3A_1515, %get3A_1516, %get3A_1517] {strides = array<i32>} : memref<16x1x128xf32, #tpu.memory_space<vmem>>, vector<1x1x16xf32>,
      %get3A_1519 = vector.shape_cast %get3A_1518 : vector<1x1x16xf32> to vector<16xf32>
      %add3A_1520 = arith.addf %add3A_1512, %get3A_1519 : vector<16xf32>
      %get3A_1521 = arith.constant 14 : i32
      %get3A_1522 = arith.constant 0 : i32
      %get3A_1523 = arith.index_cast %get3A_1521 : i32 to index
      %get3A_1524 = arith.index_cast %get3A_1522 : i32 to index
      %get3A_1525 = arith.constant 0 : index
      %get3A_1526 = tpu.vector_load %arg12[%get3A_1523, %get3A_1524, %get3A_1525] {strides = array<i32>} : memref<16x1x128xf32, #tpu.memory_space<vmem>>, vector<1x1x16xf32>,
      %get3A_1527 = vector.shape_cast %get3A_1526 : vector<1x1x16xf32> to vector<16xf32>
      %add3A_1528 = arith.addf %add3A_1520, %get3A_1527 : vector<16xf32>
      %get3A_1529 = arith.constant 15 : i32
      %get3A_1530 = arith.constant 0 : i32
      %get3A_1531 = arith.index_cast %get3A_1529 : i32 to index
      %get3A_1532 = arith.index_cast %get3A_1530 : i32 to index
      %get3A_1533 = arith.constant 0 : index
      %get3A_1534 = tpu.vector_load %arg12[%get3A_1531, %get3A_1532, %get3A_1533] {strides = array<i32>} : memref<16x1x128xf32, #tpu.memory_space<vmem>>, vector<1x1x16xf32>,
      %get3A_1535 = vector.shape_cast %get3A_1534 : vector<1x1x16xf32> to vector<16xf32>
      %add3A_1536 = arith.addf %add3A_1528, %get3A_1535 : vector<16xf32>
      %get3A_1537 = arith.constant 0 : index
      %get3A_1538 = tpu.vector_load %arg13[%get3A_1537] {strides = array<i32>} : memref<16xi32, #tpu.memory_space<vmem>>, vector<16xi32>,
      %get3A_1539 = vector.shape_cast %get3A_1538 : vector<16xi32> to vector<16xi32>
      %slice3A_1540 = vector.extract_strided_slice %add3A_1536 {offsets = [0], sizes = [1], strides = [1]} : vector<16xf32> to vector<1xf32>
      %squeeze3A_1541 = vector.extract %slice3A_1540[0] : f32 from vector<1xf32>
      %slice3A_1542 = vector.extract_strided_slice %get3A_1539 {offsets = [0], sizes = [1], strides = [1]} : vector<16xi32> to vector<1xi32>
      %squeeze3A_1543 = vector.extract %slice3A_1542[0] : i32 from vector<1xi32>
      %slice3A_1544 = vector.extract_strided_slice %add3A_1536 {offsets = [1], sizes = [1], strides = [1]} : vector<16xf32> to vector<1xf32>
      %squeeze3A_1545 = vector.extract %slice3A_1544[0] : f32 from vector<1xf32>
      %add3A_1546 = arith.addf %squeeze3A_1541, %squeeze3A_1545 : f32
      %slice3A_1547 = vector.extract_strided_slice %get3A_1539 {offsets = [1], sizes = [1], strides = [1]} : vector<16xi32> to vector<1xi32>
      %squeeze3A_1548 = vector.extract %slice3A_1547[0] : i32 from vector<1xi32>
      %add3A_1549 = arith.addi %squeeze3A_1543, %squeeze3A_1548 : i32
      %slice3A_1550 = vector.extract_strided_slice %add3A_1536 {offsets = [2], sizes = [1], strides = [1]} : vector<16xf32> to vector<1xf32>
      %squeeze3A_1551 = vector.extract %slice3A_1550[0] : f32 from vector<1xf32>
      %add3A_1552 = arith.addf %add3A_1546, %squeeze3A_1551 : f32
      %slice3A_1553 = vector.extract_strided_slice %get3A_1539 {offsets = [2], sizes = [1], strides = [1]} : vector<16xi32> to vector<1xi32>
      %squeeze3A_1554 = vector.extract %slice3A_1553[0] : i32 from vector<1xi32>
      %add3A_1555 = arith.addi %add3A_1549, %squeeze3A_1554 : i32
      %slice3A_1556 = vector.extract_strided_slice %add3A_1536 {offsets = [3], sizes = [1], strides = [1]} : vector<16xf32> to vector<1xf32>
      %squeeze3A_1557 = vector.extract %slice3A_1556[0] : f32 from vector<1xf32>
      %add3A_1558 = arith.addf %add3A_1552, %squeeze3A_1557 : f32
      %slice3A_1559 = vector.extract_strided_slice %get3A_1539 {offsets = [3], sizes = [1], strides = [1]} : vector<16xi32> to vector<1xi32>
      %squeeze3A_1560 = vector.extract %slice3A_1559[0] : i32 from vector<1xi32>
      %add3A_1561 = arith.addi %add3A_1555, %squeeze3A_1560 : i32
      %slice3A_1562 = vector.extract_strided_slice %add3A_1536 {offsets = [4], sizes = [1], strides = [1]} : vector<16xf32> to vector<1xf32>
      %squeeze3A_1563 = vector.extract %slice3A_1562[0] : f32 from vector<1xf32>
      %add3A_1564 = arith.addf %add3A_1558, %squeeze3A_1563 : f32
      %slice3A_1565 = vector.extract_strided_slice %get3A_1539 {offsets = [4], sizes = [1], strides = [1]} : vector<16xi32> to vector<1xi32>
      %squeeze3A_1566 = vector.extract %slice3A_1565[0] : i32 from vector<1xi32>
      %add3A_1567 = arith.addi %add3A_1561, %squeeze3A_1566 : i32
      %slice3A_1568 = vector.extract_strided_slice %add3A_1536 {offsets = [5], sizes = [1], strides = [1]} : vector<16xf32> to vector<1xf32>
      %squeeze3A_1569 = vector.extract %slice3A_1568[0] : f32 from vector<1xf32>
      %add3A_1570 = arith.addf %add3A_1564, %squeeze3A_1569 : f32
      %slice3A_1571 = vector.extract_strided_slice %get3A_1539 {offsets = [5], sizes = [1], strides = [1]} : vector<16xi32> to vector<1xi32>
      %squeeze3A_1572 = vector.extract %slice3A_1571[0] : i32 from vector<1xi32>
      %add3A_1573 = arith.addi %add3A_1567, %squeeze3A_1572 : i32
      %slice3A_1574 = vector.extract_strided_slice %add3A_1536 {offsets = [6], sizes = [1], strides = [1]} : vector<16xf32> to vector<1xf32>
      %squeeze3A_1575 = vector.extract %slice3A_1574[0] : f32 from vector<1xf32>
      %add3A_1576 = arith.addf %add3A_1570, %squeeze3A_1575 : f32
      %slice3A_1577 = vector.extract_strided_slice %get3A_1539 {offsets = [6], sizes = [1], strides = [1]} : vector<16xi32> to vector<1xi32>
      %squeeze3A_1578 = vector.extract %slice3A_1577[0] : i32 from vector<1xi32>
      %add3A_1579 = arith.addi %add3A_1573, %squeeze3A_1578 : i32
      %slice3A_1580 = vector.extract_strided_slice %add3A_1536 {offsets = [7], sizes = [1], strides = [1]} : vector<16xf32> to vector<1xf32>
      %squeeze3A_1581 = vector.extract %slice3A_1580[0] : f32 from vector<1xf32>
      %add3A_1582 = arith.addf %add3A_1576, %squeeze3A_1581 : f32
      %slice3A_1583 = vector.extract_strided_slice %get3A_1539 {offsets = [7], sizes = [1], strides = [1]} : vector<16xi32> to vector<1xi32>
      %squeeze3A_1584 = vector.extract %slice3A_1583[0] : i32 from vector<1xi32>
      %add3A_1585 = arith.addi %add3A_1579, %squeeze3A_1584 : i32
      %slice3A_1586 = vector.extract_strided_slice %add3A_1536 {offsets = [8], sizes = [1], strides = [1]} : vector<16xf32> to vector<1xf32>
      %squeeze3A_1587 = vector.extract %slice3A_1586[0] : f32 from vector<1xf32>
      %add3A_1588 = arith.addf %add3A_1582, %squeeze3A_1587 : f32
      %slice3A_1589 = vector.extract_strided_slice %get3A_1539 {offsets = [8], sizes = [1], strides = [1]} : vector<16xi32> to vector<1xi32>
      %squeeze3A_1590 = vector.extract %slice3A_1589[0] : i32 from vector<1xi32>
      %add3A_1591 = arith.addi %add3A_1585, %squeeze3A_1590 : i32
      %slice3A_1592 = vector.extract_strided_slice %add3A_1536 {offsets = [9], sizes = [1], strides = [1]} : vector<16xf32> to vector<1xf32>
      %squeeze3A_1593 = vector.extract %slice3A_1592[0] : f32 from vector<1xf32>
      %add3A_1594 = arith.addf %add3A_1588, %squeeze3A_1593 : f32
      %slice3A_1595 = vector.extract_strided_slice %get3A_1539 {offsets = [9], sizes = [1], strides = [1]} : vector<16xi32> to vector<1xi32>
      %squeeze3A_1596 = vector.extract %slice3A_1595[0] : i32 from vector<1xi32>
      %add3A_1597 = arith.addi %add3A_1591, %squeeze3A_1596 : i32
      %slice3A_1598 = vector.extract_strided_slice %add3A_1536 {offsets = [10], sizes = [1], strides = [1]} : vector<16xf32> to vector<1xf32>
      %squeeze3A_1599 = vector.extract %slice3A_1598[0] : f32 from vector<1xf32>
      %add3A_1600 = arith.addf %add3A_1594, %squeeze3A_1599 : f32
      %slice3A_1601 = vector.extract_strided_slice %get3A_1539 {offsets = [10], sizes = [1], strides = [1]} : vector<16xi32> to vector<1xi32>
      %squeeze3A_1602 = vector.extract %slice3A_1601[0] : i32 from vector<1xi32>
      %add3A_1603 = arith.addi %add3A_1597, %squeeze3A_1602 : i32
      %slice3A_1604 = vector.extract_strided_slice %add3A_1536 {offsets = [11], sizes = [1], strides = [1]} : vector<16xf32> to vector<1xf32>
      %squeeze3A_1605 = vector.extract %slice3A_1604[0] : f32 from vector<1xf32>
      %add3A_1606 = arith.addf %add3A_1600, %squeeze3A_1605 : f32
      %slice3A_1607 = vector.extract_strided_slice %get3A_1539 {offsets = [11], sizes = [1], strides = [1]} : vector<16xi32> to vector<1xi32>
      %squeeze3A_1608 = vector.extract %slice3A_1607[0] : i32 from vector<1xi32>
      %add3A_1609 = arith.addi %add3A_1603, %squeeze3A_1608 : i32
      %slice3A_1610 = vector.extract_strided_slice %add3A_1536 {offsets = [12], sizes = [1], strides = [1]} : vector<16xf32> to vector<1xf32>
      %squeeze3A_1611 = vector.extract %slice3A_1610[0] : f32 from vector<1xf32>
      %add3A_1612 = arith.addf %add3A_1606, %squeeze3A_1611 : f32
      %slice3A_1613 = vector.extract_strided_slice %get3A_1539 {offsets = [12], sizes = [1], strides = [1]} : vector<16xi32> to vector<1xi32>
      %squeeze3A_1614 = vector.extract %slice3A_1613[0] : i32 from vector<1xi32>
      %add3A_1615 = arith.addi %add3A_1609, %squeeze3A_1614 : i32
      %slice3A_1616 = vector.extract_strided_slice %add3A_1536 {offsets = [13], sizes = [1], strides = [1]} : vector<16xf32> to vector<1xf32>
      %squeeze3A_1617 = vector.extract %slice3A_1616[0] : f32 from vector<1xf32>
      %add3A_1618 = arith.addf %add3A_1612, %squeeze3A_1617 : f32
      %slice3A_1619 = vector.extract_strided_slice %get3A_1539 {offsets = [13], sizes = [1], strides = [1]} : vector<16xi32> to vector<1xi32>
      %squeeze3A_1620 = vector.extract %slice3A_1619[0] : i32 from vector<1xi32>
      %add3A_1621 = arith.addi %add3A_1615, %squeeze3A_1620 : i32
      %slice3A_1622 = vector.extract_strided_slice %add3A_1536 {offsets = [14], sizes = [1], strides = [1]} : vector<16xf32> to vector<1xf32>
      %squeeze3A_1623 = vector.extract %slice3A_1622[0] : f32 from vector<1xf32>
      %add3A_1624 = arith.addf %add3A_1618, %squeeze3A_1623 : f32
      %slice3A_1625 = vector.extract_strided_slice %get3A_1539 {offsets = [14], sizes = [1], strides = [1]} : vector<16xi32> to vector<1xi32>
      %squeeze3A_1626 = vector.extract %slice3A_1625[0] : i32 from vector<1xi32>
      %add3A_1627 = arith.addi %add3A_1621, %squeeze3A_1626 : i32
      %slice3A_1628 = vector.extract_strided_slice %add3A_1536 {offsets = [15], sizes = [1], strides = [1]} : vector<16xf32> to vector<1xf32>
      %squeeze3A_1629 = vector.extract %slice3A_1628[0] : f32 from vector<1xf32>
      %add3A_1630 = arith.addf %add3A_1624, %squeeze3A_1629 : f32
      %slice3A_1631 = vector.extract_strided_slice %get3A_1539 {offsets = [15], sizes = [1], strides = [1]} : vector<16xi32> to vector<1xi32>
      %squeeze3A_1632 = vector.extract %slice3A_1631[0] : i32 from vector<1xi32>
      %add3A_1633 = arith.addi %add3A_1627, %squeeze3A_1632 : i32
      %broadcast_in_dim3A_1634 = vector.broadcast %add3A_1630 : f32 to vector<16xf32>
      %convert_element_type3A_1635 = arith.sitofp %add3A_1633 : i32 to f32
      %broadcast_in_dim3A_1636 = vector.broadcast %convert_element_type3A_1635 : f32 to vector<16xf32>
      %neg3A = arith.constant 0.000000e+00 : f32
      %neg3A_1637 = vector.broadcast %neg3A : f32 to vector<16xf32>
      %neg3A_1638 = arith.subf %neg3A_1637, %broadcast_in_dim3A_1634 : vector<16xf32>
      %div3A = arith.divf %neg3A_1638, %broadcast_in_dim3A_1636 : vector<16xf32>
      %swap3A_1639 = arith.constant 0 : index
      %swap3A_1640 = tpu.vector_load %arg14[%swap3A_1639] {strides = array<i32>} : memref<16xf32, #tpu.memory_space<vmem>>, vector<16xf32>,
      %swap3A_1641 = vector.shape_cast %swap3A_1640 : vector<16xf32> to vector<16xf32>
      %swap3A_1642 = vector.shape_cast %div3A : vector<16xf32> to vector<16xf32>
      tpu.vector_store %arg14[%swap3A_1639], %swap3A_1642 {strides = array<i32>} : memref<16xf32, #tpu.memory_space<vmem>>, vector<16xf32>,
      "tpu.region"() ({
        %run_scoped3A = tpu.sem_alloc : memref<!tpu.dma_semaphore, #tpu.memory_space<semaphore_mem>>
        tpu.enqueue_dma source(%arg14 : memref<16xf32, #tpu.memory_space<vmem>>) target(%arg6 : memref<16xf32, #tpu.memory_space<hbm>>) target_semaphore(%run_scoped3A : memref<!tpu.dma_semaphore, #tpu.memory_space<semaphore_mem>>)
        tpu.wait_dma2 semaphore(%run_scoped3A : memref<!tpu.dma_semaphore, #tpu.memory_space<semaphore_mem>>) src(%arg14 : memref<16xf32, #tpu.memory_space<vmem>>) dst(%arg6 : memref<16xf32, #tpu.memory_space<hbm>>)
        tpu.yield
      }) : () -> ()
    } else {
    }
    return
  }
}

</mosaic_0001>

<sc_bundles>
// kernel: kernel.3.cloned.1.call-start
scs
__scs_entry_jumppad:
0x0: {  	(pc) =	sbr.rel $0x88, $3  }
0x1: {  	(tag) =	ssettag $0x0;
	lr =	simm.s32 $0x1  }
0x2: {  	[smem:$0x3F9D] =	sst lr;
	_ =	strace $0xD0000000  }
0x3: {  	_ = 	snop  }
0x4: {  	_ = 	snop  }
0x5: {  	_ = 	snop  }
0x6: {  	_ = 	snop  }
0x7: {  	_ = 	snop  }
__scs_overlays_trampoline_lowered:
0x8: {  	[smem:$0x3FAC] =	sst s0  }
0x9: {  	[smem:$0x3FAD] =	sst s1  }
0xa: {  	[smem:$0x3FAE] =	sst s2  }
0xb: {  	[smem:$0x3FAF] =	sst s3  }
0xc: {  	[smem:$0x3FB0] =	sst s4  }
0xd: {  	[smem:$0x3FB1] =	sst s5  }
0xe: {  	[smem:$0x3FB2] =	sst s6  }
0xf: {  	[smem:$0x3FB3] =	sst s7  }
0x10: {  	[smem:$0x3FB4] =	sst s8  }
0x11: {  	[smem:$0x3FB5] =	sst s9;
	s0 =	simm.s32 @!p0 $0x0  }
0x12: {  	s1 =	sld [smem:$0x3F9B];
	s0 =	simm.s32 @p0 $0x1  }
0x13: {  	[smem:$0x3FB6] =	sst s0;
	s0 =	simm.s32 @!p1 $0x0  }
0x14: {  	s2 =	sld [smem:$0x3F9A];
	s0 =	simm.s32 @p1 $0x1  }
0x15: {  	[smem:$0x3FB7] =	sst s0;
	s0 =	simm.s32 @!p2 $0x0  }
0x16: {  	s3 =	sld [smem:$0x3FDB];
	s0 =	simm.s32 @p2 $0x1  }
0x17: {  	s4 =	simm.s32 $0x1BF5;
	[smem:$0x3FB9] =	sst s0  }
0x18: {  	s0 =	sld [smem:$0x3F9C];
	_ =	swait.ge [sflag:s4], $0x0  }
0x19: {  	s7 =	sld [smem:$0x3F9D]  }
0x1a: {  	s8 =	sadd.s32 $0xFFFFE003, lr  }
0x1b: {  	s9 =	sadd.s32 $0xFFFFFEF7, lr;
	s5 =	simm.s32 $0xFFFFFFFF;
	p2 =	slt.u32 s8, $0xFFFFF086  }
0x1c: {  	p1 =	slt.u32 s9, $0xF7A;
	s5 =	simm.s32 @!p2 $0x0  }
0x1d: {  	s5 =	simm.s32 @p1 $0x1;
	p0 =	seq.s32 s7, s2  }
0x1e: {  	s7 =	smul.u32 @!p0 $0xF7A, s2;
	p2 =	seq.s32 @!p0 s5, $0x0  }
0x1f: {  	s9 =	smul.u32 $0xF7A, s1;
	s8 =	simm.s32 @!p0 $0x1BF5;
	p2 =	por !p2, p0  }
0x20: {  	[sflag:s8] =	ssyncset.s32 @!p0 $0xFFFFF086;
	s6 =	sadd.s32 @!p0 s3, s7;
	s7 =	simm.s32 @!p0 $0x108  }
0x21: {  	s3 =	sadd.s32 s3, s9;
	s6 =	sadd.s32 @!p0 $0x88, s6;
	s7 =	simm.s32 @p2 $0x1082  }
0x22: {  	[simem:s7], [sflag:s8] =	dma.local @!p0 [hbm:s6], $0xF7A  }
0x23: {  	s9 =	sor.u32 $0xD0000000, s2;
	s6 =	simm.s32 $0x108;
	_ =	swait.ge @!p0 [sflag:s8], $0x0  }
0x24: {  	s3 =	sadd.s32 $0x88, s3;
	s6 =	simm.s32 @!p1 $0x1082;
	[sflag:s4] =	ssyncset.s32 $0xFFFFF086  }
0x25: {  	[simem:s6], [sflag:s4] =	dma.local [hbm:s3], $0xF7A  }
0x26: {  	[smem:$0x3F9D] =	sst s1;
	(tag) =	ssettag s2;
	_ =	strace s9  }
0x27: {  	s1 =	sld [smem:$0x3FAD]  }
0x28: {  	s2 =	sld [smem:$0x3FAE]  }
0x29: {  	s4 =	sld [smem:$0x3FB0]  }
0x2a: {  	p0 =	seq.s32 s5, $0x0;
	s5 =	sld [smem:$0x3FB1]  }
0x2b: {  	s6 =	sld [smem:$0x3FB2]  }
0x2c: {  	s7 =	sld [smem:$0x3FB3]  }
0x2d: {  	s3 =	simm.s32 $0x108;
	s8 =	sld [smem:$0x3FB4]  }
0x2e: {  	s3 =	simm.s32 @!p0 $0x1082;
	s9 =	sld [smem:$0x3FB5]  }
0x2f: {  	lr =	sadd.s32 s0, s3;
	s0 =	sld [smem:$0x3FAC]  }
0x30: {  	s3 =	sld [smem:$0x3FAF]  }
0x31: {  	[smem:$0x3FB8] =	sst s10  }
0x32: {  	s10 =	sld [smem:$0x3FB6];
	_ =	sdelay $0x3  }
0x33: {  	p0 =	seq.s32 s10, $0x1;
	s10 =	sld [smem:$0x3FB8];
	_ =	sdelay $0x3  }
0x34: {  	[smem:$0x3FB8] =	sst s10  }
0x35: {  	s10 =	sld [smem:$0x3FB7];
	_ =	sdelay $0x3  }
0x36: {  	p1 =	seq.s32 s10, $0x1;
	s10 =	sld [smem:$0x3FB8];
	_ =	sdelay $0x3  }
0x37: {  	[smem:$0x3FB8] =	sst s10  }
0x38: {  	s10 =	sld [smem:$0x3FB9]  }
0x39: {  	_ = 	snop;
	(pc) =	sbr.ind lr, $3  }
0x3a: {  	_ = 	snop  }
0x3b: {  	_ = 	snop  }
0x3c: {  	p2 =	seq.s32 s10, $0x1;
	s10 =	sld [smem:$0x3FB8]  }
0x3d: {  	_ =	shalt  }
0x3e: {  	_ =	shalt  }
0x3f: {  	_ =	shalt  }
0x40: {  	_ =	shalt  }
0x41: {  	_ =	shalt  }
0x42: {  	_ =	shalt  }
0x43: {  	_ =	shalt  }
0x44: {  	_ =	shalt  }
0x45: {  	_ =	shalt  }
0x46: {  	_ =	shalt  }
0x47: {  	_ =	shalt  }
0x48: {  	_ =	shalt  }
0x49: {  	_ =	shalt  }
0x4a: {  	_ =	shalt  }
0x4b: {  	_ =	shalt  }
0x4c: {  	_ =	shalt  }
0x4d: {  	_ =	shalt  }
0x4e: {  	_ =	shalt  }
0x4f: {  	_ =	shalt  }
0x50: {  	_ =	shalt  }
0x51: {  	_ =	shalt  }
0x52: {  	_ =	shalt  }
0x53: {  	_ =	shalt  }
0x54: {  	_ =	shalt  }
0x55: {  	_ =	shalt  }
0x56: {  	_ =	shalt  }
0x57: {  	_ =	shalt  }
0x58: {  	_ =	shalt  }
0x59: {  	_ =	shalt  }
0x5a: {  	_ =	shalt  }
0x5b: {  	_ =	shalt  }
0x5c: {  	_ =	shalt  }
0x5d: {  	_ =	shalt  }
0x5e: {  	_ =	shalt  }
0x5f: {  	_ =	shalt  }
0x60: {  	_ =	shalt  }
0x61: {  	_ =	shalt  }
0x62: {  	_ =	shalt  }
0x63: {  	_ =	shalt  }
0x64: {  	_ =	shalt  }
0x65: {  	_ =	shalt  }
0x66: {  	_ =	shalt  }
0x67: {  	_ =	shalt  }
0x68: {  	_ =	shalt  }
0x69: {  	_ =	shalt  }
0x6a: {  	_ =	shalt  }
0x6b: {  	_ =	shalt  }
0x6c: {  	_ =	shalt  }
0x6d: {  	_ =	shalt  }
0x6e: {  	_ =	shalt  }
0x6f: {  	_ =	shalt  }
0x70: {  	_ =	shalt  }
0x71: {  	_ =	shalt  }
0x72: {  	_ =	shalt  }
0x73: {  	_ =	shalt  }
0x74: {  	_ =	shalt  }
0x75: {  	_ =	shalt  }
0x76: {  	_ =	shalt  }
0x77: {  	_ =	shalt  }
0x78: {  	_ =	shalt  }
0x79: {  	_ =	shalt  }
0x7a: {  	_ =	shalt  }
0x7b: {  	_ =	shalt  }
0x7c: {  	_ =	shalt  }
0x7d: {  	_ =	shalt  }
0x7e: {  	_ =	shalt  }
0x7f: {  	_ =	shalt  }
0x80: {  	_ =	shalt  }
0x81: {  	_ =	shalt  }
0x82: {  	_ =	shalt  }
0x83: {  	_ =	shalt  }
0x84: {  	_ =	shalt  }
0x85: {  	_ =	shalt  }
0x86: {  	_ =	shalt  }
0x87: {  	_ =	shalt  }
.Lfunc_end0:
.L_simem_size_0:
called_computation_lowered:
.L_overlay_start_0:
0x88: {  	s0 =	sld [smem:$0x3FD9]  }
0x89: {  	s1 =	sld [smem:$0x3FFE];
	_ =	sdelay $0x3  }
0x8a: {  	s0 =	sadd.s32 s1, s0  }
0x8b: {  	[smem:$0x3FC4] =	sst s0  }
0x8c: {  	_ = 	snop  }
0x8d: {  	s0 =	sld [smem:$0x3FC9]  }
0x8e: {  	s17 =	sld [smem:$0x3FC8]  }
0x8f: {  	s2 =	sld [smem:$0x3FC7]  }
0x90: {  	s3 =	sld [smem:$0x3FC6]  }
0x91: {  	s4 =	sld [smem:$0x3FD0];
	(tm) =	ssettm $0x1  }
0x92: {  	s5 =	sld [smem:$0x3FFB];
	_ =	sdelay $0x3  }
0x93: {  	_ =	strace s5  }
0x94: {  	s5 =	sld [smem:$0x3FFC];
	_ =	sdelay $0x3  }
0x95: {  	_ =	strace s5  }
0x96: {  	s5 =	sld [smem:$0x3FFD];
	_ =	sdelay $0x3  }
0x97: {  	_ =	strace s5  }
0x98: {  	_ =	strace $0x8FFFFFFF  }
0x99: {  	s18 =	sld [smem:$0x3FDB];
	_ =	sdelay $0x1  }
0x9a: {  	s6 =	simm.s32 $_scs_section_size  }
0x9b: {  	s7 =	simm.s32 $_size__tile_overlayer_lowered;
	s8 =	simm.s32 $_tile_overlayer_lowered  }
0x9c: {  	s21 =	simm.s32 $0x1BFF;
	s20 =	sshll.u32 s8, $0x1;
	s5 =	sadd.s32 s6, s18  }
0x9d: {  	s9 =	simm.s32 $0x0;
	s19 =	sshll.u32 s7, $0x1;
	s7 =	sadd.s32 s20, s5  }
0x9e: {  	[timem:s9], [sflag:s21] =	dma.local [hbm:s7], s19  }
0x9f: {  	_ =	swait.ge [sflag:s21], s19  }
0xa0: {  	s6 =	ssub.s32 $0x0, s19;
	[sflag:s21] =	ssyncset.done $0x0  }
0xa1: {  	[sflag:s21] =	ssyncadd.s32 s6;
	_ =	sdelay $0x1  }
0xa2: {  	s22 =	simm.s32 $0x1B8B  }
0xa3: {  	_ =	swait.ge [sflag:s22], $0x1  }
0xa4: {  	[sflag:s22] =	ssyncset.done $0x0  }
0xa5: {  	s23 =	simm.s32 $0x1B8E;
	[sflag:s22] =	ssyncadd.s32 $0xFFFFFFFF  }
0xa6: {  	s24 =	simm.s32 $execute0_lowered;
	[smem:$0x3FD2] =	sst s23  }
0xa7: {  	s6 =	sshll.u32 s24, $0x1;
	_ =	strace $0x80000046;
	[dreg:$0x1] =	wrdreg $0xFFFFFFFF  }
0xa8: {  	s25 =	simm.s32 $_size_execute0_lowered;
	s5 =	sadd.s32 s5, s6;
	[dreg:$0x0] =	wrdreg $0x0  }
0xa9: {  	s6 =	sshll.u32 s25, $0x1;
	[dreg:$0x2] =	wrdreg s5  }
0xaa: {  	[dreg:$0x3] =	wrdreg s6  }
0xab: {  	[dreg:$0x4] =	wrdreg $0xC0  }
0xac: {  	_ =	task [dreg:s9], $0x5FFFF  }
0xad: {  	[dreg:$0x1] =	wrdreg $0xFFFFFFFF  }
0xae: {  	[dreg:$0x0] =	wrdreg $0x60  }
0xaf: {  	[dreg:$0x2] =	wrdreg s3  }
0xb0: {  	[dreg:$0x3] =	wrdreg s0  }
0xb1: {  	[dreg:$0x4] =	wrdreg s2  }
0xb2: {  	[dreg:$0x5] =	wrdreg s17  }
0xb3: {  	[dreg:$0x6] =	wrdreg s4  }
0xb4: {  	[dreg:$0x7] =	wrdreg $0x94000  }
0xb5: {  	[dreg:$0x8] =	wrdreg $0x9  }
0xb6: {  	_ =	task.clear_ibuf [dreg:s9], $0x9FFFF;
	_ =	strace $0x90000046  }
0xb7: {  	s26 =	simm.s32 $0x9;
	_ =	strace $0x80000048  }
0xb8: {  	_ =	swait.ge [sflag:s26], $0x1  }
0xb9: {  	[sflag:s26] =	ssyncadd.s32 $0xFFFFFFFF  }
0xba: {  	_ =	strace $0x90000048  }
0xbb: {  	_ =	sfence  }
0xbc: {  	s28 =	sld [smem:$0x0];
	_ =	sdelay $0x1  }
0xbd: {  	s29 =	srdreg.scid  }
0xbe: {  	s30 =	sshll.u32 s29, $0xD;
	s31 =	sshrl.u32 s29, $0x2  }
0xbf: {  	s1 =	sand.u32 $0x1, s29;
	s2 =	sand.u32 $0x4000, s30;
	s0 =	sadd.s32 s31, s28  }
0xc0: {  	s1 =	sor.u32 s2, s1;
	s0 =	sshll.u32 s0, $0x11  }
0xc1: {  	s0 =	sor.u32 s0, s1  }
0xc2: {  	s0 =	sadd.s32 $0x8F2B, s0  }
0xc3: {  	[sflag:s0] =	ssyncadd.remote.s32 $0x1  }
0xc4: {  	_ =	sfence.sel $0xFFFF  }
0xc5: {  	[dreg:$0x0] =	wrdreg $0xFFFFFFFF;
	(pc) =	sbr.abs _section_cstart, $3  }
0xc6: {  	[dreg:$0x1] =	wrdreg $0xFFFFFFFF  }
0xc7: {  	_ =	task.clear_ibuf [dreg:s9], $0x2FFFF;
	_ =	strace $0x9FFFFFFF  }
0xc8: {  	(tm) =	ssettm $0x7FFFFFFF  }
0xc9: {  	_ =	shalt  }
tec
execute0_lowered:
.L_overlay_start_1:
0x0: {  	(tag) =	ssettag $0x1  }
0x1: {  	s7 =	rddreg [dreg:$0x0]  }
0x2: {  	s4 =	rddreg [dreg:$0x1]  }
0x3: {  	s5 =	rddreg [dreg:$0x2]  }
0x4: {  	s6 =	rddreg [dreg:$0x3]  }
0x5: {  	s1 =	rddreg [dreg:$0x4]  }
0x6: {  	s3 =	rddreg [dreg:$0x5];
	s2 =	simm.s32 $0x0  }
0x7: {  	[smem:$0x7FF] =	sst s2  }
0x8: {  	s0 =	rddreg [dreg:$0x6];
	_ =	strace $0x80000047  }
0x9: {  	[tilespmem:s2], [sflag:$0x1] =	stream.linear.gather [hbm4b:s4+s2], $0x800, $0x38;
	[tilespmem:$0xA100] =	vst v63  }
0xa: {  	s25 =	simm.s32 $0x800  }
0xb: {  	[tilespmem:s25], [sflag:$0x1] =	stream.linear.gather [hbm4b:s5+s2], $0x800, $0x38;
	[tilespmem:$0xA100] =	vst v63  }
0xc: {  	s26 =	simm.s32 $0xA000;
	s5 =	simm.s32 $0x1  }
0xd: {  	[tilespmem:s26], [sflag:$0x1] =	stream.linear.gather [hbm4b:s6+s2], $0x80, $0x38;
	[tilespmem:$0xA100] =	vst v63  }
0xe: {  	_ =	swait.ge [sflag:s5], $0x800  }
0xf: {  	[sflag:s5] =	ssyncset.done $0x0  }
0x10: {  	[sflag:s5] =	ssyncadd.s32 $0xFFFFF800  }
0x11: {  	_ =	swait.ge [sflag:s5], $0x800  }
0x12: {  	[sflag:s5] =	ssyncset.done $0x0  }
0x13: {  	[sflag:s5] =	ssyncadd.s32 $0xFFFFF800  }
0x14: {  	_ =	swait.ge [sflag:s5], $0x80  }
0x15: {  	s4 =	stileid.u32;
	[sflag:s5] =	ssyncset.done $0x0  }
0x16: {  	s6 =	sshll.u32 s4, $0x7;
	[sflag:s5] =	ssyncadd.s32 $0xFFFFFF80  }
0x17: {  	v0 =	vld [tilespmem:s6+$0x0];
	_ =	sdelay $0x1  }
0x18: {  	v1 =	vld [tilespmem:s6+$0x800];
	_ =	sdelay $0x2  }
0x19: {  	v0 =	vand.u32 $0xFFFFFFF8, v0  }
0x1a: {  	s8 =	sshll.u32 s4, $0x14;
	v0 =	vshll.u32 v0, $0xC  }
0x1b: {  	v1 =	vand.u32 $0xFFFFFF80, v1;
	v0 =	vadd.s32 s8, v0  }
0x1c: {  	(v2sf) =	vpush v1, $0x0;
	v0 =	vshrl.u32 v0, $0x3  }
0x1d: {  	(v2sf) =	vpush v0, $0x0;
	_ =	sdelay $0x3  }
0x1e: {  	(v2sf) =	vpush v1, $0x1  }
0x1f: {  	(v2sf) =	vpush v0, $0x1;
	_ =	sdelay $0x1  }
0x20: {  	(v2sf) =	vpush v1, $0x2;
	_ =	sdelay $0x1  }
0x21: {  	(v2sf) =	vpush v0, $0x2;
	_ =	sdelay $0x4  }
0x22: {  	s9 =	spop (v2sf)  }
0x23: {  	s10 =	spop (v2sf);
	(v2sf) =	vpush v1, $0x3  }
0x24: {  	(v2sf) =	vpush v0, $0x3;
	_ =	sdelay $0x2  }
0x25: {  	s29 =	spop (v2sf);
	(v2sf) =	vpush v1, $0x4  }
0x26: {  	s30 =	spop (v2sf);
	(v2sf) =	vpush v0, $0x4;
	_ =	sdelay $0x1  }
0x27: {  	s9 =	sadd.s32 s9, s10;
	s10 =	spop (v2sf);
	(v2sf) =	vpush v1, $0x5;
	_ =	sdelay $0x1  }
0x28: {  	s11 =	spop (v2sf);
	(v2sf) =	vpush v0, $0x5;
	_ =	sdelay $0x2  }
0x29: {  	s9 =	sand.u32 $0x1FFFFF80, s9  }
0x2a: {  	s28 =	simm.s32 $0x1000;
	s9 =	sadd.s32 s7, s9  }
0x2b: {  	[tilespmem:s28], [sflag:$0x1] =	stream.linear.gather [hbm4b:s9+s2], $0x400, $0x38;
	[tilespmem:$0xA100] =	vst v63  }
0x2c: {  	s9 =	sadd.s32 s29, s30;
	s13 =	spop (v2sf);
	(v2sf) =	vpush v1, $0x6  }
0x2d: {  	s9 =	sand.u32 $0x1FFFFF80, s9;
	s14 =	spop (v2sf);
	(v2sf) =	vpush v0, $0x6  }
0x2e: {  	s31 =	simm.s32 $0x1400;
	s9 =	sadd.s32 s7, s9  }
0x2f: {  	[tilespmem:s31], [sflag:$0x1] =	stream.linear.gather [hbm4b:s9+s2], $0x400, $0x38;
	[tilespmem:$0xA100] =	vst v63  }
0x30: {  	s16 =	spop (v2sf);
	(v2sf) =	vpush v1, $0x7  }
0x31: {  	s9 =	sadd.s32 s10, s11;
	s17 =	spop (v2sf);
	(v2sf) =	vpush v0, $0x7  }
0x32: {  	s9 =	sand.u32 $0x1FFFFF80, s9  }
0x33: {  	s12 =	simm.s32 $0x1800;
	s9 =	sadd.s32 s7, s9;
	s19 =	spop (v2sf);
	(v2sf) =	vpush v1, $0x8  }
0x34: {  	[tilespmem:s12], [sflag:$0x1] =	stream.linear.gather [hbm4b:s9+s2], $0x400, $0x38;
	[tilespmem:$0xA100] =	vst v63  }
0x35: {  	s20 =	spop (v2sf);
	(v2sf) =	vpush v0, $0x8  }
0x36: {  	s9 =	sadd.s32 s13, s14  }
0x37: {  	s9 =	sand.u32 $0x1FFFFF80, s9  }
0x38: {  	s15 =	simm.s32 $0x1C00;
	s9 =	sadd.s32 s7, s9  }
0x39: {  	[tilespmem:s15], [sflag:$0x1] =	stream.linear.gather [hbm4b:s9+s2], $0x400, $0x38;
	[tilespmem:$0xA100] =	vst v63  }
0x3a: {  	s9 =	sadd.s32 s16, s17  }
0x3b: {  	s9 =	sand.u32 $0x1FFFFF80, s9;
	s22 =	spop (v2sf);
	(v2sf) =	vpush v1, $0x9  }
0x3c: {  	s18 =	simm.s32 $0x2000;
	s9 =	sadd.s32 s7, s9;
	s23 =	spop (v2sf);
	(v2sf) =	vpush v0, $0x9  }
0x3d: {  	[tilespmem:s18], [sflag:$0x1] =	stream.linear.gather [hbm4b:s9+s2], $0x400, $0x38;
	[tilespmem:$0xA100] =	vst v63  }
0x3e: {  	s9 =	sadd.s32 s19, s20  }
0x3f: {  	s9 =	sand.u32 $0x1FFFFF80, s9;
	s25 =	spop (v2sf);
	(v2sf) =	vpush v1, $0xA  }
0x40: {  	s21 =	simm.s32 $0x2400;
	s9 =	sadd.s32 s7, s9;
	s26 =	spop (v2sf);
	(v2sf) =	vpush v0, $0xA  }
0x41: {  	[tilespmem:s21], [sflag:$0x1] =	stream.linear.gather [hbm4b:s9+s2], $0x400, $0x38;
	[tilespmem:$0xA100] =	vst v63  }
0x42: {  	s9 =	sadd.s32 s22, s23;
	s29 =	spop (v2sf);
	(v2sf) =	vpush v1, $0xB  }
0x43: {  	s9 =	sand.u32 $0x1FFFFF80, s9  }
0x44: {  	s24 =	simm.s32 $0x2800;
	s9 =	sadd.s32 s7, s9;
	s30 =	spop (v2sf);
	(v2sf) =	vpush v0, $0xB  }
0x45: {  	[tilespmem:s24], [sflag:$0x1] =	stream.linear.gather [hbm4b:s9+s2], $0x400, $0x38;
	[tilespmem:$0xA100] =	vst v63  }
0x46: {  	s9 =	sadd.s32 s25, s26  }
0x47: {  	s9 =	sand.u32 $0x1FFFFF80, s9  }
0x48: {  	s28 =	simm.s32 $0x2C00;
	s9 =	sadd.s32 s7, s9  }
0x49: {  	[tilespmem:s28], [sflag:$0x1] =	stream.linear.gather [hbm4b:s9+s2], $0x400, $0x38;
	[tilespmem:$0xA100] =	vst v63  }
0x4a: {  	s9 =	sadd.s32 s29, s30;
	s10 =	spop (v2sf);
	(v2sf) =	vpush v1, $0xC  }
0x4b: {  	s9 =	sand.u32 $0x1FFFFF80, s9;
	s11 =	spop (v2sf);
	(v2sf) =	vpush v0, $0xC  }
0x4c: {  	s31 =	simm.s32 $0x3000;
	s9 =	sadd.s32 s7, s9  }
0x4d: {  	[tilespmem:s31], [sflag:$0x1] =	stream.linear.gather [hbm4b:s9+s2], $0x400, $0x38;
	[tilespmem:$0xA100] =	vst v63  }
0x4e: {  	s13 =	spop (v2sf);
	(v2sf) =	vpush v1, $0xD  }
0x4f: {  	s9 =	sadd.s32 s10, s11;
	s14 =	spop (v2sf);
	(v2sf) =	vpush v0, $0xD  }
0x50: {  	s9 =	sand.u32 $0x1FFFFF80, s9  }
0x51: {  	s12 =	simm.s32 $0x3400;
	s9 =	sadd.s32 s7, s9;
	s16 =	spop (v2sf)  }
0x52: {  	(v2sf) =	vpush v1, $0xE;
	[tilespmem:s12], [sflag:$0x1] =	stream.linear.gather [hbm4b:s9+s2], $0x400, $0x38;
	[tilespmem:$0xA100] =	vst v63  }
0x53: {  	s17 =	spop (v2sf);
	(v2sf) =	vpush v0, $0xE  }
0x54: {  	s9 =	sadd.s32 s13, s14  }
0x55: {  	s9 =	sand.u32 $0x1FFFFF80, s9  }
0x56: {  	s15 =	simm.s32 $0x3800;
	s9 =	sadd.s32 s7, s9  }
0x57: {  	[tilespmem:s15], [sflag:$0x1] =	stream.linear.gather [hbm4b:s9+s2], $0x400, $0x38;
	[tilespmem:$0xA100] =	vst v63  }
0x58: {  	s9 =	sadd.s32 s16, s17  }
0x59: {  	s9 =	sand.u32 $0x1FFFFF80, s9;
	s19 =	spop (v2sf);
	(v2sf) =	vpush v1, $0xF  }
0x5a: {  	s18 =	simm.s32 $0x3C00;
	s9 =	sadd.s32 s7, s9;
	s20 =	spop (v2sf);
	(v2sf) =	vpush v0, $0xF  }
0x5b: {  	[tilespmem:s18], [sflag:$0x1] =	stream.linear.gather [hbm4b:s9+s2], $0x400, $0x38;
	[tilespmem:$0xA100] =	vst v63  }
0x5c: {  	s9 =	sadd.s32 s19, s20  }
0x5d: {  	s22 =	spop (v2sf);
	s9 =	sand.u32 $0x1FFFFF80, s9  }
0x5e: {  	s21 =	simm.s32 $0x4000;
	s23 =	spop (v2sf);
	s9 =	sadd.s32 s7, s9  }
0x5f: {  	[tilespmem:s21], [sflag:$0x1] =	stream.linear.gather [hbm4b:s9+s2], $0x400, $0x38;
	[tilespmem:$0xA100] =	vst v63  }
0x60: {  	s9 =	sadd.s32 s22, s23  }
0x61: {  	s25 =	spop (v2sf);
	s9 =	sand.u32 $0x1FFFFF80, s9  }
0x62: {  	s24 =	simm.s32 $0x4400;
	s26 =	spop (v2sf);
	s9 =	sadd.s32 s7, s9  }
0x63: {  	[tilespmem:s24], [sflag:$0x1] =	stream.linear.gather [hbm4b:s9+s2], $0x400, $0x38;
	[tilespmem:$0xA100] =	vst v63  }
0x64: {  	s9 =	sadd.s32 s25, s26  }
0x65: {  	s9 =	sand.u32 $0x1FFFFF80, s9  }
0x66: {  	s28 =	simm.s32 $0x4800;
	s9 =	sadd.s32 s7, s9  }
0x67: {  	[tilespmem:s28], [sflag:$0x1] =	stream.linear.gather [hbm4b:s9+s2], $0x400, $0x38;
	[tilespmem:$0xA100] =	vst v63  }
0x68: {  	s29 =	spop (v2sf)  }
0x69: {  	s30 =	spop (v2sf)  }
0x6a: {  	s9 =	sadd.s32 s29, s30  }
0x6b: {  	s9 =	sand.u32 $0x1FFFFF80, s9  }
0x6c: {  	s31 =	simm.s32 $0x4C00;
	s9 =	sadd.s32 s7, s9  }
0x6d: {  	[tilespmem:s31], [sflag:$0x1] =	stream.linear.gather [hbm4b:s9+s2], $0x400, $0x38;
	[tilespmem:$0xA100] =	vst v63  }
0x6e: {  	v43 =	vld [tilespmem:s6+$0xE]  }
0x6f: {  	v44 =	vld [tilespmem:s6+$0x80E];
	_ =	sdelay $0x4  }
0x70: {  	v0 =	vand.u32 $0xFFFFFFF8, v43;
	v1 =	vand.u32 $0xFFFFFF80, v44  }
0x71: {  	v0 =	vshll.u32 v0, $0xC;
	(v2sf) =	vpush v1, $0x2  }
0x72: {  	v0 =	vadd.s32 s8, v0  }
0x73: {  	v0 =	vshrl.u32 v0, $0x3  }
0x74: {  	(v2sf) =	vpush v0, $0x2;
	_ =	sdelay $0x1  }
0x75: {  	(v2sf) =	vpush v1, $0x3;
	_ =	sdelay $0x2  }
0x76: {  	(v2sf) =	vpush v0, $0x3  }
0x77: {  	(v2sf) =	vpush v1, $0x4;
	_ =	sdelay $0x3  }
0x78: {  	(v2sf) =	vpush v0, $0x4  }
0x79: {  	(v2sf) =	vpush v1, $0x5  }
0x7a: {  	s11 =	spop (v2sf);
	(v2sf) =	vpush v0, $0x5;
	_ =	sdelay $0x2  }
0x7b: {  	s12 =	spop (v2sf);
	(v2sf) =	vpush v1, $0x6;
	_ =	sdelay $0x1  }
0x7c: {  	s14 =	spop (v2sf);
	(v2sf) =	vpush v0, $0x6;
	_ =	sdelay $0x2  }
0x7d: {  	s15 =	spop (v2sf);
	(v2sf) =	vpush v1, $0x7  }
0x7e: {  	s8 =	sadd.s32 s11, s12;
	s16 =	spop (v2sf);
	(v2sf) =	vpush v0, $0x7  }
0x7f: {  	s8 =	sand.u32 $0x1FFFFF80, s8  }
0x80: {  	s13 =	simm.s32 $0x5800;
	s8 =	sadd.s32 s7, s8  }
0x81: {  	[tilespmem:s13], [sflag:$0x1] =	stream.linear.gather [hbm4b:s8+s2], $0x400, $0x38;
	[tilespmem:$0xA100] =	vst v63  }
0x82: {  	s11 =	spop (v2sf);
	(v2sf) =	vpush v1, $0x8  }
0x83: {  	s20 =	spop (v2sf)  }
0x84: {  	s21 =	spop (v2sf);
	(v2sf) =	vpush v0, $0x8  }
0x85: {  	s8 =	sadd.s32 s14, s15  }
0x86: {  	s17 =	simm.s32 $0x5C00;
	s8 =	sand.u32 $0x1FFFFF80, s8  }
0x87: {  	s18 =	sadd.s32 s16, s11;
	s8 =	sadd.s32 s7, s8;
	s23 =	spop (v2sf);
	(v2sf) =	vpush v1, $0x9  }
0x88: {  	[tilespmem:s17], [sflag:$0x1] =	stream.linear.gather [hbm4b:s8+s2], $0x400, $0x38;
	[tilespmem:$0xA100] =	vst v63  }
0x89: {  	s8 =	sand.u32 $0x1FFFFF80, s18;
	s24 =	spop (v2sf);
	(v2sf) =	vpush v0, $0x9  }
0x8a: {  	s19 =	simm.s32 $0x6000;
	s8 =	sadd.s32 s7, s8  }
0x8b: {  	[tilespmem:s19], [sflag:$0x1] =	stream.linear.gather [hbm4b:s8+s2], $0x400, $0x38;
	[tilespmem:$0xA100] =	vst v63  }
0x8c: {  	s25 =	spop (v2sf);
	(v2sf) =	vpush v1, $0xA  }
0x8d: {  	s8 =	sadd.s32 s20, s21;
	s28 =	spop (v2sf);
	(v2sf) =	vpush v0, $0xA  }
0x8e: {  	s8 =	sand.u32 $0x1FFFFF80, s8  }
0x8f: {  	s22 =	simm.s32 $0x6400;
	s8 =	sadd.s32 s7, s8  }
0x90: {  	[tilespmem:s22], [sflag:$0x1] =	stream.linear.gather [hbm4b:s8+s2], $0x400, $0x38;
	[tilespmem:$0xA100] =	vst v63  }
0x91: {  	s31 =	spop (v2sf);
	(v2sf) =	vpush v1, $0xB  }
0x92: {  	s8 =	sadd.s32 s23, s24  }
0x93: {  	s8 =	sand.u32 $0x1FFFFF80, s8;
	s9 =	spop (v2sf);
	(v2sf) =	vpush v0, $0xB  }
0x94: {  	s26 =	simm.s32 $0x6800;
	s8 =	sadd.s32 s7, s8  }
0x95: {  	[tilespmem:s26], [sflag:$0x1] =	stream.linear.gather [hbm4b:s8+s2], $0x400, $0x38;
	[tilespmem:$0xA100] =	vst v63  }
0x96: {  	s29 =	sadd.s32 s25, s28;
	s11 =	spop (v2sf);
	(v2sf) =	vpush v1, $0xC  }
0x97: {  	s8 =	sand.u32 $0x1FFFFF80, s29  }
0x98: {  	s30 =	simm.s32 $0x6C00;
	s8 =	sadd.s32 s7, s8;
	s12 =	spop (v2sf);
	(v2sf) =	vpush v0, $0xC  }
0x99: {  	[tilespmem:s30], [sflag:$0x1] =	stream.linear.gather [hbm4b:s8+s2], $0x400, $0x38;
	[tilespmem:$0xA100] =	vst v63  }
0x9a: {  	s8 =	sadd.s32 s31, s9  }
0x9b: {  	s8 =	sand.u32 $0x1FFFFF80, s8;
	s13 =	spop (v2sf);
	(v2sf) =	vpush v1, $0xD  }
0x9c: {  	s10 =	simm.s32 $0x7000;
	s8 =	sadd.s32 s7, s8;
	s15 =	spop (v2sf);
	(v2sf) =	vpush v0, $0xD  }
0x9d: {  	[tilespmem:s10], [sflag:$0x1] =	stream.linear.gather [hbm4b:s8+s2], $0x400, $0x38;
	[tilespmem:$0xA100] =	vst v63  }
0x9e: {  	s8 =	sadd.s32 s11, s12  }
0x9f: {  	s14 =	simm.s32 $0x7400;
	s8 =	sand.u32 $0x1FFFFF80, s8  }
0xa0: {  	s8 =	sadd.s32 s7, s8;
	s16 =	sadd.s32 s13, s15;
	s18 =	spop (v2sf);
	(v2sf) =	vpush v1, $0xE  }
0xa1: {  	[tilespmem:s14], [sflag:$0x1] =	stream.linear.gather [hbm4b:s8+s2], $0x400, $0x38;
	[tilespmem:$0xA100] =	vst v63  }
0xa2: {  	s8 =	sand.u32 $0x1FFFFF80, s16;
	s19 =	spop (v2sf);
	(v2sf) =	vpush v0, $0xE  }
0xa3: {  	s17 =	simm.s32 $0x7800;
	s8 =	sadd.s32 s7, s8  }
0xa4: {  	[tilespmem:s17], [sflag:$0x1] =	stream.linear.gather [hbm4b:s8+s2], $0x400, $0x38;
	[tilespmem:$0xA100] =	vst v63  }
0xa5: {  	s21 =	spop (v2sf);
	(v2sf) =	vpush v1, $0xF  }
0xa6: {  	s8 =	sadd.s32 s18, s19  }
0xa7: {  	s8 =	sand.u32 $0x1FFFFF80, s8;
	s22 =	spop (v2sf);
	(v2sf) =	vpush v0, $0xF  }
0xa8: {  	s20 =	simm.s32 $0x7C00;
	s8 =	sadd.s32 s7, s8  }
0xa9: {  	[tilespmem:s20], [sflag:$0x1] =	stream.linear.gather [hbm4b:s8+s2], $0x400, $0x38;
	[tilespmem:$0xA100] =	vst v63  }
0xaa: {  	s8 =	sadd.s32 s21, s22;
	s23 =	spop (v2sf)  }
0xab: {  	s8 =	sand.u32 $0x1FFFFF80, s8;
	s24 =	spop (v2sf)  }
0xac: {  	s25 =	simm.s32 $0x8000;
	s8 =	sadd.s32 s7, s8;
	s26 =	sadd.s32 s23, s24  }
0xad: {  	[tilespmem:s25], [sflag:$0x1] =	stream.linear.gather [hbm4b:s8+s2], $0x400, $0x38;
	[tilespmem:$0xA100] =	vst v63  }
0xae: {  	s8 =	sand.u32 $0x1FFFFF80, s26  }
0xaf: {  	s29 =	simm.s32 $0x8400;
	s28 =	spop (v2sf);
	s8 =	sadd.s32 s7, s8  }
0xb0: {  	[tilespmem:s29], [sflag:$0x1] =	stream.linear.gather [hbm4b:s8+s2], $0x400, $0x38;
	[tilespmem:$0xA100] =	vst v63  }
0xb1: {  	s30 =	spop (v2sf)  }
0xb2: {  	s8 =	sadd.s32 s28, s30  }
0xb3: {  	s8 =	sand.u32 $0x1FFFFF80, s8  }
0xb4: {  	s31 =	simm.s32 $0x8800;
	s8 =	sadd.s32 s7, s8;
	s9 =	spop (v2sf)  }
0xb5: {  	[tilespmem:s31], [sflag:$0x1] =	stream.linear.gather [hbm4b:s8+s2], $0x400, $0x38;
	[tilespmem:$0xA100] =	vst v63  }
0xb6: {  	s10 =	spop (v2sf)  }
0xb7: {  	s8 =	sadd.s32 s9, s10  }
0xb8: {  	s8 =	sand.u32 $0x1FFFFF80, s8  }
0xb9: {  	s11 =	simm.s32 $0x8C00;
	s7 =	sadd.s32 s7, s8  }
0xba: {  	[tilespmem:s11], [sflag:$0x1] =	stream.linear.gather [hbm4b:s7+s2], $0x400, $0x38;
	[tilespmem:$0xA100] =	vst v63  }
0xbb: {  	v45 =	vld [tilespmem:s6+$0x0]  }
0xbc: {  	v46 =	vld [tilespmem:s6+$0x800];
	_ =	sdelay $0x4  }
0xbd: {  	_ =	swait.ge [sflag:s5], $0x400;
	v2 =	vand.u32 $0x7, v45;
	v17 =	vand.u32 $0x70, v46  }
0xbe: {  	(v2sf) =	vpush v17, $0x0;
	v16 =	vshll.u32 v2, $0x7  }
0xbf: {  	(v2sf) =	vpush v16, $0x1  }
0xc0: {  	(v2sf) =	vpush v16, $0x0;
	_ =	sdelay $0xc  }
0xc1: {  	s12 =	spop (v2sf)  }
0xc2: {  	s13 =	spop (v2sf)  }
0xc3: {  	[sflag:s5] =	ssyncset.done $0x0;
	s14 =	spop (v2sf)  }
0xc4: {  	[sflag:s5] =	ssyncadd.s32 $0xFFFFFC00;
	s7 =	sor.u32 s12, s14  }
0xc5: {  	v47 =	vld [tilespmem:s7+$0x1000];
	_ =	swait.ge [sflag:s5], $0x400  }
0xc6: {  	(v2sf) =	vpush v17, $0x1;
	_ =	sdelay $0xe  }
0xc7: {  	[sflag:s5] =	ssyncset.done $0x0;
	s15 =	spop (v2sf)  }
0xc8: {  	[sflag:s5] =	ssyncadd.s32 $0xFFFFFC00;
	s7 =	sor.u32 s15, s13  }
0xc9: {  	v3 =	vld [tilespmem:s7+$0x1400];
	_ =	swait.ge [sflag:s5], $0x400  }
0xca: {  	(v2sf) =	vpush v17, $0x2  }
0xcb: {  	(v2sf) =	vpush v16, $0x3  }
0xcc: {  	(v2sf) =	vpush v16, $0x2;
	_ =	sdelay $0xc  }
0xcd: {  	s16 =	spop (v2sf)  }
0xce: {  	s17 =	spop (v2sf)  }
0xcf: {  	[sflag:s5] =	ssyncset.done $0x0;
	s18 =	spop (v2sf)  }
0xd0: {  	[sflag:s5] =	ssyncadd.s32 $0xFFFFFC00;
	s7 =	sor.u32 s16, s18  }
0xd1: {  	v4 =	vld [tilespmem:s7+$0x1800];
	_ =	swait.ge [sflag:s5], $0x400  }
0xd2: {  	(v2sf) =	vpush v17, $0x3;
	_ =	sdelay $0xe  }
0xd3: {  	[sflag:s5] =	ssyncset.done $0x0;
	s19 =	spop (v2sf)  }
0xd4: {  	[sflag:s5] =	ssyncadd.s32 $0xFFFFFC00;
	s7 =	sor.u32 s19, s17  }
0xd5: {  	v5 =	vld [tilespmem:s7+$0x1C00];
	_ =	swait.ge [sflag:s5], $0x400  }
0xd6: {  	(v2sf) =	vpush v17, $0x4  }
0xd7: {  	(v2sf) =	vpush v16, $0x5  }
0xd8: {  	(v2sf) =	vpush v16, $0x4;
	_ =	sdelay $0xc  }
0xd9: {  	s20 =	spop (v2sf)  }
0xda: {  	s21 =	spop (v2sf)  }
0xdb: {  	[sflag:s5] =	ssyncset.done $0x0;
	s22 =	spop (v2sf)  }
0xdc: {  	[sflag:s5] =	ssyncadd.s32 $0xFFFFFC00;
	s7 =	sor.u32 s20, s22  }
0xdd: {  	v6 =	vld [tilespmem:s7+$0x2000];
	_ =	swait.ge [sflag:s5], $0x400  }
0xde: {  	(v2sf) =	vpush v17, $0x5;
	_ =	sdelay $0xe  }
0xdf: {  	[sflag:s5] =	ssyncset.done $0x0;
	s23 =	spop (v2sf)  }
0xe0: {  	[sflag:s5] =	ssyncadd.s32 $0xFFFFFC00;
	s7 =	sor.u32 s23, s21  }
0xe1: {  	v7 =	vld [tilespmem:s7+$0x2400];
	_ =	swait.ge [sflag:s5], $0x400  }
0xe2: {  	(v2sf) =	vpush v17, $0x6  }
0xe3: {  	(v2sf) =	vpush v16, $0x7  }
0xe4: {  	(v2sf) =	vpush v16, $0x6;
	_ =	sdelay $0xc  }
0xe5: {  	s24 =	spop (v2sf)  }
0xe6: {  	s25 =	spop (v2sf)  }
0xe7: {  	[sflag:s5] =	ssyncset.done $0x0;
	s26 =	spop (v2sf)  }
0xe8: {  	[sflag:s5] =	ssyncadd.s32 $0xFFFFFC00;
	s7 =	sor.u32 s24, s26  }
0xe9: {  	v8 =	vld [tilespmem:s7+$0x2800];
	_ =	swait.ge [sflag:s5], $0x400  }
0xea: {  	(v2sf) =	vpush v17, $0x7;
	_ =	sdelay $0xe  }
0xeb: {  	[sflag:s5] =	ssyncset.done $0x0;
	s28 =	spop (v2sf)  }
0xec: {  	[sflag:s5] =	ssyncadd.s32 $0xFFFFFC00;
	s7 =	sor.u32 s28, s25  }
0xed: {  	v9 =	vld [tilespmem:s7+$0x2C00];
	_ =	swait.ge [sflag:s5], $0x400  }
0xee: {  	(v2sf) =	vpush v17, $0x8  }
0xef: {  	(v2sf) =	vpush v16, $0x9  }
0xf0: {  	(v2sf) =	vpush v16, $0x8;
	_ =	sdelay $0xc  }
0xf1: {  	s29 =	spop (v2sf)  }
0xf2: {  	s30 =	spop (v2sf)  }
0xf3: {  	[sflag:s5] =	ssyncset.done $0x0;
	s31 =	spop (v2sf)  }
0xf4: {  	[sflag:s5] =	ssyncadd.s32 $0xFFFFFC00;
	s7 =	sor.u32 s29, s31  }
0xf5: {  	v10 =	vld [tilespmem:s7+$0x3000];
	_ =	swait.ge [sflag:s5], $0x400  }
0xf6: {  	(v2sf) =	vpush v17, $0x9;
	_ =	sdelay $0xe  }
0xf7: {  	[sflag:s5] =	ssyncset.done $0x0;
	s10 =	spop (v2sf)  }
0xf8: {  	[sflag:s5] =	ssyncadd.s32 $0xFFFFFC00;
	s7 =	sor.u32 s10, s30  }
0xf9: {  	v11 =	vld [tilespmem:s7+$0x3400];
	_ =	swait.ge [sflag:s5], $0x400  }
0xfa: {  	(v2sf) =	vpush v17, $0xA  }
0xfb: {  	(v2sf) =	vpush v16, $0xB  }
0xfc: {  	(v2sf) =	vpush v16, $0xA;
	_ =	sdelay $0xc  }
0xfd: {  	s11 =	spop (v2sf)  }
0xfe: {  	s12 =	spop (v2sf)  }
0xff: {  	[sflag:s5] =	ssyncset.done $0x0;
	s13 =	spop (v2sf)  }
0x100: {  	[sflag:s5] =	ssyncadd.s32 $0xFFFFFC00;
	s7 =	sor.u32 s11, s13  }
0x101: {  	v12 =	vld [tilespmem:s7+$0x3800];
	_ =	swait.ge [sflag:s5], $0x400  }
0x102: {  	(v2sf) =	vpush v17, $0xB;
	_ =	sdelay $0xe  }
0x103: {  	[sflag:s5] =	ssyncset.done $0x0;
	s14 =	spop (v2sf)  }
0x104: {  	[sflag:s5] =	ssyncadd.s32 $0xFFFFFC00;
	s7 =	sor.u32 s14, s12  }
0x105: {  	v13 =	vld [tilespmem:s7+$0x3C00];
	_ =	swait.ge [sflag:s5], $0x400  }
0x106: {  	(v2sf) =	vpush v17, $0xC  }
0x107: {  	(v2sf) =	vpush v16, $0xD  }
0x108: {  	(v2sf) =	vpush v16, $0xC;
	_ =	sdelay $0xc  }
0x109: {  	s15 =	spop (v2sf)  }
0x10a: {  	s16 =	spop (v2sf)  }
0x10b: {  	[sflag:s5] =	ssyncset.done $0x0;
	s17 =	spop (v2sf)  }
0x10c: {  	[sflag:s5] =	ssyncadd.s32 $0xFFFFFC00;
	s7 =	sor.u32 s15, s17  }
0x10d: {  	v15 =	vld [tilespmem:s7+$0x4000];
	_ =	swait.ge [sflag:s5], $0x400  }
0x10e: {  	(v2sf) =	vpush v17, $0xD;
	_ =	sdelay $0xe  }
0x10f: {  	[sflag:s5] =	ssyncset.done $0x0;
	s18 =	spop (v2sf)  }
0x110: {  	[sflag:s5] =	ssyncadd.s32 $0xFFFFFC00;
	s7 =	sor.u32 s18, s16  }
0x111: {  	v14 =	vld [tilespmem:s7+$0x4400];
	_ =	swait.ge [sflag:s5], $0x400  }
0x112: {  	(v2sf) =	vpush v17, $0xE  }
0x113: {  	(v2sf) =	vpush v16, $0xF  }
0x114: {  	(v2sf) =	vpush v16, $0xE;
	_ =	sdelay $0xc  }
0x115: {  	s19 =	spop (v2sf)  }
0x116: {  	s20 =	spop (v2sf)  }
0x117: {  	[sflag:s5] =	ssyncset.done $0x0;
	s21 =	spop (v2sf)  }
0x118: {  	[sflag:s5] =	ssyncadd.s32 $0xFFFFFC00;
	s7 =	sor.u32 s19, s21  }
0x119: {  	v48 =	vld [tilespmem:s7+$0x4800];
	_ =	swait.ge [sflag:s5], $0x400  }
0x11a: {  	(v2sf) =	vpush v17, $0xF;
	_ =	sdelay $0x8  }
0x11b: {  	[sflag:s5] =	ssyncset.done $0x0  }
0x11c: {  	[sflag:s5] =	ssyncadd.s32 $0xFFFFFC00  }
0x11d: {  	v20 =	vld [tilespmem:s6+$0xE]  }
0x11e: {  	v18 =	vld [tilespmem:s6+$0x80E];
	_ =	sdelay $0x2  }
0x11f: {  	s22 =	spop (v2sf)  }
0x120: {  	s6 =	sor.u32 s22, s20  }
0x121: {  	v19 =	vand.u32 $0x7, v20;
	v21 =	vand.u32 $0x70, v18;
	v49 =	vld [tilespmem:s6+$0x4C00];
	_ =	swait.ge [sflag:s5], $0x400  }
0x122: {  	v32 =	vshll.u32 v19, $0x7;
	(v2sf) =	vpush v21, $0x2  }
0x123: {  	(v2sf) =	vpush v32, $0x3  }
0x124: {  	(v2sf) =	vpush v32, $0x2;
	_ =	sdelay $0xc  }
0x125: {  	s23 =	spop (v2sf)  }
0x126: {  	s24 =	spop (v2sf)  }
0x127: {  	[sflag:s5] =	ssyncset.done $0x0;
	s25 =	spop (v2sf)  }
0x128: {  	[sflag:s5] =	ssyncadd.s32 $0xFFFFFC00;
	s6 =	sor.u32 s23, s25  }
0x129: {  	v50 =	vld [tilespmem:s6+$0x5800];
	_ =	swait.ge [sflag:s5], $0x400  }
0x12a: {  	(v2sf) =	vpush v21, $0x3;
	_ =	sdelay $0xe  }
0x12b: {  	[sflag:s5] =	ssyncset.done $0x0;
	s26 =	spop (v2sf)  }
0x12c: {  	[sflag:s5] =	ssyncadd.s32 $0xFFFFFC00;
	s6 =	sor.u32 s26, s24  }
0x12d: {  	v22 =	vld [tilespmem:s6+$0x5C00];
	_ =	swait.ge [sflag:s5], $0x400  }
0x12e: {  	(v2sf) =	vpush v21, $0x4  }
0x12f: {  	(v2sf) =	vpush v32, $0x5  }
0x130: {  	(v2sf) =	vpush v32, $0x4;
	_ =	sdelay $0xc  }
0x131: {  	s28 =	spop (v2sf)  }
0x132: {  	s29 =	spop (v2sf)  }
0x133: {  	[sflag:s5] =	ssyncset.done $0x0;
	s30 =	spop (v2sf)  }
0x134: {  	[sflag:s5] =	ssyncadd.s32 $0xFFFFFC00;
	s6 =	sor.u32 s28, s30  }
0x135: {  	v24 =	vld [tilespmem:s6+$0x6000];
	_ =	swait.ge [sflag:s5], $0x400  }
0x136: {  	(v2sf) =	vpush v21, $0x5;
	_ =	sdelay $0xe  }
0x137: {  	[sflag:s5] =	ssyncset.done $0x0;
	s31 =	spop (v2sf)  }
0x138: {  	[sflag:s5] =	ssyncadd.s32 $0xFFFFFC00;
	s6 =	sor.u32 s31, s29  }
0x139: {  	v23 =	vld [tilespmem:s6+$0x6400];
	_ =	swait.ge [sflag:s5], $0x400  }
0x13a: {  	(v2sf) =	vpush v21, $0x6  }
0x13b: {  	(v2sf) =	vpush v32, $0x7  }
0x13c: {  	(v2sf) =	vpush v32, $0x6;
	_ =	sdelay $0xc  }
0x13d: {  	s8 =	spop (v2sf)  }
0x13e: {  	s9 =	spop (v2sf)  }
0x13f: {  	[sflag:s5] =	ssyncset.done $0x0;
	s10 =	spop (v2sf)  }
0x140: {  	[sflag:s5] =	ssyncadd.s32 $0xFFFFFC00;
	s6 =	sor.u32 s8, s10  }
0x141: {  	v25 =	vld [tilespmem:s6+$0x6800];
	_ =	swait.ge [sflag:s5], $0x400  }
0x142: {  	(v2sf) =	vpush v21, $0x7;
	_ =	sdelay $0xe  }
0x143: {  	[sflag:s5] =	ssyncset.done $0x0;
	s11 =	spop (v2sf)  }
0x144: {  	[sflag:s5] =	ssyncadd.s32 $0xFFFFFC00;
	s6 =	sor.u32 s11, s9  }
0x145: {  	v26 =	vld [tilespmem:s6+$0x6C00];
	_ =	swait.ge [sflag:s5], $0x400  }
0x146: {  	(v2sf) =	vpush v21, $0x8  }
0x147: {  	(v2sf) =	vpush v32, $0x9  }
0x148: {  	(v2sf) =	vpush v32, $0x8;
	_ =	sdelay $0xc  }
0x149: {  	s12 =	spop (v2sf)  }
0x14a: {  	s13 =	spop (v2sf)  }
0x14b: {  	[sflag:s5] =	ssyncset.done $0x0;
	s14 =	spop (v2sf)  }
0x14c: {  	[sflag:s5] =	ssyncadd.s32 $0xFFFFFC00;
	s6 =	sor.u32 s12, s14  }
0x14d: {  	v27 =	vld [tilespmem:s6+$0x7000];
	_ =	swait.ge [sflag:s5], $0x400  }
0x14e: {  	(v2sf) =	vpush v21, $0x9;
	_ =	sdelay $0xe  }
0x14f: {  	[sflag:s5] =	ssyncset.done $0x0;
	s15 =	spop (v2sf)  }
0x150: {  	[sflag:s5] =	ssyncadd.s32 $0xFFFFFC00;
	s6 =	sor.u32 s15, s13  }
0x151: {  	v28 =	vld [tilespmem:s6+$0x7400];
	_ =	swait.ge [sflag:s5], $0x400  }
0x152: {  	(v2sf) =	vpush v21, $0xA  }
0x153: {  	(v2sf) =	vpush v32, $0xB  }
0x154: {  	(v2sf) =	vpush v32, $0xA;
	_ =	sdelay $0xc  }
0x155: {  	s16 =	spop (v2sf)  }
0x156: {  	s17 =	spop (v2sf)  }
0x157: {  	[sflag:s5] =	ssyncset.done $0x0;
	s18 =	spop (v2sf)  }
0x158: {  	[sflag:s5] =	ssyncadd.s32 $0xFFFFFC00;
	s6 =	sor.u32 s16, s18  }
0x159: {  	v29 =	vld [tilespmem:s6+$0x7800];
	_ =	swait.ge [sflag:s5], $0x400  }
0x15a: {  	(v2sf) =	vpush v21, $0xB;
	_ =	sdelay $0xe  }
0x15b: {  	[sflag:s5] =	ssyncset.done $0x0;
	s19 =	spop (v2sf)  }
0x15c: {  	[sflag:s5] =	ssyncadd.s32 $0xFFFFFC00;
	s6 =	sor.u32 s19, s17  }
0x15d: {  	v30 =	vld [tilespmem:s6+$0x7C00];
	_ =	swait.ge [sflag:s5], $0x400  }
0x15e: {  	(v2sf) =	vpush v21, $0xC  }
0x15f: {  	(v2sf) =	vpush v32, $0xD  }
0x160: {  	(v2sf) =	vpush v32, $0xC;
	_ =	sdelay $0xc  }
0x161: {  	s20 =	spop (v2sf)  }
0x162: {  	s21 =	spop (v2sf)  }
0x163: {  	[sflag:s5] =	ssyncset.done $0x0;
	s22 =	spop (v2sf)  }
0x164: {  	[sflag:s5] =	ssyncadd.s32 $0xFFFFFC00;
	s6 =	sor.u32 s20, s22  }
0x165: {  	v31 =	vld [tilespmem:s6+$0x8000];
	_ =	swait.ge [sflag:s5], $0x400  }
0x166: {  	(v2sf) =	vpush v21, $0xD;
	_ =	sdelay $0xe  }
0x167: {  	[sflag:s5] =	ssyncset.done $0x0;
	s23 =	spop (v2sf)  }
0x168: {  	vm0 =	veq.s32 v45, $0x0;
	v1 =	vand.u32 $0xF, v46;
	[sflag:s5] =	ssyncadd.s32 $0xFFFFFC00;
	s6 =	sor.u32 s23, s21  }
0x169: {  	v33 =	vsel vm0, $0x10, v1;
	v0 =	vld [tilespmem:s6+$0x8400];
	_ =	swait.ge [sflag:s5], $0x400  }
0x16a: {  	v34 =	vbroadcast v33, $0x0;
	v35 =	vbroadcast v33, $0x1;
	(v2sf) =	vpush v21, $0xE  }
0x16b: {  	v51 =	vbroadcast v33, $0x2;
	v52 =	vbroadcast v33, $0x3;
	(v2sf) =	vpush v32, $0xF  }
0x16c: {  	v53 =	vbroadcast v33, $0x4;
	v54 =	vbroadcast v33, $0x5;
	(v2sf) =	vpush v32, $0xE  }
0x16d: {  	v56 =	vbroadcast v33, $0x6;
	v58 =	vbroadcast v33, $0x7  }
0x16e: {  	v59 =	vbroadcast v33, $0x8;
	v60 =	vbroadcast v33, $0x9  }
0x16f: {  	v1 =	vlaneseq.u32;
	v63 =	vbroadcast v33, $0xA;
	v38 =	vbroadcast v33, $0xF  }
0x170: {  	vm10 =	veq.s32 v34, v1;
	vm1 =	veq.s32 v35, v1;
	vm11 =	veq.s32 v51, v1  }
0x171: {  	vm12 =	veq.s32 v52, v1;
	vm13 =	veq.s32 v53, v1;
	v2 =	vadd.f32 $0.0e+00, v47  }
0x172: {  	vm14 =	veq.s32 v54, v1;
	vm15 =	veq.s32 v56, v1;
	vm4 =	veq.s32 v58, v1  }
0x173: {  	v2 =	vnsel vm10, $0x0, v2;
	v3 =	vadd.f32 $0.0e+00, v3;
	v4 =	vnsel vm11, $0x0, v4  }
0x174: {  	vm5 =	veq.s32 v59, v1;
	vm6 =	veq.s32 v60, v1;
	v2 =	vadd.f32 v4, v2  }
0x175: {  	v3 =	vnsel vm1, $0x0, v3;
	v5 =	vnsel vm12, $0x0, v5;
	v55 =	vnsel vm13, $0x0, v6  }
0x176: {  	v35 =	vbroadcast v33, $0xE;
	v3 =	vadd.f32 v5, v3;
	v2 =	vadd.f32 v55, v2  }
0x177: {  	vm7 =	veq.s32 v63, v1;
	v57 =	vnsel vm14, $0x0, v7;
	v5 =	vnsel vm15, $0x0, v8  }
0x178: {  	vm12 =	veq.s32 v35, v1;
	v3 =	vadd.f32 v57, v3;
	v2 =	vadd.f32 v5, v2  }
0x179: {  	v61 =	vnsel vm4, $0x0, v9;
	v62 =	vnsel vm5, $0x0, v10;
	v10 =	vbroadcast v33, $0xB;
	s24 =	spop (v2sf)  }
0x17a: {  	v3 =	vadd.f32 v61, v3;
	v9 =	vnsel vm6, $0x0, v11;
	v11 =	vbroadcast v33, $0xC;
	s25 =	spop (v2sf)  }
0x17b: {  	vm13 =	veq.s32 v38, v1;
	v2 =	vadd.f32 v62, v2;
	vm8 =	veq.s32 v10, v1;
	[sflag:s5] =	ssyncset.done $0x0;
	s26 =	spop (v2sf)  }
0x17c: {  	v3 =	vadd.f32 v9, v3;
	vm9 =	veq.s32 v11, v1;
	v12 =	vnsel vm7, $0x0, v12;
	[sflag:s5] =	ssyncadd.s32 $0xFFFFFC00;
	s7 =	sor.u32 s24, s26  }
0x17d: {  	v2 =	vadd.f32 v12, v2;
	vm11 =	veq.s32 v20, $0x0;
	v36 =	vand.u32 $0xF, v18;
	v34 =	vld [tilespmem:s7+$0x8800];
	_ =	swait.ge [sflag:s5], $0x400  }
0x17e: {  	v13 =	vnsel vm8, $0x0, v13;
	v37 =	vsel vm11, $0x10, v36;
	(v2sf) =	vpush v21, $0xF  }
0x17f: {  	v3 =	vadd.f32 v13, v3;
	v15 =	vnsel vm9, $0x0, v15;
	v40 =	vbroadcast v37, $0x2  }
0x180: {  	v2 =	vadd.f32 v15, v2;
	v41 =	vbroadcast v37, $0x3;
	v42 =	vbroadcast v37, $0x4  }
0x181: {  	v39 =	vnsel vm12, $0x0, v48;
	v46 =	vbroadcast v37, $0x5;
	v32 =	vbroadcast v33, $0xD  }
0x182: {  	v2 =	vadd.f32 v39, v2;
	v47 =	vbroadcast v37, $0x6;
	v48 =	vbroadcast v37, $0x7  }
0x183: {  	v51 =	vbroadcast v37, $0x8;
	v52 =	vbroadcast v37, $0x9;
	vm10 =	veq.s32 v32, v1  }
0x184: {  	v54 =	vbroadcast v37, $0xA;
	v55 =	vbroadcast v37, $0xB;
	v6 =	vnsel vm10, $0x0, v14  }
0x185: {  	v56 =	vbroadcast v37, $0xC;
	v58 =	vbroadcast v37, $0xD;
	v3 =	vadd.f32 v6, v3  }
0x186: {  	v61 =	vbroadcast v37, $0xE;
	v5 =	vbroadcast v37, $0xF;
	v7 =	vnsel vm13, $0x0, v49  }
0x187: {  	vm14 =	veq.s32 v40, v1;
	vm15 =	veq.s32 v41, v1;
	v3 =	vadd.f32 v7, v3  }
0x188: {  	vm4 =	veq.s32 v42, v1;
	v43 =	vnsel vm14, $0x0, v50;
	v44 =	vnsel vm15, $0x0, v22  }
0x189: {  	vm5 =	veq.s32 v46, v1;
	v2 =	vadd.f32 v43, v2;
	v3 =	vadd.f32 v44, v3  }
0x18a: {  	vm6 =	veq.s32 v47, v1;
	v45 =	vnsel vm4, $0x0, v24;
	v49 =	vnsel vm5, $0x0, v23  }
0x18b: {  	vm7 =	veq.s32 v48, v1;
	v2 =	vadd.f32 v45, v2;
	v3 =	vadd.f32 v49, v3  }
0x18c: {  	vm8 =	veq.s32 v51, v1;
	v50 =	vnsel vm6, $0x0, v25;
	v6 =	vnsel vm7, $0x0, v26  }
0x18d: {  	vm9 =	veq.s32 v52, v1;
	v2 =	vadd.f32 v50, v2;
	v3 =	vadd.f32 v6, v3;
	[sflag:s5] =	ssyncset.done $0x0;
	s28 =	spop (v2sf)  }
0x18e: {  	vm11 =	veq.s32 v55, v1;
	v53 =	vnsel vm8, $0x0, v27;
	v7 =	vnsel vm9, $0x0, v28;
	[sflag:s5] =	ssyncadd.s32 $0xFFFFFC00;
	s29 =	sor.u32 s28, s25  }
0x18f: {  	v2 =	vadd.f32 v53, v2;
	vm10 =	veq.s32 v54, v1;
	v3 =	vadd.f32 v7, v3;
	v59 =	vld [tilespmem:s29+$0x8C00]  }
0x190: {  	vm12 =	veq.s32 v56, v1;
	v57 =	vnsel vm10, $0x0, v29;
	v6 =	vnsel vm11, $0x0, v30  }
0x191: {  	vm13 =	veq.s32 v58, v1;
	v2 =	vadd.f32 v57, v2;
	v3 =	vadd.f32 v6, v3  }
0x192: {  	vm14 =	veq.s32 v61, v1;
	v60 =	vnsel vm12, $0x0, v31;
	v0 =	vnsel vm13, $0x0, v0  }
0x193: {  	vm15 =	veq.s32 v5, v1;
	v2 =	vadd.f32 v60, v2;
	v0 =	vadd.f32 v0, v3  }
0x194: {  	v62 =	vnsel vm14, $0x0, v34;
	v63 =	vnsel vm15, $0x0, v59  }
0x195: {  	v1 =	vadd.f32 v62, v2;
	v0 =	vadd.f32 v63, v0;
	_ =	sdelay $0x1  }
0x196: {  	v0 =	vadd.f32 v0, v1  }
0x197: {  	s30 =	sshll.u32 s4, $0xA  }
0x198: {  	s31 =	simm.s32 $0x9000;
	s5 =	sadd.s32 s30, s3;
	[tilespmem:$0x9000] =	vst v0  }
0x199: {  	[spmem:s5] =	stream.linear.scatter [tilespmem:s31], [sflag:$0x2], $0x400, $0x38;
	[tilespmem:$0xA100] =	vst v63  }
0x19a: {  	s5 =	simm.s32 $0x2  }
0x19b: {  	_ =	swait.ge [sflag:s5], $0x400  }
0x19c: {  	[sflag:s5] =	ssyncset.done $0x0  }
0x19d: {  	[sflag:s5] =	ssyncadd.s32 $0xFFFFFC00  }
0x19e: {  	p0 =	sne.s32 s4, $0x0;
	[bflag:$0x0] =	sbarrier.arrive $0xFFFF  }
0x19f: {  	_ =	sfence.sel @p0 $0x180000  }
0x1a0: {  	[bflag:$0x0] =	sbarrier.arrive @p0 $0xFFFF  }
0x1a1: {  	_ =	strace @p0 $0x90000047  }
0x1a2: {  	[bflag:$0x2] =	sbarrier.arrive @p0 $0xFFFF  }
0x1a3: {  	_ =	shalt @p0  }
.LBB2_1:
0x1a4: {  	s4 =	simm.s32 $0x80;
	s6 =	simm.s32 $0x400;
	s7 =	simm.s32 $0x9800  }
0x1a5: {  	[tilespmem:s7], [sflag:$0x2] =	stream.strided.gather [spmem:s3], $0x800, s6, s4, $0x38;
	[tilespmem:$0xA100] =	vst v63  }
0x1a6: {  	_ =	swait.ge [sflag:s5], $0x800  }
0x1a7: {  	[sflag:s5] =	ssyncset.done $0x0  }
0x1a8: {  	[sflag:s5] =	ssyncadd.s32 $0xFFFFF800  }
0x1a9: {  	v0 =	vld [tilespmem:$0x9800]  }
0x1aa: {  	v1 =	vld [tilespmem:$0x9880];
	_ =	sdelay $0x1  }
0x1ab: {  	v2 =	vld [tilespmem:$0x9900];
	_ =	sdelay $0x1  }
0x1ac: {  	v3 =	vld [tilespmem:$0x9980]  }
0x1ad: {  	v0 =	vadd.f32 v1, v0  }
0x1ae: {  	v48 =	vld [tilespmem:$0x9A00]  }
0x1af: {  	v0 =	vadd.f32 v2, v0  }
0x1b0: {  	v49 =	vld [tilespmem:$0x9A80]  }
0x1b1: {  	v0 =	vadd.f32 v3, v0  }
0x1b2: {  	v50 =	vld [tilespmem:$0x9B00]  }
0x1b3: {  	v0 =	vadd.f32 v48, v0  }
0x1b4: {  	v51 =	vld [tilespmem:$0x9B80]  }
0x1b5: {  	v0 =	vadd.f32 v49, v0  }
0x1b6: {  	v52 =	vld [tilespmem:$0x9C00]  }
0x1b7: {  	v0 =	vadd.f32 v50, v0  }
0x1b8: {  	v53 =	vld [tilespmem:$0x9C80]  }
0x1b9: {  	v0 =	vadd.f32 v51, v0  }
0x1ba: {  	v54 =	vld [tilespmem:$0x9D00]  }
0x1bb: {  	v0 =	vadd.f32 v52, v0  }
0x1bc: {  	v55 =	vld [tilespmem:$0x9D80]  }
0x1bd: {  	v0 =	vadd.f32 v53, v0  }
0x1be: {  	v56 =	vld [tilespmem:$0x9E00]  }
0x1bf: {  	v0 =	vadd.f32 v54, v0  }
0x1c0: {  	v57 =	vld [tilespmem:$0x9E80]  }
0x1c1: {  	v0 =	vadd.f32 v55, v0  }
0x1c2: {  	v58 =	vld [tilespmem:$0x9F00]  }
0x1c3: {  	v0 =	vadd.f32 v56, v0  }
0x1c4: {  	v59 =	vld [tilespmem:$0x9F80]  }
0x1c5: {  	v0 =	vadd.f32 v57, v0;
	_ =	sdelay $0x1  }
0x1c6: {  	v60 =	vld [tilespmem:$0xA000];
	v0 =	vadd.f32 v58, v0;
	_ =	sdelay $0x1  }
0x1c7: {  	v0 =	vadd.f32 v59, v0;
	_ =	sdelay $0x1  }
0x1c8: {  	(v2sf) =	vpush v0, $0x0  }
0x1c9: {  	(v2sf) =	vpush v60, $0x0  }
0x1ca: {  	(v2sf) =	vpush v0, $0x1  }
0x1cb: {  	(v2sf) =	vpush v60, $0x1  }
0x1cc: {  	(v2sf) =	vpush v0, $0x2  }
0x1cd: {  	(v2sf) =	vpush v60, $0x2  }
0x1ce: {  	(v2sf) =	vpush v0, $0x3  }
0x1cf: {  	(v2sf) =	vpush v60, $0x3  }
0x1d0: {  	(v2sf) =	vpush v0, $0x4  }
0x1d1: {  	(v2sf) =	vpush v60, $0x4  }
0x1d2: {  	(v2sf) =	vpush v0, $0x5  }
0x1d3: {  	(v2sf) =	vpush v60, $0x5  }
0x1d4: {  	(v2sf) =	vpush v0, $0x6  }
0x1d5: {  	(v2sf) =	vpush v60, $0x6  }
0x1d6: {  	(v2sf) =	vpush v0, $0x7  }
0x1d7: {  	s22 =	spop (v2sf);
	(v2sf) =	vpush v60, $0x7  }
0x1d8: {  	s23 =	spop (v2sf);
	(v2sf) =	vpush v0, $0x8  }
0x1d9: {  	s24 =	spop (v2sf);
	(v2sf) =	vpush v60, $0x8  }
0x1da: {  	s25 =	spop (v2sf);
	(v2sf) =	vpush v0, $0x9  }
0x1db: {  	s8 =	spop (v2sf);
	(v2sf) =	vpush v60, $0x9  }
0x1dc: {  	s9 =	spop (v2sf);
	(v2sf) =	vpush v0, $0xA  }
0x1dd: {  	s10 =	spop (v2sf);
	(v2sf) =	vpush v60, $0xA  }
0x1de: {  	s11 =	spop (v2sf);
	(v2sf) =	vpush v0, $0xB  }
0x1df: {  	s12 =	spop (v2sf);
	(v2sf) =	vpush v60, $0xB  }
0x1e0: {  	s13 =	spop (v2sf);
	(v2sf) =	vpush v0, $0xC  }
0x1e1: {  	s14 =	spop (v2sf);
	(v2sf) =	vpush v60, $0xC  }
0x1e2: {  	s3 =	sadd.f32 s24, s22;
	s26 =	spop (v2sf);
	(v2sf) =	vpush v0, $0xD  }
0x1e3: {  	s15 =	spop (v2sf);
	(v2sf) =	vpush v60, $0xD  }
0x1e4: {  	s3 =	sadd.f32 s3, s8;
	s28 =	spop (v2sf);
	(v2sf) =	vpush v0, $0xE  }
0x1e5: {  	s16 =	spop (v2sf);
	(v2sf) =	vpush v60, $0xE  }
0x1e6: {  	s3 =	sadd.f32 s3, s10;
	s29 =	spop (v2sf);
	(v2sf) =	vpush v0, $0xF  }
0x1e7: {  	s17 =	spop (v2sf);
	(v2sf) =	vpush v60, $0xF  }
0x1e8: {  	s3 =	sadd.f32 s3, s12;
	s30 =	spop (v2sf)  }
0x1e9: {  	s4 =	sadd.s32 s25, s23;
	s31 =	spop (v2sf)  }
0x1ea: {  	s4 =	sadd.s32 s9, s4;
	s3 =	sadd.f32 s3, s14;
	s14 =	spop (v2sf)  }
0x1eb: {  	s4 =	sadd.s32 s11, s4;
	s18 =	spop (v2sf)  }
0x1ec: {  	s4 =	sadd.s32 s13, s4;
	s3 =	sadd.f32 s3, s15;
	s19 =	spop (v2sf)  }
0x1ed: {  	s4 =	sadd.s32 s26, s4;
	s20 =	spop (v2sf)  }
0x1ee: {  	s4 =	sadd.s32 s28, s4;
	s3 =	sadd.f32 s3, s16;
	s21 =	spop (v2sf)  }
0x1ef: {  	s4 =	sadd.s32 s29, s4;
	s22 =	spop (v2sf)  }
0x1f0: {  	s3 =	sadd.f32 s3, s17;
	s4 =	sadd.s32 s30, s4;
	s23 =	spop (v2sf)  }
0x1f1: {  	s4 =	sadd.s32 s14, s4;
	s24 =	spop (v2sf)  }
0x1f2: {  	s3 =	sadd.f32 s3, s31;
	s4 =	sadd.s32 s19, s4;
	s25 =	spop (v2sf)  }
0x1f3: {  	s4 =	sadd.s32 s21, s4;
	s26 =	spop (v2sf)  }
0x1f4: {  	s3 =	sadd.f32 s3, s18;
	s4 =	sadd.s32 s23, s4;
	s28 =	spop (v2sf)  }
0x1f5: {  	s4 =	sadd.s32 s25, s4;
	s29 =	spop (v2sf)  }
0x1f6: {  	s3 =	sadd.f32 s3, s20;
	s4 =	sadd.s32 s28, s4;
	s30 =	spop (v2sf)  }
0x1f7: {  	s4 =	sadd.s32 s30, s4  }
0x1f8: {  	s3 =	sadd.f32 s3, s22;
	s4 =	scvt.s32.f32 s4  }
0x1f9: {  	_ = 	snop  }
0x1fa: {  	s3 =	sadd.f32 s3, s24;
	v61 =	vmov s4  }
0x1fb: {  	(erf) = vrcp.f32 v61  }
0x1fc: {  	s3 =	sadd.f32 s3, s26;
	_ =	sdelay $0x1  }
0x1fd: {  	s3 =	sadd.f32 s3, s29;
	_ =	sdelay $0x1  }
0x1fe: {  	v62 =	vmov s3  }
0x1ff: {  	v0 =	vsub.f32 $0.0e+00, v62;
	_ =	sdelay $0x1  }
0x200: {  	v0 =	vbroadcast v0, $0x0  }
0x201: {  	v63 =	vpop (erf)  }
0x202: {  	v0 =	vmul.f32 v63, v0;
	_ =	sdelay $0x1  }
0x203: {  	s31 =	simm.s32 $0xA080;
	[tilespmem:$0xA080] =	vst v0  }
0x204: {  	[hbm4b:s1+s2] =	stream.linear.scatter [tilespmem:s31], [sflag:$0x2], $0x80, $0x38;
	[tilespmem:$0xA100] =	vst v63  }
0x205: {  	_ =	swait.ge [sflag:s5], $0x80  }
0x206: {  	[sflag:s5] =	ssyncset.done $0x0  }
0x207: {  	[sflag:s5] =	ssyncadd.s32 $0xFFFFFF80  }
0x208: {  	_ =	sfence.sel $0x180000  }
0x209: {  	[bflag:$0x0] =	sbarrier.arrive $0xFFFF  }
0x20a: {  	_ =	strace $0x90000047  }
0x20b: {  	s0 =	sadd.s32 $0x100000, s0;
	[bflag:$0x2] =	sbarrier.arrive $0xFFFF  }
0x20c: {  	[sflag:s0] =	ssyncadd.tile.s32 $0x1;
	_ =	shalt  }
.Lfunc_end2:
_tile_overlayer_lowered:
.L_overlay_start_2:
0x20d: {  	(tag) =	ssettag $0x2  }
0x20e: {  	s0 =	rddreg [dreg:$0x0];
	s2 =	stileid.u32  }
0x20f: {  	s1 =	rddreg [dreg:$0x1];
	p0 =	sne.s32 s2, $0x0  }
0x210: {  	s3 =	rddreg [dreg:$0x2];
	[bflag:$0x3] =	sbarrier.arrive $0xFFFF;
	s2 =	simm.s32 @!p0 $0x1C02  }
0x211: {  	[timem:s3], [sflag:s2] =	dma.local @!p0 [hbm:s0], s1  }
0x212: {  	s0 =	simm.s32 @!p0 $0x2  }
0x213: {  	_ =	swait.ge @!p0 [sflag:s0], s1  }
0x214: {  	s1 =	ssub.s32 @!p0 $0x0, s1;
	[sflag:s0] =	ssyncset.done @!p0 $0x0  }
0x215: {  	[sflag:s0] =	ssyncadd.s32 @!p0 s1  }
0x216: {  	[bflag:$0x3] =	sbarrier.arrive $0xFFFF  }
0x217: {  	_ =	shalt  }

</sc_bundles>
